<compile_context>
chip_gen: v7x
topology: tpu7x:2x2x1
jax: 0.10.2.dev20260603
libtpu: 0.0.44.dev20260713+nightly
codegen_flags: <defaults>
</compile_context>

<pallas_src>
import functools

import jax
import jax.numpy as jnp
from jax import lax
from jax.experimental import pallas as pl
from jax.experimental.pallas import tpu as pltpu
from jax.experimental.pallas import tpu_sc as plsc

H = 512
P = H * H
N = 65536
NC, NS, L = 2, 16, 16
NW = NC * NS
CHUNK = N // NW
NV = CHUNK // L
NB = 256
NSC = 6
HISTW = NSC * NB
SEG = P // NS
GS = 2
RB = H // GS
BLK = RB * H


def _dn255(x):
    return jnp.clip((x + 1.0) / 2.0, 0.0, 1.0) * 255.0


def _tc_prep(i0, i1, i2, f0, f1, f2, t0, t1, t2, ms, mt,
             im0_o, im1_o, im2_o, rm0_o, rm1_o, rm2_o, btp_o, zer_o,
             s1_ref):
    r = pl.program_id(0)
    msv = ms[...]
    mtv = mt[...]
    part = jnp.zeros((1, 1), jnp.float32)
    bt = None
    for c, (inp, rf, tg, im_o, rm_o) in enumerate([
            (i0, f0, t0, im0_o, rm0_o),
            (i1, f1, t1, im1_o, rm1_o),
            (i2, f2, t2, im2_o, rm2_o)]):
        im = _dn255(inp[...]) * msv
        rm = _dn255(rf[...]) * msv
        tm = _dn255(tg[...]) * mtv
        im_o[...] = im.reshape(BLK)
        rm_o[...] = rm.reshape(BLK)
        btc = jnp.clip(tm, 0.0, 255.0).astype(jnp.int32)
        bt = btc if c == 0 else bt | (btc << (8 * c))
        part = part + jnp.sum(jnp.abs(im - rm)).reshape(1, 1)
    btp_o[...] = bt.reshape(BLK)
    zer_o[...] = jnp.zeros((BLK,), jnp.int32)

    @pl.when(r == 0)
    def _():
        s1_ref[...] = part

    @pl.when(r > 0)
    def _():
        s1_ref[...] += part


def _sc_gather_hist(rm0, rm1, rm2, btp, zer, idx4,
                    hist_out, cnt0_out, cnt1_out, lin_out, rmk_out,
                    idxr_v, idxt_v, tmp_v, g_v, bt_v,
                    hist16_v, histred_v, ones_v, cbuf_v,
                    rm0_sh, rm1_sh, rm2_sh, counts_sh, sem, sem2):
    cid = lax.axis_index("c")
    sid = lax.axis_index("s")
    wid = sid * NC + cid
    base = wid * CHUNK

    sl_st = pl.ds(sid * SEG, SEG)
    stages = [pltpu.async_copy(rm0.at[sl_st], rm0_sh.at[sl_st], sem),
              pltpu.async_copy(rm1.at[sl_st], rm1_sh.at[sl_st], sem),
              pltpu.async_copy(rm2.at[sl_st], rm2_sh.at[sl_st], sem),
              pltpu.async_copy(zer.at[sl_st], counts_sh.at[sl_st], sem)]

    pltpu.sync_copy(idx4.at[pl.ds(0 * N + base, CHUNK)], idxr_v)
    pltpu.sync_copy(idx4.at[pl.ds(1 * N + base, CHUNK)], tmp_v)

    def lstep(j, _):
        for u in range(8):
            sl = pl.ds(j * (8 * L) + u * L, L)
            idxr_v[sl] = idxr_v[sl] * H + tmp_v[sl]
        return 0
    lax.fori_loop(0, NV // 8, lstep, 0)

    pltpu.sync_copy(idx4.at[pl.ds(2 * N + base, CHUNK)], idxt_v)
    pltpu.sync_copy(idx4.at[pl.ds(3 * N + base, CHUNK)], tmp_v)

    def tstep(j, _):
        for u in range(8):
            sl = pl.ds(j * (8 * L) + u * L, L)
            idxt_v[sl] = idxt_v[sl] * H + tmp_v[sl]
        return 0
    lax.fori_loop(0, NV // 8, tstep, 0)

    dbt = pltpu.async_copy(btp.at[idxt_v], bt_v, sem2)

    zero16 = jnp.zeros((L,), jnp.int32)
    one16 = jnp.full((L,), 1, jnp.int32)

    def zstep(j, _):
        for u in range(8):
            hist16_v[pl.ds(j * (8 * L) + u * L, L)] = zero16
        return 0
    lax.fori_loop(0, (L * HISTW) // (8 * L), zstep, 0)

    def onstep(j, _):
        for u in range(8):
            ones_v[pl.ds(j * (8 * L) + u * L, L)] = one16
        return 0
    lax.fori_loop(0, NV // 8, onstep, 0)

    for st in stages:
        st.wait()
    plsc.subcore_barrier()
    pltpu.sync_copy(ones_v, counts_sh.at[idxr_v], add=True)
    pltpu.sync_copy(idxr_v, lin_out.at[pl.ds(base, CHUNK)])

    descs = [pltpu.async_copy(rm0_sh.at[idxr_v], g_v.at[pl.ds(0, CHUNK)],
                              sem),
             pltpu.async_copy(rm1_sh.at[idxr_v],
                              g_v.at[pl.ds(CHUNK, CHUNK)], sem),
             pltpu.async_copy(rm2_sh.at[idxr_v],
                              g_v.at[pl.ds(2 * CHUNK, CHUNK)], sem)]
    for d in descs:
        d.wait()
    dbt.wait()

    laneoff = lax.iota(jnp.int32, L) * HISTW

    def step(i, _):
        for u in range(2):
            off = i * (2 * L) + u * L
            btp16 = bt_v[pl.ds(off, L)]
            for c in range(3):
                rmv = g_v[pl.ds(c * CHUNK + off, L)]
                b_r = jnp.clip(rmv, 0.0, 255.0).astype(jnp.int32)
                b_t = (btp16 >> (8 * c)) & 255
                plsc.addupdate_scatter(hist16_v,
                                       [laneoff + (c * NB + b_r)], one16)
                plsc.addupdate_scatter(hist16_v,
                                       [laneoff + ((3 + c) * NB + b_t)],
                                       one16)
        return 0
    lax.fori_loop(0, NV // 2, step, 0)

    def rstep(j, _):
        acc = hist16_v[pl.ds(j * L, L)]
        for l in range(1, L):
            acc = acc + hist16_v[pl.ds(l * HISTW + j * L, L)]
        histred_v[pl.ds(j * L, L)] = acc
        return 0
    lax.fori_loop(0, HISTW // L, rstep, 0)

    dumps = [pltpu.async_copy(histred_v,
                              hist_out.at[pl.ds(wid * HISTW, HISTW)], sem)]
    for c in range(3):
        dumps.append(pltpu.async_copy(
            g_v.at[pl.ds(c * CHUNK, CHUNK)],
            rmk_out.at[pl.ds(c * N + base, CHUNK)], sem))
    for d in dumps:
        d.wait()

    plsc.subcore_barrier()
    pltpu.sync_copy(counts_sh.at[sl_st], cbuf_v)

    @pl.when(cid == 0)
    def _():
        pltpu.sync_copy(cbuf_v, cnt0_out.at[sl_st])

    @pl.when(cid == 1)
    def _():
        pltpu.sync_copy(cbuf_v, cnt1_out.at[sl_st])


def _tc_tables(hist_ref, tab_ref):
    acc = hist_ref[pl.ds(0, HISTW)]
    for w in range(1, NW):
        acc = acc + hist_ref[pl.ds(w * HISTW, HISTW)]
    hist6 = acc.reshape(NSC, NB).astype(jnp.float32)
    row = lax.broadcasted_iota(jnp.int32, (NB, NB), 0)
    col = lax.broadcasted_iota(jnp.int32, (NB, NB), 1)
    tri = (row <= col).astype(jnp.float32)
    cdf = jax.lax.dot(hist6, tri,
                      preferred_element_type=jnp.float32) * (1.0 / N)
    ii1 = lax.broadcasted_iota(jnp.int32, (NB,), 0).astype(jnp.float32)
    for c in range(3):
        rcdf = cdf[c]
        acdf = cdf[3 + c]
        cmp = (acdf[None, :] < rcdf[:, None]).astype(jnp.float32)
        t = jnp.sum(cmp, axis=1)
        tab = jnp.where(t >= 1.0, t,
                        jnp.where(rcdf >= acdf[0], 1.0, ii1))
        tab = jnp.where(ii1 == 0.0, 0.0,
                        jnp.where(ii1 == 255.0, 255.0, tab))
        tab_ref[pl.ds(c * NB, NB)] = tab


def _sc_correction(tab, cnt0, cnt1, lin_r, rmk, im0, im1, im2,
                   cpart_out,
                   idxr_v, c0_v, c1_v, tab_v, img_v, rmb_v, acc_v,
                   im0_sh, im1_sh, im2_sh, sem, sem2):
    cid = lax.axis_index("c")
    sid = lax.axis_index("s")
    wid = sid * NC + cid
    base = wid * CHUNK

    sl_st = pl.ds(sid * SEG, SEG)
    stages = [pltpu.async_copy(im0.at[sl_st], im0_sh.at[sl_st], sem),
              pltpu.async_copy(im1.at[sl_st], im1_sh.at[sl_st], sem),
              pltpu.async_copy(im2.at[sl_st], im2_sh.at[sl_st], sem)]

    pltpu.sync_copy(lin_r.at[pl.ds(base, CHUNK)], idxr_v)
    dc0 = pltpu.async_copy(cnt0.at[idxr_v], c0_v, sem2)
    dc1 = pltpu.async_copy(cnt1.at[idxr_v], c1_v, sem2)
    pltpu.sync_copy(tab, tab_v)
    for c in range(3):
        pltpu.sync_copy(rmk.at[pl.ds(c * N + base, CHUNK)],
                        rmb_v.at[pl.ds(c * CHUNK, CHUNK)])
    for st in stages:
        st.wait()
    plsc.subcore_barrier()

    descs = [pltpu.async_copy(im0_sh.at[idxr_v], img_v.at[pl.ds(0, CHUNK)],
                              sem),
             pltpu.async_copy(im1_sh.at[idxr_v],
                              img_v.at[pl.ds(CHUNK, CHUNK)], sem),
             pltpu.async_copy(im2_sh.at[idxr_v],
                              img_v.at[pl.ds(2 * CHUNK, CHUNK)], sem)]
    for d in descs:
        d.wait()
    dc0.wait()
    dc1.wait()

    one = jnp.full((L,), 1.0, jnp.float32)

    def step(i, acc):
        for u in range(2):
            off = i * (2 * L) + u * L
            cnt = c0_v[pl.ds(off, L)] + c1_v[pl.ds(off, L)]
            invv = one / cnt.astype(jnp.float32)
            for c in range(3):
                rmv = rmb_v[pl.ds(c * CHUNK + off, L)]
                imv = img_v[pl.ds(c * CHUNK + off, L)]
                b = jnp.clip(rmv, 0.0, 255.0).astype(jnp.int32)
                v = plsc.load_gather(tab_v, [b + (c * NB)])
                dlt = jnp.abs(imv - v) - jnp.abs(imv - rmv)
                acc = acc + dlt * invv
        return acc
    acc = lax.fori_loop(0, NV // 2, step, jnp.zeros((L,), jnp.float32))
    acc_v[...] = acc
    pltpu.sync_copy(acc_v, cpart_out.at[pl.ds(wid * L, L)])


def _tc_finish(s1_ref, cpart_ref, out_ref):
    tot = s1_ref[...] + jnp.sum(cpart_ref[...]).reshape(1, 1)
    out_ref[...] = tot * (1.0 / (3.0 * P))


def kernel(input_data, target_data, mask_src, mask_tar, index, ref):
    inp2 = input_data.reshape(3 * H, H)
    tgt2 = target_data.reshape(3 * H, H)
    rf2 = ref.reshape(3 * H, H)
    ms2 = mask_src.reshape(H, H)
    mt2 = mask_tar.reshape(H, H)
    idx4 = index.reshape(4 * N).astype(jnp.int32)

    def chspec(c):
        return pl.BlockSpec((RB, H), lambda r, c=c: (c * GS + r, 0))

    prep_out = pl.pallas_call(
        _tc_prep,
        grid=(GS,),
        in_specs=[chspec(0), chspec(1), chspec(2),
                  chspec(0), chspec(1), chspec(2),
                  chspec(0), chspec(1), chspec(2),
                  pl.BlockSpec((RB, H), lambda r: (r, 0)),
                  pl.BlockSpec((RB, H), lambda r: (r, 0))],
        out_specs=[pl.BlockSpec((BLK,), lambda r: (r,))] * 8
        + [pl.BlockSpec((1, 1), lambda r: (0, 0))],
        out_shape=[jax.ShapeDtypeStruct((P,), jnp.float32)] * 6
        + [jax.ShapeDtypeStruct((P,), jnp.int32),
           jax.ShapeDtypeStruct((P,), jnp.int32),
           jax.ShapeDtypeStruct((1, 1), jnp.float32)],
    )(inp2, inp2, inp2, rf2, rf2, rf2, tgt2, tgt2, tgt2, ms2, mt2)
    im0, im1, im2, rm0, rm1, rm2, btp, zer, s1 = prep_out

    mesh = plsc.VectorSubcoreMesh(core_axis_name="c", subcore_axis_name="s",
                                  num_cores=NC, num_subcores=NS)
    sc_params = pltpu.CompilerParams(needs_layout_passes=False)

    k1 = pl.kernel(
        _sc_gather_hist,
        out_type=(
            jax.ShapeDtypeStruct((NW * HISTW,), jnp.int32),
            jax.ShapeDtypeStruct((P,), jnp.int32),
            jax.ShapeDtypeStruct((P,), jnp.int32),
            jax.ShapeDtypeStruct((N,), jnp.int32),
            jax.ShapeDtypeStruct((3 * N,), jnp.float32),
        ),
        mesh=mesh,
        compiler_params=sc_params,
        scratch_types=[
            pltpu.VMEM((CHUNK,), jnp.int32),
            pltpu.VMEM((CHUNK,), jnp.int32),
            pltpu.VMEM((CHUNK,), jnp.int32),
            pltpu.VMEM((3 * CHUNK,), jnp.float32),
            pltpu.VMEM((CHUNK,), jnp.int32),
            pltpu.VMEM((L * HISTW,), jnp.int32),
            pltpu.VMEM((HISTW,), jnp.int32),
            pltpu.VMEM((CHUNK,), jnp.int32),
            pltpu.VMEM((SEG,), jnp.int32),
            pltpu.VMEM_SHARED((P,), jnp.float32),
            pltpu.VMEM_SHARED((P,), jnp.float32),
            pltpu.VMEM_SHARED((P,), jnp.float32),
            pltpu.VMEM_SHARED((P,), jnp.int32),
            pltpu.SemaphoreType.DMA,
            pltpu.SemaphoreType.DMA,
        ],
    )
    hist, cnt0, cnt1, lin, rmk = k1(rm0, rm1, rm2, btp, zer, idx4)

    tab = pl.pallas_call(
        _tc_tables,
        in_specs=[pl.BlockSpec((NW * HISTW,), lambda: (0,))],
        out_specs=pl.BlockSpec((3 * NB,), lambda: (0,)),
        out_shape=jax.ShapeDtypeStruct((3 * NB,), jnp.float32),
    )(hist)

    k3 = pl.kernel(
        _sc_correction,
        out_type=jax.ShapeDtypeStruct((NW * L,), jnp.float32),
        mesh=mesh,
        compiler_params=sc_params,
        scratch_types=[
            pltpu.VMEM((CHUNK,), jnp.int32),
            pltpu.VMEM((CHUNK,), jnp.int32),
            pltpu.VMEM((CHUNK,), jnp.int32),
            pltpu.VMEM((3 * NB,), jnp.float32),
            pltpu.VMEM((3 * CHUNK,), jnp.float32),
            pltpu.VMEM((3 * CHUNK,), jnp.float32),
            pltpu.VMEM((L,), jnp.float32),
            pltpu.VMEM_SHARED((P,), jnp.float32),
            pltpu.VMEM_SHARED((P,), jnp.float32),
            pltpu.VMEM_SHARED((P,), jnp.float32),
            pltpu.SemaphoreType.DMA,
            pltpu.SemaphoreType.DMA,
        ],
    )
    cpart = k3(tab, cnt0, cnt1, lin, rmk, im0, im1, im2)

    loss = pl.pallas_call(
        _tc_finish,
        in_specs=[
            pl.BlockSpec((1, 1), lambda: (0, 0)),
            pl.BlockSpec((NW * L,), lambda: (0,)),
        ],
        out_specs=pl.BlockSpec((1, 1), lambda: (0, 0)),
        out_shape=jax.ShapeDtypeStruct((1, 1), jnp.float32),
    )(s1, cpart)

    return loss.reshape(())

# --- scband reference (transcript-rebuilt; emitter-appended) ---
"""Pipeline reference for scband-histogram-loss-59992103191174 (READ-ONLY COPY).

The authoritative reference and input builder live on the scoring server;
editing this copy changes nothing except your own understanding.
"""

import jax, jax.numpy as jnp
import numpy as np

H = 512
NPIX = 65536

def setup_inputs(seed: int = 0) -> dict:
    key = jax.random.key(seed)
    k1, k2, k3, k4, k5, k6 = jax.random.split(key, 6)
    return {
        "input_data": jax.random.uniform(k1, (1, 3, H, H), dtype=jnp.float32),
        "target_data": jax.random.uniform(k2, (1, 3, H, H), dtype=jnp.float32),
        "mask_src": jax.random.uniform(k3, (1, 1, H, H), dtype=jnp.float32),
        "mask_tar": jax.random.uniform(k4, (1, 1, H, H), dtype=jnp.float32),
        "index": jax.random.randint(k5, (4, 1, NPIX), 0, H),
        "ref": jax.random.uniform(k6, (1, 3, H, H), dtype=jnp.float32),
    }

def _de_norm(x):
    return jnp.clip((x + 1.0) / 2.0, 0.0, 1.0)

def _cal_cdf(channel):
    hist, _ = jnp.histogram(channel, bins=256, range=(0.0, 256.0))
    pdf = hist / hist.sum()
    return jnp.cumsum(pdf)

def _cal_trans(ref_cdf, adj_cdf):
    # table[i] = first j in [1,255] with adj[j-1] <= ref[i] <= adj[j]; else i. table[255]=255, table[0]=0.
    ri = ref_cdf[:, None]
    cond = (ri >= adj_cdf[None, :-1]) & (ri <= adj_cdf[None, 1:])
    found = cond.any(axis=1)
    j_first = jnp.argmax(cond, axis=1) + 1
    table = jnp.where(found, j_first, jnp.arange(256))
    table = table.at[0].set(0).at[255].set(255)
    return table

def reference(input_data, target_data, mask_src, mask_tar, index, ref):
    inp = (_de_norm(input_data) * 255.0).squeeze()
    tgt = (_de_norm(target_data) * 255.0).squeeze()
    rf = (_de_norm(ref) * 255.0).squeeze()
    Hh = mask_src.shape[2]
    m_s = jnp.broadcast_to(mask_src, (1, 3, Hh, Hh)).squeeze()
    m_t = jnp.broadcast_to(mask_tar, (1, 3, Hh, Hh)).squeeze()
    input_masked = inp * m_s
    target_masked = tgt * m_t
    ref_masked = rf * m_s
    i0 = index[0, 0]
    i1 = index[1, 0]
    i2 = index[2, 0]
    i3 = index[3, 0]
    dst_align = ref_masked[:, i0, i1]
    ref_align = target_masked[:, i2, i3]
    dstImg = ref_masked
    for c in range(3):
        table = _cal_trans(_cal_cdf(dst_align[c]), _cal_cdf(ref_align[c]))
        ints = jnp.clip(dst_align[c], 0.0, 255.0).astype(jnp.int32)
        vals = jnp.take(table, ints).astype(dstImg.dtype)
        dstImg = dstImg.at[c, i0, i1].set(vals)
    input_match = jax.lax.stop_gradient(dstImg)
    loss = jnp.mean(jnp.abs(input_masked - input_match))
    return loss

if __name__ == "__main__":
    import jax
    _d = setup_inputs()
    print(jax.jit(kernel)(*tuple(_d.values())))

</pallas_src>

<mosaic_0001>
#map = affine_map<(d0, d1) -> (0)>
module attributes {stable_mosaic.version = 14 : i64} {
  func.func @_sc_gather_hist(%arg0: i32, %arg1: i32, %arg2: memref<262144xf32, #tpu.memory_space<hbm>>, %arg3: memref<262144xf32, #tpu.memory_space<hbm>>, %arg4: memref<262144xf32, #tpu.memory_space<hbm>>, %arg5: memref<262144xi32, #tpu.memory_space<hbm>>, %arg6: memref<262144xi32, #tpu.memory_space<hbm>>, %arg7: memref<262144xi32, #tpu.memory_space<hbm>>, %arg8: memref<49152xi32, #tpu.memory_space<hbm>>, %arg9: memref<262144xi32, #tpu.memory_space<hbm>>, %arg10: memref<262144xi32, #tpu.memory_space<hbm>>, %arg11: memref<65536xi32, #tpu.memory_space<hbm>>, %arg12: memref<196608xf32, #tpu.memory_space<hbm>>, %arg13: memref<2048xi32, #tpu.memory_space<vmem>>, %arg14: memref<2048xi32, #tpu.memory_space<vmem>>, %arg15: memref<2048xi32, #tpu.memory_space<vmem>>, %arg16: memref<6144xf32, #tpu.memory_space<vmem>>, %arg17: memref<2048xi32, #tpu.memory_space<vmem>>, %arg18: memref<24576xi32, #tpu.memory_space<vmem>>, %arg19: memref<1536xi32, #tpu.memory_space<vmem>>, %arg20: memref<2048xi32, #tpu.memory_space<vmem>>, %arg21: memref<16384xi32, #tpu.memory_space<vmem>>, %arg22: memref<262144xf32, #tpu.memory_space<vmem_shared>>, %arg23: memref<262144xf32, #tpu.memory_space<vmem_shared>>, %arg24: memref<262144xf32, #tpu.memory_space<vmem_shared>>, %arg25: memref<262144xi32, #tpu.memory_space<vmem_shared>>, %arg26: memref<!tpu.dma_semaphore, #tpu.memory_space<semaphore_mem>>, %arg27: memref<!tpu.dma_semaphore, #tpu.memory_space<semaphore_mem>>) attributes {dimension_semantics = [#tpu.dimension_semantics<core_parallel>, #tpu.dimension_semantics<subcore_parallel>], iteration_bounds = array<i64: 2, 16>, scalar_prefetch = 0 : i64, scratch_operands = 15 : i64, tpu.core_type = #tpu.core_type<sc_vector_subcore>, window_params = [{transform_indices = #map}, {transform_indices = #map}, {transform_indices = #map}, {transform_indices = #map}, {transform_indices = #map}, {transform_indices = #map}, {transform_indices = #map}, {transform_indices = #map}, {transform_indices = #map}, {transform_indices = #map}, {transform_indices = #map}]} {
    %mul3A = arith.constant 2 : i32
    %mul3A_0 = arith.muli %arg1, %mul3A : i32
    %add3A = arith.addi %mul3A_0, %arg0 : i32
    %mul3A_1 = arith.constant 2048 : i32
    %mul3A_2 = arith.muli %add3A, %mul3A_1 : i32
    %mul3A_3 = arith.constant 16384 : i32
    %mul3A_4 = arith.muli %arg1, %mul3A_3 : i32
    %dma_start3A = tpu.memref_slice %arg22[%mul3A_4] : memref<262144xf32, #tpu.memory_space<vmem_shared>> -> memref<16384xf32, #tpu.memory_space<vmem_shared>>
    %dma_start3A_5 = tpu.memref_slice %arg2[%mul3A_4] : memref<262144xf32, #tpu.memory_space<hbm>> -> memref<16384xf32, #tpu.memory_space<hbm>>
    tpu.enqueue_dma source(%dma_start3A_5 : memref<16384xf32, #tpu.memory_space<hbm>>) target(%dma_start3A : memref<16384xf32, #tpu.memory_space<vmem_shared>>) target_semaphore(%arg26 : memref<!tpu.dma_semaphore, #tpu.memory_space<semaphore_mem>>)
    %dma_start3A_6 = tpu.memref_slice %arg23[%mul3A_4] : memref<262144xf32, #tpu.memory_space<vmem_shared>> -> memref<16384xf32, #tpu.memory_space<vmem_shared>>
    %dma_start3A_7 = tpu.memref_slice %arg3[%mul3A_4] : memref<262144xf32, #tpu.memory_space<hbm>> -> memref<16384xf32, #tpu.memory_space<hbm>>
    tpu.enqueue_dma source(%dma_start3A_7 : memref<16384xf32, #tpu.memory_space<hbm>>) target(%dma_start3A_6 : memref<16384xf32, #tpu.memory_space<vmem_shared>>) target_semaphore(%arg26 : memref<!tpu.dma_semaphore, #tpu.memory_space<semaphore_mem>>)
    %dma_start3A_8 = tpu.memref_slice %arg24[%mul3A_4] : memref<262144xf32, #tpu.memory_space<vmem_shared>> -> memref<16384xf32, #tpu.memory_space<vmem_shared>>
    %dma_start3A_9 = tpu.memref_slice %arg4[%mul3A_4] : memref<262144xf32, #tpu.memory_space<hbm>> -> memref<16384xf32, #tpu.memory_space<hbm>>
    tpu.enqueue_dma source(%dma_start3A_9 : memref<16384xf32, #tpu.memory_space<hbm>>) target(%dma_start3A_8 : memref<16384xf32, #tpu.memory_space<vmem_shared>>) target_semaphore(%arg26 : memref<!tpu.dma_semaphore, #tpu.memory_space<semaphore_mem>>)
    %dma_start3A_10 = tpu.memref_slice %arg25[%mul3A_4] : memref<262144xi32, #tpu.memory_space<vmem_shared>> -> memref<16384xi32, #tpu.memory_space<vmem_shared>>
    %dma_start3A_11 = tpu.memref_slice %arg6[%mul3A_4] : memref<262144xi32, #tpu.memory_space<hbm>> -> memref<16384xi32, #tpu.memory_space<hbm>>
    tpu.enqueue_dma source(%dma_start3A_11 : memref<16384xi32, #tpu.memory_space<hbm>>) target(%dma_start3A_10 : memref<16384xi32, #tpu.memory_space<vmem_shared>>) target_semaphore(%arg26 : memref<!tpu.dma_semaphore, #tpu.memory_space<semaphore_mem>>)
    %add3A_12 = arith.constant 0 : i32
    %add3A_13 = arith.addi %add3A_12, %mul3A_2 : i32
    "tpu.region"() ({
      %run_scoped3A = tpu.sem_alloc : memref<!tpu.dma_semaphore, #tpu.memory_space<semaphore_mem>>
      %dma_start3A_158 = tpu.memref_slice %arg7[%add3A_13] : memref<262144xi32, #tpu.memory_space<hbm>> -> memref<2048xi32, #tpu.memory_space<hbm>>
      %dma_start3A_159 = tpu.memref_slice %arg7[%add3A_13] : memref<262144xi32, #tpu.memory_space<hbm>> -> memref<2048xi32, #tpu.memory_space<hbm>>
      tpu.enqueue_dma source(%dma_start3A_159 : memref<2048xi32, #tpu.memory_space<hbm>>) target(%arg13 : memref<2048xi32, #tpu.memory_space<vmem>>) target_semaphore(%run_scoped3A : memref<!tpu.dma_semaphore, #tpu.memory_space<semaphore_mem>>)
      %dma_wait3A_160 = tpu.memref_slice %arg7[%add3A_13] : memref<262144xi32, #tpu.memory_space<hbm>> -> memref<2048xi32, #tpu.memory_space<hbm>>
      %dma_wait3A_161 = tpu.memref_slice %arg7[%add3A_13] : memref<262144xi32, #tpu.memory_space<hbm>> -> memref<2048xi32, #tpu.memory_space<hbm>>
      tpu.wait_dma2 semaphore(%run_scoped3A : memref<!tpu.dma_semaphore, #tpu.memory_space<semaphore_mem>>) src(%dma_wait3A_161 : memref<2048xi32, #tpu.memory_space<hbm>>) dst(%arg13 : memref<2048xi32, #tpu.memory_space<vmem>>)
      tpu.yield
    }) : () -> ()
    %add3A_14 = arith.constant 65536 : i32
    %add3A_15 = arith.addi %add3A_14, %mul3A_2 : i32
    "tpu.region"() ({
      %run_scoped3A = tpu.sem_alloc : memref<!tpu.dma_semaphore, #tpu.memory_space<semaphore_mem>>
      %dma_start3A_158 = tpu.memref_slice %arg7[%add3A_15] : memref<262144xi32, #tpu.memory_space<hbm>> -> memref<2048xi32, #tpu.memory_space<hbm>>
      %dma_start3A_159 = tpu.memref_slice %arg7[%add3A_15] : memref<262144xi32, #tpu.memory_space<hbm>> -> memref<2048xi32, #tpu.memory_space<hbm>>
      tpu.enqueue_dma source(%dma_start3A_159 : memref<2048xi32, #tpu.memory_space<hbm>>) target(%arg15 : memref<2048xi32, #tpu.memory_space<vmem>>) target_semaphore(%run_scoped3A : memref<!tpu.dma_semaphore, #tpu.memory_space<semaphore_mem>>)
      %dma_wait3A_160 = tpu.memref_slice %arg7[%add3A_15] : memref<262144xi32, #tpu.memory_space<hbm>> -> memref<2048xi32, #tpu.memory_space<hbm>>
      %dma_wait3A_161 = tpu.memref_slice %arg7[%add3A_15] : memref<262144xi32, #tpu.memory_space<hbm>> -> memref<2048xi32, #tpu.memory_space<hbm>>
      tpu.wait_dma2 semaphore(%run_scoped3A : memref<!tpu.dma_semaphore, #tpu.memory_space<semaphore_mem>>) src(%dma_wait3A_161 : memref<2048xi32, #tpu.memory_space<hbm>>) dst(%arg15 : memref<2048xi32, #tpu.memory_space<vmem>>)
      tpu.yield
    }) : () -> ()
    %scan3A = arith.constant 0 : i32
    %scan3A_16 = arith.constant 0 : i32
    %scan3A_17 = arith.constant 16 : i32
    %scan3A_18 = arith.addi %scan3A_16, %scan3A_17 : i32
    %scan3A_19 = arith.constant 1 : i32
    %scan3A_20 = scf.for %scan3A_158 = %scan3A_16 to %scan3A_18 step %scan3A_19 iter_args(%scan3A_159 = %scan3A) -> (i32)  : i32 {
      %mul3A_160 = arith.constant 128 : i32
      %mul3A_161 = arith.muli %scan3A_158, %mul3A_160 : i32
      %add3A_162 = arith.constant 0 : i32
      %add3A_163 = arith.addi %mul3A_161, %add3A_162 : i32
      %get3A = arith.index_cast %add3A_163 : i32 to index
      %get3A_164 = tpu.vector_load %arg13[%get3A] {strides = array<i32>} : memref<2048xi32, #tpu.memory_space<vmem>>, vector<16xi32>,
      %mul3A_165 = arith.constant 512 : i32
      %mul3A_166 = vector.broadcast %mul3A_165 : i32 to vector<16xi32>
      %mul3A_167 = arith.muli %get3A_164, %mul3A_166 : vector<16xi32>
      %get3A_168 = arith.index_cast %add3A_163 : i32 to index
      %get3A_169 = tpu.vector_load %arg15[%get3A_168] {strides = array<i32>} : memref<2048xi32, #tpu.memory_space<vmem>>, vector<16xi32>,
      %add3A_170 = arith.addi %mul3A_167, %get3A_169 : vector<16xi32>
      %swap3A = arith.index_cast %add3A_163 : i32 to index
      %swap3A_171 = tpu.vector_load %arg13[%swap3A] {strides = array<i32>} : memref<2048xi32, #tpu.memory_space<vmem>>, vector<16xi32>,
      tpu.vector_store %arg13[%swap3A], %add3A_170 {strides = array<i32>} : memref<2048xi32, #tpu.memory_space<vmem>>, vector<16xi32>,
      %mul3A_172 = arith.constant 128 : i32
      %mul3A_173 = arith.muli %scan3A_158, %mul3A_172 : i32
      %add3A_174 = arith.constant 16 : i32
      %add3A_175 = arith.addi %mul3A_173, %add3A_174 : i32
      %get3A_176 = arith.index_cast %add3A_175 : i32 to index
      %get3A_177 = tpu.vector_load %arg13[%get3A_176] {strides = array<i32>} : memref<2048xi32, #tpu.memory_space<vmem>>, vector<16xi32>,
      %mul3A_178 = arith.constant 512 : i32
      %mul3A_179 = vector.broadcast %mul3A_178 : i32 to vector<16xi32>
      %mul3A_180 = arith.muli %get3A_177, %mul3A_179 : vector<16xi32>
      %get3A_181 = arith.index_cast %add3A_175 : i32 to index
      %get3A_182 = tpu.vector_load %arg15[%get3A_181] {strides = array<i32>} : memref<2048xi32, #tpu.memory_space<vmem>>, vector<16xi32>,
      %add3A_183 = arith.addi %mul3A_180, %get3A_182 : vector<16xi32>
      %swap3A_184 = arith.index_cast %add3A_175 : i32 to index
      %swap3A_185 = tpu.vector_load %arg13[%swap3A_184] {strides = array<i32>} : memref<2048xi32, #tpu.memory_space<vmem>>, vector<16xi32>,
      tpu.vector_store %arg13[%swap3A_184], %add3A_183 {strides = array<i32>} : memref<2048xi32, #tpu.memory_space<vmem>>, vector<16xi32>,
      %mul3A_186 = arith.constant 128 : i32
      %mul3A_187 = arith.muli %scan3A_158, %mul3A_186 : i32
      %add3A_188 = arith.constant 32 : i32
      %add3A_189 = arith.addi %mul3A_187, %add3A_188 : i32
      %get3A_190 = arith.index_cast %add3A_189 : i32 to index
      %get3A_191 = tpu.vector_load %arg13[%get3A_190] {strides = array<i32>} : memref<2048xi32, #tpu.memory_space<vmem>>, vector<16xi32>,
      %mul3A_192 = arith.constant 512 : i32
      %mul3A_193 = vector.broadcast %mul3A_192 : i32 to vector<16xi32>
      %mul3A_194 = arith.muli %get3A_191, %mul3A_193 : vector<16xi32>
      %get3A_195 = arith.index_cast %add3A_189 : i32 to index
      %get3A_196 = tpu.vector_load %arg15[%get3A_195] {strides = array<i32>} : memref<2048xi32, #tpu.memory_space<vmem>>, vector<16xi32>,
      %add3A_197 = arith.addi %mul3A_194, %get3A_196 : vector<16xi32>
      %swap3A_198 = arith.index_cast %add3A_189 : i32 to index
      %swap3A_199 = tpu.vector_load %arg13[%swap3A_198] {strides = array<i32>} : memref<2048xi32, #tpu.memory_space<vmem>>, vector<16xi32>,
      tpu.vector_store %arg13[%swap3A_198], %add3A_197 {strides = array<i32>} : memref<2048xi32, #tpu.memory_space<vmem>>, vector<16xi32>,
      %mul3A_200 = arith.constant 128 : i32
      %mul3A_201 = arith.muli %scan3A_158, %mul3A_200 : i32
      %add3A_202 = arith.constant 48 : i32
      %add3A_203 = arith.addi %mul3A_201, %add3A_202 : i32
      %get3A_204 = arith.index_cast %add3A_203 : i32 to index
      %get3A_205 = tpu.vector_load %arg13[%get3A_204] {strides = array<i32>} : memref<2048xi32, #tpu.memory_space<vmem>>, vector<16xi32>,
      %mul3A_206 = arith.constant 512 : i32
      %mul3A_207 = vector.broadcast %mul3A_206 : i32 to vector<16xi32>
      %mul3A_208 = arith.muli %get3A_205, %mul3A_207 : vector<16xi32>
      %get3A_209 = arith.index_cast %add3A_203 : i32 to index
      %get3A_210 = tpu.vector_load %arg15[%get3A_209] {strides = array<i32>} : memref<2048xi32, #tpu.memory_space<vmem>>, vector<16xi32>,
      %add3A_211 = arith.addi %mul3A_208, %get3A_210 : vector<16xi32>
      %swap3A_212 = arith.index_cast %add3A_203 : i32 to index
      %swap3A_213 = tpu.vector_load %arg13[%swap3A_212] {strides = array<i32>} : memref<2048xi32, #tpu.memory_space<vmem>>, vector<16xi32>,
      tpu.vector_store %arg13[%swap3A_212], %add3A_211 {strides = array<i32>} : memref<2048xi32, #tpu.memory_space<vmem>>, vector<16xi32>,
      %mul3A_214 = arith.constant 128 : i32
      %mul3A_215 = arith.muli %scan3A_158, %mul3A_214 : i32
      %add3A_216 = arith.constant 64 : i32
      %add3A_217 = arith.addi %mul3A_215, %add3A_216 : i32
      %get3A_218 = arith.index_cast %add3A_217 : i32 to index
      %get3A_219 = tpu.vector_load %arg13[%get3A_218] {strides = array<i32>} : memref<2048xi32, #tpu.memory_space<vmem>>, vector<16xi32>,
      %mul3A_220 = arith.constant 512 : i32
      %mul3A_221 = vector.broadcast %mul3A_220 : i32 to vector<16xi32>
      %mul3A_222 = arith.muli %get3A_219, %mul3A_221 : vector<16xi32>
      %get3A_223 = arith.index_cast %add3A_217 : i32 to index
      %get3A_224 = tpu.vector_load %arg15[%get3A_223] {strides = array<i32>} : memref<2048xi32, #tpu.memory_space<vmem>>, vector<16xi32>,
      %add3A_225 = arith.addi %mul3A_222, %get3A_224 : vector<16xi32>
      %swap3A_226 = arith.index_cast %add3A_217 : i32 to index
      %swap3A_227 = tpu.vector_load %arg13[%swap3A_226] {strides = array<i32>} : memref<2048xi32, #tpu.memory_space<vmem>>, vector<16xi32>,
      tpu.vector_store %arg13[%swap3A_226], %add3A_225 {strides = array<i32>} : memref<2048xi32, #tpu.memory_space<vmem>>, vector<16xi32>,
      %mul3A_228 = arith.constant 128 : i32
      %mul3A_229 = arith.muli %scan3A_158, %mul3A_228 : i32
      %add3A_230 = arith.constant 80 : i32
      %add3A_231 = arith.addi %mul3A_229, %add3A_230 : i32
      %get3A_232 = arith.index_cast %add3A_231 : i32 to index
      %get3A_233 = tpu.vector_load %arg13[%get3A_232] {strides = array<i32>} : memref<2048xi32, #tpu.memory_space<vmem>>, vector<16xi32>,
      %mul3A_234 = arith.constant 512 : i32
      %mul3A_235 = vector.broadcast %mul3A_234 : i32 to vector<16xi32>
      %mul3A_236 = arith.muli %get3A_233, %mul3A_235 : vector<16xi32>
      %get3A_237 = arith.index_cast %add3A_231 : i32 to index
      %get3A_238 = tpu.vector_load %arg15[%get3A_237] {strides = array<i32>} : memref<2048xi32, #tpu.memory_space<vmem>>, vector<16xi32>,
      %add3A_239 = arith.addi %mul3A_236, %get3A_238 : vector<16xi32>
      %swap3A_240 = arith.index_cast %add3A_231 : i32 to index
      %swap3A_241 = tpu.vector_load %arg13[%swap3A_240] {strides = array<i32>} : memref<2048xi32, #tpu.memory_space<vmem>>, vector<16xi32>,
      tpu.vector_store %arg13[%swap3A_240], %add3A_239 {strides = array<i32>} : memref<2048xi32, #tpu.memory_space<vmem>>, vector<16xi32>,
      %mul3A_242 = arith.constant 128 : i32
      %mul3A_243 = arith.muli %scan3A_158, %mul3A_242 : i32
      %add3A_244 = arith.constant 96 : i32
      %add3A_245 = arith.addi %mul3A_243, %add3A_244 : i32
      %get3A_246 = arith.index_cast %add3A_245 : i32 to index
      %get3A_247 = tpu.vector_load %arg13[%get3A_246] {strides = array<i32>} : memref<2048xi32, #tpu.memory_space<vmem>>, vector<16xi32>,
      %mul3A_248 = arith.constant 512 : i32
      %mul3A_249 = vector.broadcast %mul3A_248 : i32 to vector<16xi32>
      %mul3A_250 = arith.muli %get3A_247, %mul3A_249 : vector<16xi32>
      %get3A_251 = arith.index_cast %add3A_245 : i32 to index
      %get3A_252 = tpu.vector_load %arg15[%get3A_251] {strides = array<i32>} : memref<2048xi32, #tpu.memory_space<vmem>>, vector<16xi32>,
      %add3A_253 = arith.addi %mul3A_250, %get3A_252 : vector<16xi32>
      %swap3A_254 = arith.index_cast %add3A_245 : i32 to index
      %swap3A_255 = tpu.vector_load %arg13[%swap3A_254] {strides = array<i32>} : memref<2048xi32, #tpu.memory_space<vmem>>, vector<16xi32>,
      tpu.vector_store %arg13[%swap3A_254], %add3A_253 {strides = array<i32>} : memref<2048xi32, #tpu.memory_space<vmem>>, vector<16xi32>,
      %mul3A_256 = arith.constant 128 : i32
      %mul3A_257 = arith.muli %scan3A_158, %mul3A_256 : i32
      %add3A_258 = arith.constant 112 : i32
      %add3A_259 = arith.addi %mul3A_257, %add3A_258 : i32
      %get3A_260 = arith.index_cast %add3A_259 : i32 to index
      %get3A_261 = tpu.vector_load %arg13[%get3A_260] {strides = array<i32>} : memref<2048xi32, #tpu.memory_space<vmem>>, vector<16xi32>,
      %mul3A_262 = arith.constant 512 : i32
      %mul3A_263 = vector.broadcast %mul3A_262 : i32 to vector<16xi32>
      %mul3A_264 = arith.muli %get3A_261, %mul3A_263 : vector<16xi32>
      %get3A_265 = arith.index_cast %add3A_259 : i32 to index
      %get3A_266 = tpu.vector_load %arg15[%get3A_265] {strides = array<i32>} : memref<2048xi32, #tpu.memory_space<vmem>>, vector<16xi32>,
      %add3A_267 = arith.addi %mul3A_264, %get3A_266 : vector<16xi32>
      %swap3A_268 = arith.index_cast %add3A_259 : i32 to index
      %swap3A_269 = tpu.vector_load %arg13[%swap3A_268] {strides = array<i32>} : memref<2048xi32, #tpu.memory_space<vmem>>, vector<16xi32>,
      tpu.vector_store %arg13[%swap3A_268], %add3A_267 {strides = array<i32>} : memref<2048xi32, #tpu.memory_space<vmem>>, vector<16xi32>,
      %scan3A_270 = arith.constant 0 : i32
      scf.yield %scan3A_270 : i32
    }
    %scan3A_21 = arith.constant 16 : i32
    %add3A_22 = arith.constant 131072 : i32
    %add3A_23 = arith.addi %add3A_22, %mul3A_2 : i32
    "tpu.region"() ({
      %run_scoped3A = tpu.sem_alloc : memref<!tpu.dma_semaphore, #tpu.memory_space<semaphore_mem>>
      %dma_start3A_158 = tpu.memref_slice %arg7[%add3A_23] : memref<262144xi32, #tpu.memory_space<hbm>> -> memref<2048xi32, #tpu.memory_space<hbm>>
      %dma_start3A_159 = tpu.memref_slice %arg7[%add3A_23] : memref<262144xi32, #tpu.memory_space<hbm>> -> memref<2048xi32, #tpu.memory_space<hbm>>
      tpu.enqueue_dma source(%dma_start3A_159 : memref<2048xi32, #tpu.memory_space<hbm>>) target(%arg14 : memref<2048xi32, #tpu.memory_space<vmem>>) target_semaphore(%run_scoped3A : memref<!tpu.dma_semaphore, #tpu.memory_space<semaphore_mem>>)
      %dma_wait3A_160 = tpu.memref_slice %arg7[%add3A_23] : memref<262144xi32, #tpu.memory_space<hbm>> -> memref<2048xi32, #tpu.memory_space<hbm>>
      %dma_wait3A_161 = tpu.memref_slice %arg7[%add3A_23] : memref<262144xi32, #tpu.memory_space<hbm>> -> memref<2048xi32, #tpu.memory_space<hbm>>
      tpu.wait_dma2 semaphore(%run_scoped3A : memref<!tpu.dma_semaphore, #tpu.memory_space<semaphore_mem>>) src(%dma_wait3A_161 : memref<2048xi32, #tpu.memory_space<hbm>>) dst(%arg14 : memref<2048xi32, #tpu.memory_space<vmem>>)
      tpu.yield
    }) : () -> ()
    %add3A_24 = arith.constant 196608 : i32
    %add3A_25 = arith.addi %add3A_24, %mul3A_2 : i32
    "tpu.region"() ({
      %run_scoped3A = tpu.sem_alloc : memref<!tpu.dma_semaphore, #tpu.memory_space<semaphore_mem>>
      %dma_start3A_158 = tpu.memref_slice %arg7[%add3A_25] : memref<262144xi32, #tpu.memory_space<hbm>> -> memref<2048xi32, #tpu.memory_space<hbm>>
      %dma_start3A_159 = tpu.memref_slice %arg7[%add3A_25] : memref<262144xi32, #tpu.memory_space<hbm>> -> memref<2048xi32, #tpu.memory_space<hbm>>
      tpu.enqueue_dma source(%dma_start3A_159 : memref<2048xi32, #tpu.memory_space<hbm>>) target(%arg15 : memref<2048xi32, #tpu.memory_space<vmem>>) target_semaphore(%run_scoped3A : memref<!tpu.dma_semaphore, #tpu.memory_space<semaphore_mem>>)
      %dma_wait3A_160 = tpu.memref_slice %arg7[%add3A_25] : memref<262144xi32, #tpu.memory_space<hbm>> -> memref<2048xi32, #tpu.memory_space<hbm>>
      %dma_wait3A_161 = tpu.memref_slice %arg7[%add3A_25] : memref<262144xi32, #tpu.memory_space<hbm>> -> memref<2048xi32, #tpu.memory_space<hbm>>
      tpu.wait_dma2 semaphore(%run_scoped3A : memref<!tpu.dma_semaphore, #tpu.memory_space<semaphore_mem>>) src(%dma_wait3A_161 : memref<2048xi32, #tpu.memory_space<hbm>>) dst(%arg15 : memref<2048xi32, #tpu.memory_space<vmem>>)
      tpu.yield
    }) : () -> ()
    %scan3A_26 = arith.constant 0 : i32
    %scan3A_27 = arith.constant 0 : i32
    %scan3A_28 = arith.constant 16 : i32
    %scan3A_29 = arith.addi %scan3A_27, %scan3A_28 : i32
    %scan3A_30 = arith.constant 1 : i32
    %scan3A_31 = scf.for %scan3A_158 = %scan3A_27 to %scan3A_29 step %scan3A_30 iter_args(%scan3A_159 = %scan3A_26) -> (i32)  : i32 {
      %mul3A_160 = arith.constant 128 : i32
      %mul3A_161 = arith.muli %scan3A_158, %mul3A_160 : i32
      %add3A_162 = arith.constant 0 : i32
      %add3A_163 = arith.addi %mul3A_161, %add3A_162 : i32
      %get3A = arith.index_cast %add3A_163 : i32 to index
      %get3A_164 = tpu.vector_load %arg14[%get3A] {strides = array<i32>} : memref<2048xi32, #tpu.memory_space<vmem>>, vector<16xi32>,
      %mul3A_165 = arith.constant 512 : i32
      %mul3A_166 = vector.broadcast %mul3A_165 : i32 to vector<16xi32>
      %mul3A_167 = arith.muli %get3A_164, %mul3A_166 : vector<16xi32>
      %get3A_168 = arith.index_cast %add3A_163 : i32 to index
      %get3A_169 = tpu.vector_load %arg15[%get3A_168] {strides = array<i32>} : memref<2048xi32, #tpu.memory_space<vmem>>, vector<16xi32>,
      %add3A_170 = arith.addi %mul3A_167, %get3A_169 : vector<16xi32>
      %swap3A = arith.index_cast %add3A_163 : i32 to index
      %swap3A_171 = tpu.vector_load %arg14[%swap3A] {strides = array<i32>} : memref<2048xi32, #tpu.memory_space<vmem>>, vector<16xi32>,
      tpu.vector_store %arg14[%swap3A], %add3A_170 {strides = array<i32>} : memref<2048xi32, #tpu.memory_space<vmem>>, vector<16xi32>,
      %mul3A_172 = arith.constant 128 : i32
      %mul3A_173 = arith.muli %scan3A_158, %mul3A_172 : i32
      %add3A_174 = arith.constant 16 : i32
      %add3A_175 = arith.addi %mul3A_173, %add3A_174 : i32
      %get3A_176 = arith.index_cast %add3A_175 : i32 to index
      %get3A_177 = tpu.vector_load %arg14[%get3A_176] {strides = array<i32>} : memref<2048xi32, #tpu.memory_space<vmem>>, vector<16xi32>,
      %mul3A_178 = arith.constant 512 : i32
      %mul3A_179 = vector.broadcast %mul3A_178 : i32 to vector<16xi32>
      %mul3A_180 = arith.muli %get3A_177, %mul3A_179 : vector<16xi32>
      %get3A_181 = arith.index_cast %add3A_175 : i32 to index
      %get3A_182 = tpu.vector_load %arg15[%get3A_181] {strides = array<i32>} : memref<2048xi32, #tpu.memory_space<vmem>>, vector<16xi32>,
      %add3A_183 = arith.addi %mul3A_180, %get3A_182 : vector<16xi32>
      %swap3A_184 = arith.index_cast %add3A_175 : i32 to index
      %swap3A_185 = tpu.vector_load %arg14[%swap3A_184] {strides = array<i32>} : memref<2048xi32, #tpu.memory_space<vmem>>, vector<16xi32>,
      tpu.vector_store %arg14[%swap3A_184], %add3A_183 {strides = array<i32>} : memref<2048xi32, #tpu.memory_space<vmem>>, vector<16xi32>,
      %mul3A_186 = arith.constant 128 : i32
      %mul3A_187 = arith.muli %scan3A_158, %mul3A_186 : i32
      %add3A_188 = arith.constant 32 : i32
      %add3A_189 = arith.addi %mul3A_187, %add3A_188 : i32
      %get3A_190 = arith.index_cast %add3A_189 : i32 to index
      %get3A_191 = tpu.vector_load %arg14[%get3A_190] {strides = array<i32>} : memref<2048xi32, #tpu.memory_space<vmem>>, vector<16xi32>,
      %mul3A_192 = arith.constant 512 : i32
      %mul3A_193 = vector.broadcast %mul3A_192 : i32 to vector<16xi32>
      %mul3A_194 = arith.muli %get3A_191, %mul3A_193 : vector<16xi32>
      %get3A_195 = arith.index_cast %add3A_189 : i32 to index
      %get3A_196 = tpu.vector_load %arg15[%get3A_195] {strides = array<i32>} : memref<2048xi32, #tpu.memory_space<vmem>>, vector<16xi32>,
      %add3A_197 = arith.addi %mul3A_194, %get3A_196 : vector<16xi32>
      %swap3A_198 = arith.index_cast %add3A_189 : i32 to index
      %swap3A_199 = tpu.vector_load %arg14[%swap3A_198] {strides = array<i32>} : memref<2048xi32, #tpu.memory_space<vmem>>, vector<16xi32>,
      tpu.vector_store %arg14[%swap3A_198], %add3A_197 {strides = array<i32>} : memref<2048xi32, #tpu.memory_space<vmem>>, vector<16xi32>,
      %mul3A_200 = arith.constant 128 : i32
      %mul3A_201 = arith.muli %scan3A_158, %mul3A_200 : i32
      %add3A_202 = arith.constant 48 : i32
      %add3A_203 = arith.addi %mul3A_201, %add3A_202 : i32
      %get3A_204 = arith.index_cast %add3A_203 : i32 to index
      %get3A_205 = tpu.vector_load %arg14[%get3A_204] {strides = array<i32>} : memref<2048xi32, #tpu.memory_space<vmem>>, vector<16xi32>,
      %mul3A_206 = arith.constant 512 : i32
      %mul3A_207 = vector.broadcast %mul3A_206 : i32 to vector<16xi32>
      %mul3A_208 = arith.muli %get3A_205, %mul3A_207 : vector<16xi32>
      %get3A_209 = arith.index_cast %add3A_203 : i32 to index
      %get3A_210 = tpu.vector_load %arg15[%get3A_209] {strides = array<i32>} : memref<2048xi32, #tpu.memory_space<vmem>>, vector<16xi32>,
      %add3A_211 = arith.addi %mul3A_208, %get3A_210 : vector<16xi32>
      %swap3A_212 = arith.index_cast %add3A_203 : i32 to index
      %swap3A_213 = tpu.vector_load %arg14[%swap3A_212] {strides = array<i32>} : memref<2048xi32, #tpu.memory_space<vmem>>, vector<16xi32>,
      tpu.vector_store %arg14[%swap3A_212], %add3A_211 {strides = array<i32>} : memref<2048xi32, #tpu.memory_space<vmem>>, vector<16xi32>,
      %mul3A_214 = arith.constant 128 : i32
      %mul3A_215 = arith.muli %scan3A_158, %mul3A_214 : i32
      %add3A_216 = arith.constant 64 : i32
      %add3A_217 = arith.addi %mul3A_215, %add3A_216 : i32
      %get3A_218 = arith.index_cast %add3A_217 : i32 to index
      %get3A_219 = tpu.vector_load %arg14[%get3A_218] {strides = array<i32>} : memref<2048xi32, #tpu.memory_space<vmem>>, vector<16xi32>,
      %mul3A_220 = arith.constant 512 : i32
      %mul3A_221 = vector.broadcast %mul3A_220 : i32 to vector<16xi32>
      %mul3A_222 = arith.muli %get3A_219, %mul3A_221 : vector<16xi32>
      %get3A_223 = arith.index_cast %add3A_217 : i32 to index
      %get3A_224 = tpu.vector_load %arg15[%get3A_223] {strides = array<i32>} : memref<2048xi32, #tpu.memory_space<vmem>>, vector<16xi32>,
      %add3A_225 = arith.addi %mul3A_222, %get3A_224 : vector<16xi32>
      %swap3A_226 = arith.index_cast %add3A_217 : i32 to index
      %swap3A_227 = tpu.vector_load %arg14[%swap3A_226] {strides = array<i32>} : memref<2048xi32, #tpu.memory_space<vmem>>, vector<16xi32>,
      tpu.vector_store %arg14[%swap3A_226], %add3A_225 {strides = array<i32>} : memref<2048xi32, #tpu.memory_space<vmem>>, vector<16xi32>,
      %mul3A_228 = arith.constant 128 : i32
      %mul3A_229 = arith.muli %scan3A_158, %mul3A_228 : i32
      %add3A_230 = arith.constant 80 : i32
      %add3A_231 = arith.addi %mul3A_229, %add3A_230 : i32
      %get3A_232 = arith.index_cast %add3A_231 : i32 to index
      %get3A_233 = tpu.vector_load %arg14[%get3A_232] {strides = array<i32>} : memref<2048xi32, #tpu.memory_space<vmem>>, vector<16xi32>,
      %mul3A_234 = arith.constant 512 : i32
      %mul3A_235 = vector.broadcast %mul3A_234 : i32 to vector<16xi32>
      %mul3A_236 = arith.muli %get3A_233, %mul3A_235 : vector<16xi32>
      %get3A_237 = arith.index_cast %add3A_231 : i32 to index
      %get3A_238 = tpu.vector_load %arg15[%get3A_237] {strides = array<i32>} : memref<2048xi32, #tpu.memory_space<vmem>>, vector<16xi32>,
      %add3A_239 = arith.addi %mul3A_236, %get3A_238 : vector<16xi32>
      %swap3A_240 = arith.index_cast %add3A_231 : i32 to index
      %swap3A_241 = tpu.vector_load %arg14[%swap3A_240] {strides = array<i32>} : memref<2048xi32, #tpu.memory_space<vmem>>, vector<16xi32>,
      tpu.vector_store %arg14[%swap3A_240], %add3A_239 {strides = array<i32>} : memref<2048xi32, #tpu.memory_space<vmem>>, vector<16xi32>,
      %mul3A_242 = arith.constant 128 : i32
      %mul3A_243 = arith.muli %scan3A_158, %mul3A_242 : i32
      %add3A_244 = arith.constant 96 : i32
      %add3A_245 = arith.addi %mul3A_243, %add3A_244 : i32
      %get3A_246 = arith.index_cast %add3A_245 : i32 to index
      %get3A_247 = tpu.vector_load %arg14[%get3A_246] {strides = array<i32>} : memref<2048xi32, #tpu.memory_space<vmem>>, vector<16xi32>,
      %mul3A_248 = arith.constant 512 : i32
      %mul3A_249 = vector.broadcast %mul3A_248 : i32 to vector<16xi32>
      %mul3A_250 = arith.muli %get3A_247, %mul3A_249 : vector<16xi32>
      %get3A_251 = arith.index_cast %add3A_245 : i32 to index
      %get3A_252 = tpu.vector_load %arg15[%get3A_251] {strides = array<i32>} : memref<2048xi32, #tpu.memory_space<vmem>>, vector<16xi32>,
      %add3A_253 = arith.addi %mul3A_250, %get3A_252 : vector<16xi32>
      %swap3A_254 = arith.index_cast %add3A_245 : i32 to index
      %swap3A_255 = tpu.vector_load %arg14[%swap3A_254] {strides = array<i32>} : memref<2048xi32, #tpu.memory_space<vmem>>, vector<16xi32>,
      tpu.vector_store %arg14[%swap3A_254], %add3A_253 {strides = array<i32>} : memref<2048xi32, #tpu.memory_space<vmem>>, vector<16xi32>,
      %mul3A_256 = arith.constant 128 : i32
      %mul3A_257 = arith.muli %scan3A_158, %mul3A_256 : i32
      %add3A_258 = arith.constant 112 : i32
      %add3A_259 = arith.addi %mul3A_257, %add3A_258 : i32
      %get3A_260 = arith.index_cast %add3A_259 : i32 to index
      %get3A_261 = tpu.vector_load %arg14[%get3A_260] {strides = array<i32>} : memref<2048xi32, #tpu.memory_space<vmem>>, vector<16xi32>,
      %mul3A_262 = arith.constant 512 : i32
      %mul3A_263 = vector.broadcast %mul3A_262 : i32 to vector<16xi32>
      %mul3A_264 = arith.muli %get3A_261, %mul3A_263 : vector<16xi32>
      %get3A_265 = arith.index_cast %add3A_259 : i32 to index
      %get3A_266 = tpu.vector_load %arg15[%get3A_265] {strides = array<i32>} : memref<2048xi32, #tpu.memory_space<vmem>>, vector<16xi32>,
      %add3A_267 = arith.addi %mul3A_264, %get3A_266 : vector<16xi32>
      %swap3A_268 = arith.index_cast %add3A_259 : i32 to index
      %swap3A_269 = tpu.vector_load %arg14[%swap3A_268] {strides = array<i32>} : memref<2048xi32, #tpu.memory_space<vmem>>, vector<16xi32>,
      tpu.vector_store %arg14[%swap3A_268], %add3A_267 {strides = array<i32>} : memref<2048xi32, #tpu.memory_space<vmem>>, vector<16xi32>,
      %scan3A_270 = arith.constant 0 : i32
      scf.yield %scan3A_270 : i32
    }
    %scan3A_32 = arith.constant 16 : i32
    %dma_start3A_33 = arith.constant 0 : i32
    %dma_start3A_34 = tpu.memref_slice %arg5[%dma_start3A_33] : memref<262144xi32, #tpu.memory_space<hbm>> -> memref<262144xi32, #tpu.memory_space<hbm>>
    tpu.enqueue_indirect_dma source(%dma_start3A_34 : memref<262144xi32, #tpu.memory_space<hbm>>) target(%arg17 : memref<2048xi32, #tpu.memory_space<vmem>>) offsets(%arg14 : memref<2048xi32, #tpu.memory_space<vmem>>) semaphore(%arg27 : memref<!tpu.dma_semaphore, #tpu.memory_space<semaphore_mem>>)
    %broadcast_in_dim3A = arith.constant 0 : i32
    %broadcast_in_dim3A_35 = vector.broadcast %broadcast_in_dim3A : i32 to vector<16xi32>
    %broadcast_in_dim3A_36 = arith.constant 1 : i32
    %broadcast_in_dim3A_37 = vector.broadcast %broadcast_in_dim3A_36 : i32 to vector<16xi32>
    %scan3A_38 = arith.constant 0 : i32
    %scan3A_39 = arith.constant 0 : i32
    %scan3A_40 = arith.constant 192 : i32
    %scan3A_41 = arith.addi %scan3A_39, %scan3A_40 : i32
    %scan3A_42 = arith.constant 1 : i32
    %scan3A_43 = scf.for %scan3A_158 = %scan3A_39 to %scan3A_41 step %scan3A_42 iter_args(%scan3A_159 = %scan3A_38) -> (i32)  : i32 {
      %mul3A_160 = arith.constant 128 : i32
      %mul3A_161 = arith.muli %scan3A_158, %mul3A_160 : i32
      %add3A_162 = arith.constant 0 : i32
      %add3A_163 = arith.addi %mul3A_161, %add3A_162 : i32
      %swap3A = arith.index_cast %add3A_163 : i32 to index
      %swap3A_164 = tpu.vector_load %arg18[%swap3A] {strides = array<i32>} : memref<24576xi32, #tpu.memory_space<vmem>>, vector<16xi32>,
      tpu.vector_store %arg18[%swap3A], %broadcast_in_dim3A_35 {strides = array<i32>} : memref<24576xi32, #tpu.memory_space<vmem>>, vector<16xi32>,
      %mul3A_165 = arith.constant 128 : i32
      %mul3A_166 = arith.muli %scan3A_158, %mul3A_165 : i32
      %add3A_167 = arith.constant 16 : i32
      %add3A_168 = arith.addi %mul3A_166, %add3A_167 : i32
      %swap3A_169 = arith.index_cast %add3A_168 : i32 to index
      %swap3A_170 = tpu.vector_load %arg18[%swap3A_169] {strides = array<i32>} : memref<24576xi32, #tpu.memory_space<vmem>>, vector<16xi32>,
      tpu.vector_store %arg18[%swap3A_169], %broadcast_in_dim3A_35 {strides = array<i32>} : memref<24576xi32, #tpu.memory_space<vmem>>, vector<16xi32>,
      %mul3A_171 = arith.constant 128 : i32
      %mul3A_172 = arith.muli %scan3A_158, %mul3A_171 : i32
      %add3A_173 = arith.constant 32 : i32
      %add3A_174 = arith.addi %mul3A_172, %add3A_173 : i32
      %swap3A_175 = arith.index_cast %add3A_174 : i32 to index
      %swap3A_176 = tpu.vector_load %arg18[%swap3A_175] {strides = array<i32>} : memref<24576xi32, #tpu.memory_space<vmem>>, vector<16xi32>,
      tpu.vector_store %arg18[%swap3A_175], %broadcast_in_dim3A_35 {strides = array<i32>} : memref<24576xi32, #tpu.memory_space<vmem>>, vector<16xi32>,
      %mul3A_177 = arith.constant 128 : i32
      %mul3A_178 = arith.muli %scan3A_158, %mul3A_177 : i32
      %add3A_179 = arith.constant 48 : i32
      %add3A_180 = arith.addi %mul3A_178, %add3A_179 : i32
      %swap3A_181 = arith.index_cast %add3A_180 : i32 to index
      %swap3A_182 = tpu.vector_load %arg18[%swap3A_181] {strides = array<i32>} : memref<24576xi32, #tpu.memory_space<vmem>>, vector<16xi32>,
      tpu.vector_store %arg18[%swap3A_181], %broadcast_in_dim3A_35 {strides = array<i32>} : memref<24576xi32, #tpu.memory_space<vmem>>, vector<16xi32>,
      %mul3A_183 = arith.constant 128 : i32
      %mul3A_184 = arith.muli %scan3A_158, %mul3A_183 : i32
      %add3A_185 = arith.constant 64 : i32
      %add3A_186 = arith.addi %mul3A_184, %add3A_185 : i32
      %swap3A_187 = arith.index_cast %add3A_186 : i32 to index
      %swap3A_188 = tpu.vector_load %arg18[%swap3A_187] {strides = array<i32>} : memref<24576xi32, #tpu.memory_space<vmem>>, vector<16xi32>,
      tpu.vector_store %arg18[%swap3A_187], %broadcast_in_dim3A_35 {strides = array<i32>} : memref<24576xi32, #tpu.memory_space<vmem>>, vector<16xi32>,
      %mul3A_189 = arith.constant 128 : i32
      %mul3A_190 = arith.muli %scan3A_158, %mul3A_189 : i32
      %add3A_191 = arith.constant 80 : i32
      %add3A_192 = arith.addi %mul3A_190, %add3A_191 : i32
      %swap3A_193 = arith.index_cast %add3A_192 : i32 to index
      %swap3A_194 = tpu.vector_load %arg18[%swap3A_193] {strides = array<i32>} : memref<24576xi32, #tpu.memory_space<vmem>>, vector<16xi32>,
      tpu.vector_store %arg18[%swap3A_193], %broadcast_in_dim3A_35 {strides = array<i32>} : memref<24576xi32, #tpu.memory_space<vmem>>, vector<16xi32>,
      %mul3A_195 = arith.constant 128 : i32
      %mul3A_196 = arith.muli %scan3A_158, %mul3A_195 : i32
      %add3A_197 = arith.constant 96 : i32
      %add3A_198 = arith.addi %mul3A_196, %add3A_197 : i32
      %swap3A_199 = arith.index_cast %add3A_198 : i32 to index
      %swap3A_200 = tpu.vector_load %arg18[%swap3A_199] {strides = array<i32>} : memref<24576xi32, #tpu.memory_space<vmem>>, vector<16xi32>,
      tpu.vector_store %arg18[%swap3A_199], %broadcast_in_dim3A_35 {strides = array<i32>} : memref<24576xi32, #tpu.memory_space<vmem>>, vector<16xi32>,
      %mul3A_201 = arith.constant 128 : i32
      %mul3A_202 = arith.muli %scan3A_158, %mul3A_201 : i32
      %add3A_203 = arith.constant 112 : i32
      %add3A_204 = arith.addi %mul3A_202, %add3A_203 : i32
      %swap3A_205 = arith.index_cast %add3A_204 : i32 to index
      %swap3A_206 = tpu.vector_load %arg18[%swap3A_205] {strides = array<i32>} : memref<24576xi32, #tpu.memory_space<vmem>>, vector<16xi32>,
      tpu.vector_store %arg18[%swap3A_205], %broadcast_in_dim3A_35 {strides = array<i32>} : memref<24576xi32, #tpu.memory_space<vmem>>, vector<16xi32>,
      %scan3A_207 = arith.constant 0 : i32
      scf.yield %scan3A_207 : i32
    }
    %scan3A_44 = arith.constant 192 : i32
    %scan3A_45 = arith.constant 0 : i32
    %scan3A_46 = arith.constant 0 : i32
    %scan3A_47 = arith.constant 16 : i32
    %scan3A_48 = arith.addi %scan3A_46, %scan3A_47 : i32
    %scan3A_49 = arith.constant 1 : i32
    %scan3A_50 = scf.for %scan3A_158 = %scan3A_46 to %scan3A_48 step %scan3A_49 iter_args(%scan3A_159 = %scan3A_45) -> (i32)  : i32 {
      %mul3A_160 = arith.constant 128 : i32
      %mul3A_161 = arith.muli %scan3A_158, %mul3A_160 : i32
      %add3A_162 = arith.constant 0 : i32
      %add3A_163 = arith.addi %mul3A_161, %add3A_162 : i32
      %swap3A = arith.index_cast %add3A_163 : i32 to index
      %swap3A_164 = tpu.vector_load %arg20[%swap3A] {strides = array<i32>} : memref<2048xi32, #tpu.memory_space<vmem>>, vector<16xi32>,
      tpu.vector_store %arg20[%swap3A], %broadcast_in_dim3A_37 {strides = array<i32>} : memref<2048xi32, #tpu.memory_space<vmem>>, vector<16xi32>,
      %mul3A_165 = arith.constant 128 : i32
      %mul3A_166 = arith.muli %scan3A_158, %mul3A_165 : i32
      %add3A_167 = arith.constant 16 : i32
      %add3A_168 = arith.addi %mul3A_166, %add3A_167 : i32
      %swap3A_169 = arith.index_cast %add3A_168 : i32 to index
      %swap3A_170 = tpu.vector_load %arg20[%swap3A_169] {strides = array<i32>} : memref<2048xi32, #tpu.memory_space<vmem>>, vector<16xi32>,
      tpu.vector_store %arg20[%swap3A_169], %broadcast_in_dim3A_37 {strides = array<i32>} : memref<2048xi32, #tpu.memory_space<vmem>>, vector<16xi32>,
      %mul3A_171 = arith.constant 128 : i32
      %mul3A_172 = arith.muli %scan3A_158, %mul3A_171 : i32
      %add3A_173 = arith.constant 32 : i32
      %add3A_174 = arith.addi %mul3A_172, %add3A_173 : i32
      %swap3A_175 = arith.index_cast %add3A_174 : i32 to index
      %swap3A_176 = tpu.vector_load %arg20[%swap3A_175] {strides = array<i32>} : memref<2048xi32, #tpu.memory_space<vmem>>, vector<16xi32>,
      tpu.vector_store %arg20[%swap3A_175], %broadcast_in_dim3A_37 {strides = array<i32>} : memref<2048xi32, #tpu.memory_space<vmem>>, vector<16xi32>,
      %mul3A_177 = arith.constant 128 : i32
      %mul3A_178 = arith.muli %scan3A_158, %mul3A_177 : i32
      %add3A_179 = arith.constant 48 : i32
      %add3A_180 = arith.addi %mul3A_178, %add3A_179 : i32
      %swap3A_181 = arith.index_cast %add3A_180 : i32 to index
      %swap3A_182 = tpu.vector_load %arg20[%swap3A_181] {strides = array<i32>} : memref<2048xi32, #tpu.memory_space<vmem>>, vector<16xi32>,
      tpu.vector_store %arg20[%swap3A_181], %broadcast_in_dim3A_37 {strides = array<i32>} : memref<2048xi32, #tpu.memory_space<vmem>>, vector<16xi32>,
      %mul3A_183 = arith.constant 128 : i32
      %mul3A_184 = arith.muli %scan3A_158, %mul3A_183 : i32
      %add3A_185 = arith.constant 64 : i32
      %add3A_186 = arith.addi %mul3A_184, %add3A_185 : i32
      %swap3A_187 = arith.index_cast %add3A_186 : i32 to index
      %swap3A_188 = tpu.vector_load %arg20[%swap3A_187] {strides = array<i32>} : memref<2048xi32, #tpu.memory_space<vmem>>, vector<16xi32>,
      tpu.vector_store %arg20[%swap3A_187], %broadcast_in_dim3A_37 {strides = array<i32>} : memref<2048xi32, #tpu.memory_space<vmem>>, vector<16xi32>,
      %mul3A_189 = arith.constant 128 : i32
      %mul3A_190 = arith.muli %scan3A_158, %mul3A_189 : i32
      %add3A_191 = arith.constant 80 : i32
      %add3A_192 = arith.addi %mul3A_190, %add3A_191 : i32
      %swap3A_193 = arith.index_cast %add3A_192 : i32 to index
      %swap3A_194 = tpu.vector_load %arg20[%swap3A_193] {strides = array<i32>} : memref<2048xi32, #tpu.memory_space<vmem>>, vector<16xi32>,
      tpu.vector_store %arg20[%swap3A_193], %broadcast_in_dim3A_37 {strides = array<i32>} : memref<2048xi32, #tpu.memory_space<vmem>>, vector<16xi32>,
      %mul3A_195 = arith.constant 128 : i32
      %mul3A_196 = arith.muli %scan3A_158, %mul3A_195 : i32
      %add3A_197 = arith.constant 96 : i32
      %add3A_198 = arith.addi %mul3A_196, %add3A_197 : i32
      %swap3A_199 = arith.index_cast %add3A_198 : i32 to index
      %swap3A_200 = tpu.vector_load %arg20[%swap3A_199] {strides = array<i32>} : memref<2048xi32, #tpu.memory_space<vmem>>, vector<16xi32>,
      tpu.vector_store %arg20[%swap3A_199], %broadcast_in_dim3A_37 {strides = array<i32>} : memref<2048xi32, #tpu.memory_space<vmem>>, vector<16xi32>,
      %mul3A_201 = arith.constant 128 : i32
      %mul3A_202 = arith.muli %scan3A_158, %mul3A_201 : i32
      %add3A_203 = arith.constant 112 : i32
      %add3A_204 = arith.addi %mul3A_202, %add3A_203 : i32
      %swap3A_205 = arith.index_cast %add3A_204 : i32 to index
      %swap3A_206 = tpu.vector_load %arg20[%swap3A_205] {strides = array<i32>} : memref<2048xi32, #tpu.memory_space<vmem>>, vector<16xi32>,
      tpu.vector_store %arg20[%swap3A_205], %broadcast_in_dim3A_37 {strides = array<i32>} : memref<2048xi32, #tpu.memory_space<vmem>>, vector<16xi32>,
      %scan3A_207 = arith.constant 0 : i32
      scf.yield %scan3A_207 : i32
    }
    %scan3A_51 = arith.constant 16 : i32
    %dma_wait3A = tpu.memref_slice %arg22[%mul3A_4] : memref<262144xf32, #tpu.memory_space<vmem_shared>> -> memref<16384xf32, #tpu.memory_space<vmem_shared>>
    %dma_wait3A_52 = tpu.memref_slice %arg2[%mul3A_4] : memref<262144xf32, #tpu.memory_space<hbm>> -> memref<16384xf32, #tpu.memory_space<hbm>>
    tpu.wait_dma2 semaphore(%arg26 : memref<!tpu.dma_semaphore, #tpu.memory_space<semaphore_mem>>) src(%dma_wait3A_52 : memref<16384xf32, #tpu.memory_space<hbm>>) dst(%dma_wait3A : memref<16384xf32, #tpu.memory_space<vmem_shared>>)
    %dma_wait3A_53 = tpu.memref_slice %arg23[%mul3A_4] : memref<262144xf32, #tpu.memory_space<vmem_shared>> -> memref<16384xf32, #tpu.memory_space<vmem_shared>>
    %dma_wait3A_54 = tpu.memref_slice %arg3[%mul3A_4] : memref<262144xf32, #tpu.memory_space<hbm>> -> memref<16384xf32, #tpu.memory_space<hbm>>
    tpu.wait_dma2 semaphore(%arg26 : memref<!tpu.dma_semaphore, #tpu.memory_space<semaphore_mem>>) src(%dma_wait3A_54 : memref<16384xf32, #tpu.memory_space<hbm>>) dst(%dma_wait3A_53 : memref<16384xf32, #tpu.memory_space<vmem_shared>>)
    %dma_wait3A_55 = tpu.memref_slice %arg24[%mul3A_4] : memref<262144xf32, #tpu.memory_space<vmem_shared>> -> memref<16384xf32, #tpu.memory_space<vmem_shared>>
    %dma_wait3A_56 = tpu.memref_slice %arg4[%mul3A_4] : memref<262144xf32, #tpu.memory_space<hbm>> -> memref<16384xf32, #tpu.memory_space<hbm>>
    tpu.wait_dma2 semaphore(%arg26 : memref<!tpu.dma_semaphore, #tpu.memory_space<semaphore_mem>>) src(%dma_wait3A_56 : memref<16384xf32, #tpu.memory_space<hbm>>) dst(%dma_wait3A_55 : memref<16384xf32, #tpu.memory_space<vmem_shared>>)
    %dma_wait3A_57 = tpu.memref_slice %arg25[%mul3A_4] : memref<262144xi32, #tpu.memory_space<vmem_shared>> -> memref<16384xi32, #tpu.memory_space<vmem_shared>>
    %dma_wait3A_58 = tpu.memref_slice %arg6[%mul3A_4] : memref<262144xi32, #tpu.memory_space<hbm>> -> memref<16384xi32, #tpu.memory_space<hbm>>
    tpu.wait_dma2 semaphore(%arg26 : memref<!tpu.dma_semaphore, #tpu.memory_space<semaphore_mem>>) src(%dma_wait3A_58 : memref<16384xi32, #tpu.memory_space<hbm>>) dst(%dma_wait3A_57 : memref<16384xi32, #tpu.memory_space<vmem_shared>>)
    %barrier3A = arith.constant 0 : index
    tpu.barrier barrier_id(%barrier3A)
    "tpu.region"() ({
      %run_scoped3A = tpu.sem_alloc : memref<!tpu.dma_semaphore, #tpu.memory_space<semaphore_mem>>
      %dma_start3A_158 = arith.constant 0 : i32
      %dma_start3A_159 = tpu.memref_slice %arg25[%dma_start3A_158] : memref<262144xi32, #tpu.memory_space<vmem_shared>> -> memref<262144xi32, #tpu.memory_space<vmem_shared>>
      tpu.enqueue_indirect_dma source(%arg20 : memref<2048xi32, #tpu.memory_space<vmem>>) target(%dma_start3A_159 : memref<262144xi32, #tpu.memory_space<vmem_shared>>) offsets(%arg13 : memref<2048xi32, #tpu.memory_space<vmem>>) semaphore(%run_scoped3A : memref<!tpu.dma_semaphore, #tpu.memory_space<semaphore_mem>>) {add = true}
      %dma_wait3A_160 = arith.constant 0 : i32
      %dma_wait3A_161 = tpu.memref_slice %arg25[%dma_wait3A_160] : memref<262144xi32, #tpu.memory_space<vmem_shared>> -> memref<262144xi32, #tpu.memory_space<vmem_shared>>
      tpu.wait_indirect_dma semaphore(%run_scoped3A : memref<!tpu.dma_semaphore, #tpu.memory_space<semaphore_mem>>) src(%arg20 : memref<2048xi32, #tpu.memory_space<vmem>>) dst(%dma_wait3A_161 : memref<262144xi32, #tpu.memory_space<vmem_shared>>)
      tpu.yield
    }) : () -> ()
    "tpu.region"() ({
      %run_scoped3A = tpu.sem_alloc : memref<!tpu.dma_semaphore, #tpu.memory_space<semaphore_mem>>
      %dma_start3A_158 = tpu.memref_slice %arg11[%mul3A_2] : memref<65536xi32, #tpu.memory_space<hbm>> -> memref<2048xi32, #tpu.memory_space<hbm>>
      %dma_start3A_159 = tpu.memref_slice %arg11[%mul3A_2] : memref<65536xi32, #tpu.memory_space<hbm>> -> memref<2048xi32, #tpu.memory_space<hbm>>
      tpu.enqueue_dma source(%arg13 : memref<2048xi32, #tpu.memory_space<vmem>>) target(%dma_start3A_159 : memref<2048xi32, #tpu.memory_space<hbm>>) target_semaphore(%run_scoped3A : memref<!tpu.dma_semaphore, #tpu.memory_space<semaphore_mem>>)
      %dma_wait3A_160 = tpu.memref_slice %arg11[%mul3A_2] : memref<65536xi32, #tpu.memory_space<hbm>> -> memref<2048xi32, #tpu.memory_space<hbm>>
      %dma_wait3A_161 = tpu.memref_slice %arg11[%mul3A_2] : memref<65536xi32, #tpu.memory_space<hbm>> -> memref<2048xi32, #tpu.memory_space<hbm>>
      tpu.wait_dma2 semaphore(%run_scoped3A : memref<!tpu.dma_semaphore, #tpu.memory_space<semaphore_mem>>) src(%arg13 : memref<2048xi32, #tpu.memory_space<vmem>>) dst(%dma_wait3A_161 : memref<2048xi32, #tpu.memory_space<hbm>>)
      tpu.yield
    }) : () -> ()
    %dma_start3A_59 = arith.constant 0 : i32
    %dma_start3A_60 = tpu.memref_slice %arg16[%dma_start3A_59] : memref<6144xf32, #tpu.memory_space<vmem>> -> memref<2048xf32, #tpu.memory_space<vmem>>
    %dma_start3A_61 = arith.constant 0 : i32
    %dma_start3A_62 = tpu.memref_slice %arg22[%dma_start3A_61] : memref<262144xf32, #tpu.memory_space<vmem_shared>> -> memref<262144xf32, #tpu.memory_space<vmem_shared>>
    tpu.enqueue_indirect_dma source(%dma_start3A_62 : memref<262144xf32, #tpu.memory_space<vmem_shared>>) target(%dma_start3A_60 : memref<2048xf32, #tpu.memory_space<vmem>>) offsets(%arg13 : memref<2048xi32, #tpu.memory_space<vmem>>) semaphore(%arg26 : memref<!tpu.dma_semaphore, #tpu.memory_space<semaphore_mem>>)
    %dma_start3A_63 = arith.constant 2048 : i32
    %dma_start3A_64 = tpu.memref_slice %arg16[%dma_start3A_63] : memref<6144xf32, #tpu.memory_space<vmem>> -> memref<2048xf32, #tpu.memory_space<vmem>>
    %dma_start3A_65 = arith.constant 0 : i32
    %dma_start3A_66 = tpu.memref_slice %arg23[%dma_start3A_65] : memref<262144xf32, #tpu.memory_space<vmem_shared>> -> memref<262144xf32, #tpu.memory_space<vmem_shared>>
    tpu.enqueue_indirect_dma source(%dma_start3A_66 : memref<262144xf32, #tpu.memory_space<vmem_shared>>) target(%dma_start3A_64 : memref<2048xf32, #tpu.memory_space<vmem>>) offsets(%arg13 : memref<2048xi32, #tpu.memory_space<vmem>>) semaphore(%arg26 : memref<!tpu.dma_semaphore, #tpu.memory_space<semaphore_mem>>)
    %dma_start3A_67 = arith.constant 4096 : i32
    %dma_start3A_68 = tpu.memref_slice %arg16[%dma_start3A_67] : memref<6144xf32, #tpu.memory_space<vmem>> -> memref<2048xf32, #tpu.memory_space<vmem>>
    %dma_start3A_69 = arith.constant 0 : i32
    %dma_start3A_70 = tpu.memref_slice %arg24[%dma_start3A_69] : memref<262144xf32, #tpu.memory_space<vmem_shared>> -> memref<262144xf32, #tpu.memory_space<vmem_shared>>
    tpu.enqueue_indirect_dma source(%dma_start3A_70 : memref<262144xf32, #tpu.memory_space<vmem_shared>>) target(%dma_start3A_68 : memref<2048xf32, #tpu.memory_space<vmem>>) offsets(%arg13 : memref<2048xi32, #tpu.memory_space<vmem>>) semaphore(%arg26 : memref<!tpu.dma_semaphore, #tpu.memory_space<semaphore_mem>>)
    %dma_wait3A_71 = arith.constant 0 : i32
    %dma_wait3A_72 = tpu.memref_slice %arg16[%dma_wait3A_71] : memref<6144xf32, #tpu.memory_space<vmem>> -> memref<2048xf32, #tpu.memory_space<vmem>>
    %dma_wait3A_73 = arith.constant 0 : i32
    %dma_wait3A_74 = tpu.memref_slice %arg22[%dma_wait3A_73] : memref<262144xf32, #tpu.memory_space<vmem_shared>> -> memref<262144xf32, #tpu.memory_space<vmem_shared>>
    tpu.wait_indirect_dma semaphore(%arg26 : memref<!tpu.dma_semaphore, #tpu.memory_space<semaphore_mem>>) src(%dma_wait3A_74 : memref<262144xf32, #tpu.memory_space<vmem_shared>>) dst(%dma_wait3A_72 : memref<2048xf32, #tpu.memory_space<vmem>>)
    %dma_wait3A_75 = arith.constant 2048 : i32
    %dma_wait3A_76 = tpu.memref_slice %arg16[%dma_wait3A_75] : memref<6144xf32, #tpu.memory_space<vmem>> -> memref<2048xf32, #tpu.memory_space<vmem>>
    %dma_wait3A_77 = arith.constant 0 : i32
    %dma_wait3A_78 = tpu.memref_slice %arg23[%dma_wait3A_77] : memref<262144xf32, #tpu.memory_space<vmem_shared>> -> memref<262144xf32, #tpu.memory_space<vmem_shared>>
    tpu.wait_indirect_dma semaphore(%arg26 : memref<!tpu.dma_semaphore, #tpu.memory_space<semaphore_mem>>) src(%dma_wait3A_78 : memref<262144xf32, #tpu.memory_space<vmem_shared>>) dst(%dma_wait3A_76 : memref<2048xf32, #tpu.memory_space<vmem>>)
    %dma_wait3A_79 = arith.constant 4096 : i32
    %dma_wait3A_80 = tpu.memref_slice %arg16[%dma_wait3A_79] : memref<6144xf32, #tpu.memory_space<vmem>> -> memref<2048xf32, #tpu.memory_space<vmem>>
    %dma_wait3A_81 = arith.constant 0 : i32
    %dma_wait3A_82 = tpu.memref_slice %arg24[%dma_wait3A_81] : memref<262144xf32, #tpu.memory_space<vmem_shared>> -> memref<262144xf32, #tpu.memory_space<vmem_shared>>
    tpu.wait_indirect_dma semaphore(%arg26 : memref<!tpu.dma_semaphore, #tpu.memory_space<semaphore_mem>>) src(%dma_wait3A_82 : memref<262144xf32, #tpu.memory_space<vmem_shared>>) dst(%dma_wait3A_80 : memref<2048xf32, #tpu.memory_space<vmem>>)
    %dma_wait3A_83 = arith.constant 0 : i32
    %dma_wait3A_84 = tpu.memref_slice %arg5[%dma_wait3A_83] : memref<262144xi32, #tpu.memory_space<hbm>> -> memref<262144xi32, #tpu.memory_space<hbm>>
    tpu.wait_indirect_dma semaphore(%arg27 : memref<!tpu.dma_semaphore, #tpu.memory_space<semaphore_mem>>) src(%dma_wait3A_84 : memref<262144xi32, #tpu.memory_space<hbm>>) dst(%arg17 : memref<2048xi32, #tpu.memory_space<vmem>>)
    %iota3A = tpu.iota {dimensions = array<i32: 0>} : vector<16xi32>
    %mul3A_85 = arith.constant 1536 : i32
    %mul3A_86 = vector.broadcast %mul3A_85 : i32 to vector<16xi32>
    %mul3A_87 = arith.muli %iota3A, %mul3A_86 : vector<16xi32>
    %scan3A_88 = arith.constant 0 : i32
    %scan3A_89 = arith.constant 0 : i32
    %scan3A_90 = arith.constant 64 : i32
    %scan3A_91 = arith.addi %scan3A_89, %scan3A_90 : i32
    %scan3A_92 = arith.constant 1 : i32
    %scan3A_93 = scf.for %scan3A_158 = %scan3A_89 to %scan3A_91 step %scan3A_92 iter_args(%scan3A_159 = %scan3A_88) -> (i32)  : i32 {
      %mul3A_160 = arith.constant 32 : i32
      %mul3A_161 = arith.muli %scan3A_158, %mul3A_160 : i32
      %add3A_162 = arith.constant 0 : i32
      %add3A_163 = arith.addi %mul3A_161, %add3A_162 : i32
      %get3A = arith.index_cast %add3A_163 : i32 to index
      %get3A_164 = tpu.vector_load %arg17[%get3A] {strides = array<i32>} : memref<2048xi32, #tpu.memory_space<vmem>>, vector<16xi32>,
      %add3A_165 = arith.constant 0 : i32
      %add3A_166 = arith.addi %add3A_165, %add3A_163 : i32
      %get3A_167 = arith.index_cast %add3A_166 : i32 to index
      %get3A_168 = tpu.vector_load %arg16[%get3A_167] {strides = array<i32>} : memref<6144xf32, #tpu.memory_space<vmem>>, vector<16xf32>,
      %jit3A = arith.constant 0.000000e+00 : f32
      %jit3A_169 = arith.constant 2.550000e+02 : f32
      %max3A = vector.broadcast %jit3A : f32 to vector<16xf32>
      %max3A_170 = arith.maximumf %max3A, %get3A_168 : vector<16xf32>
      %min3A = vector.broadcast %jit3A_169 : f32 to vector<16xf32>
      %min3A_171 = arith.minimumf %min3A, %max3A_170 : vector<16xf32>
      %convert_element_type3A_172 = arith.fptosi %min3A_171 : vector<16xf32> to vector<16xi32>
      %shift_right_arithmetic3A = arith.constant 0 : i32
      %shift_right_arithmetic3A_173 = vector.broadcast %shift_right_arithmetic3A : i32 to vector<16xi32>
      %shift_right_arithmetic3A_174 = arith.shrsi %get3A_164, %shift_right_arithmetic3A_173 : vector<16xi32>
      %and3A = arith.constant 255 : i32
      %and3A_175 = vector.broadcast %and3A : i32 to vector<16xi32>
      %and3A_176 = arith.andi %shift_right_arithmetic3A_174, %and3A_175 : vector<16xi32>
      %add3A_177 = arith.constant 0 : i32
      %add3A_178 = vector.broadcast %add3A_177 : i32 to vector<16xi32>
      %add3A_179 = arith.addi %add3A_178, %convert_element_type3A_172 : vector<16xi32>
      %add3A_180 = arith.addi %mul3A_87, %add3A_179 : vector<16xi32>
      tpu.vector_store_idx %arg18[%add3A_180], %broadcast_in_dim3A_37 {add = true} : memref<24576xi32, #tpu.memory_space<vmem>>[vector<16xi32>], vector<16xi32>,
      %add3A_181 = arith.constant 768 : i32
      %add3A_182 = vector.broadcast %add3A_181 : i32 to vector<16xi32>
      %add3A_183 = arith.addi %add3A_182, %and3A_176 : vector<16xi32>
      %add3A_184 = arith.addi %mul3A_87, %add3A_183 : vector<16xi32>
      tpu.vector_store_idx %arg18[%add3A_184], %broadcast_in_dim3A_37 {add = true} : memref<24576xi32, #tpu.memory_space<vmem>>[vector<16xi32>], vector<16xi32>,
      %add3A_185 = arith.constant 2048 : i32
      %add3A_186 = arith.addi %add3A_185, %add3A_163 : i32
      %get3A_187 = arith.index_cast %add3A_186 : i32 to index
      %get3A_188 = tpu.vector_load %arg16[%get3A_187] {strides = array<i32>} : memref<6144xf32, #tpu.memory_space<vmem>>, vector<16xf32>,
      %jit3A_189 = arith.constant 0.000000e+00 : f32
      %jit3A_190 = arith.constant 2.550000e+02 : f32
      %max3A_191 = vector.broadcast %jit3A_189 : f32 to vector<16xf32>
      %max3A_192 = arith.maximumf %max3A_191, %get3A_188 : vector<16xf32>
      %min3A_193 = vector.broadcast %jit3A_190 : f32 to vector<16xf32>
      %min3A_194 = arith.minimumf %min3A_193, %max3A_192 : vector<16xf32>
      %convert_element_type3A_195 = arith.fptosi %min3A_194 : vector<16xf32> to vector<16xi32>
      %shift_right_arithmetic3A_196 = arith.constant 8 : i32
      %shift_right_arithmetic3A_197 = vector.broadcast %shift_right_arithmetic3A_196 : i32 to vector<16xi32>
      %shift_right_arithmetic3A_198 = arith.shrsi %get3A_164, %shift_right_arithmetic3A_197 : vector<16xi32>
      %and3A_199 = arith.constant 255 : i32
      %and3A_200 = vector.broadcast %and3A_199 : i32 to vector<16xi32>
      %and3A_201 = arith.andi %shift_right_arithmetic3A_198, %and3A_200 : vector<16xi32>
      %add3A_202 = arith.constant 256 : i32
      %add3A_203 = vector.broadcast %add3A_202 : i32 to vector<16xi32>
      %add3A_204 = arith.addi %add3A_203, %convert_element_type3A_195 : vector<16xi32>
      %add3A_205 = arith.addi %mul3A_87, %add3A_204 : vector<16xi32>
      tpu.vector_store_idx %arg18[%add3A_205], %broadcast_in_dim3A_37 {add = true} : memref<24576xi32, #tpu.memory_space<vmem>>[vector<16xi32>], vector<16xi32>,
      %add3A_206 = arith.constant 1024 : i32
      %add3A_207 = vector.broadcast %add3A_206 : i32 to vector<16xi32>
      %add3A_208 = arith.addi %add3A_207, %and3A_201 : vector<16xi32>
      %add3A_209 = arith.addi %mul3A_87, %add3A_208 : vector<16xi32>
      tpu.vector_store_idx %arg18[%add3A_209], %broadcast_in_dim3A_37 {add = true} : memref<24576xi32, #tpu.memory_space<vmem>>[vector<16xi32>], vector<16xi32>,
      %add3A_210 = arith.constant 4096 : i32
      %add3A_211 = arith.addi %add3A_210, %add3A_163 : i32
      %get3A_212 = arith.index_cast %add3A_211 : i32 to index
      %get3A_213 = tpu.vector_load %arg16[%get3A_212] {strides = array<i32>} : memref<6144xf32, #tpu.memory_space<vmem>>, vector<16xf32>,
      %jit3A_214 = arith.constant 0.000000e+00 : f32
      %jit3A_215 = arith.constant 2.550000e+02 : f32
      %max3A_216 = vector.broadcast %jit3A_214 : f32 to vector<16xf32>
      %max3A_217 = arith.maximumf %max3A_216, %get3A_213 : vector<16xf32>
      %min3A_218 = vector.broadcast %jit3A_215 : f32 to vector<16xf32>
      %min3A_219 = arith.minimumf %min3A_218, %max3A_217 : vector<16xf32>
      %convert_element_type3A_220 = arith.fptosi %min3A_219 : vector<16xf32> to vector<16xi32>
      %shift_right_arithmetic3A_221 = arith.constant 16 : i32
      %shift_right_arithmetic3A_222 = vector.broadcast %shift_right_arithmetic3A_221 : i32 to vector<16xi32>
      %shift_right_arithmetic3A_223 = arith.shrsi %get3A_164, %shift_right_arithmetic3A_222 : vector<16xi32>
      %and3A_224 = arith.constant 255 : i32
      %and3A_225 = vector.broadcast %and3A_224 : i32 to vector<16xi32>
      %and3A_226 = arith.andi %shift_right_arithmetic3A_223, %and3A_225 : vector<16xi32>
      %add3A_227 = arith.constant 512 : i32
      %add3A_228 = vector.broadcast %add3A_227 : i32 to vector<16xi32>
      %add3A_229 = arith.addi %add3A_228, %convert_element_type3A_220 : vector<16xi32>
      %add3A_230 = arith.addi %mul3A_87, %add3A_229 : vector<16xi32>
      tpu.vector_store_idx %arg18[%add3A_230], %broadcast_in_dim3A_37 {add = true} : memref<24576xi32, #tpu.memory_space<vmem>>[vector<16xi32>], vector<16xi32>,
      %add3A_231 = arith.constant 1280 : i32
      %add3A_232 = vector.broadcast %add3A_231 : i32 to vector<16xi32>
      %add3A_233 = arith.addi %add3A_232, %and3A_226 : vector<16xi32>
      %add3A_234 = arith.addi %mul3A_87, %add3A_233 : vector<16xi32>
      tpu.vector_store_idx %arg18[%add3A_234], %broadcast_in_dim3A_37 {add = true} : memref<24576xi32, #tpu.memory_space<vmem>>[vector<16xi32>], vector<16xi32>,
      %mul3A_235 = arith.constant 32 : i32
      %mul3A_236 = arith.muli %scan3A_158, %mul3A_235 : i32
      %add3A_237 = arith.constant 16 : i32
      %add3A_238 = arith.addi %mul3A_236, %add3A_237 : i32
      %get3A_239 = arith.index_cast %add3A_238 : i32 to index
      %get3A_240 = tpu.vector_load %arg17[%get3A_239] {strides = array<i32>} : memref<2048xi32, #tpu.memory_space<vmem>>, vector<16xi32>,
      %add3A_241 = arith.constant 0 : i32
      %add3A_242 = arith.addi %add3A_241, %add3A_238 : i32
      %get3A_243 = arith.index_cast %add3A_242 : i32 to index
      %get3A_244 = tpu.vector_load %arg16[%get3A_243] {strides = array<i32>} : memref<6144xf32, #tpu.memory_space<vmem>>, vector<16xf32>,
      %jit3A_245 = arith.constant 0.000000e+00 : f32
      %jit3A_246 = arith.constant 2.550000e+02 : f32
      %max3A_247 = vector.broadcast %jit3A_245 : f32 to vector<16xf32>
      %max3A_248 = arith.maximumf %max3A_247, %get3A_244 : vector<16xf32>
      %min3A_249 = vector.broadcast %jit3A_246 : f32 to vector<16xf32>
      %min3A_250 = arith.minimumf %min3A_249, %max3A_248 : vector<16xf32>
      %convert_element_type3A_251 = arith.fptosi %min3A_250 : vector<16xf32> to vector<16xi32>
      %shift_right_arithmetic3A_252 = arith.constant 0 : i32
      %shift_right_arithmetic3A_253 = vector.broadcast %shift_right_arithmetic3A_252 : i32 to vector<16xi32>
      %shift_right_arithmetic3A_254 = arith.shrsi %get3A_240, %shift_right_arithmetic3A_253 : vector<16xi32>
      %and3A_255 = arith.constant 255 : i32
      %and3A_256 = vector.broadcast %and3A_255 : i32 to vector<16xi32>
      %and3A_257 = arith.andi %shift_right_arithmetic3A_254, %and3A_256 : vector<16xi32>
      %add3A_258 = arith.constant 0 : i32
      %add3A_259 = vector.broadcast %add3A_258 : i32 to vector<16xi32>
      %add3A_260 = arith.addi %add3A_259, %convert_element_type3A_251 : vector<16xi32>
      %add3A_261 = arith.addi %mul3A_87, %add3A_260 : vector<16xi32>
      tpu.vector_store_idx %arg18[%add3A_261], %broadcast_in_dim3A_37 {add = true} : memref<24576xi32, #tpu.memory_space<vmem>>[vector<16xi32>], vector<16xi32>,
      %add3A_262 = arith.constant 768 : i32
      %add3A_263 = vector.broadcast %add3A_262 : i32 to vector<16xi32>
      %add3A_264 = arith.addi %add3A_263, %and3A_257 : vector<16xi32>
      %add3A_265 = arith.addi %mul3A_87, %add3A_264 : vector<16xi32>
      tpu.vector_store_idx %arg18[%add3A_265], %broadcast_in_dim3A_37 {add = true} : memref<24576xi32, #tpu.memory_space<vmem>>[vector<16xi32>], vector<16xi32>,
      %add3A_266 = arith.constant 2048 : i32
      %add3A_267 = arith.addi %add3A_266, %add3A_238 : i32
      %get3A_268 = arith.index_cast %add3A_267 : i32 to index
      %get3A_269 = tpu.vector_load %arg16[%get3A_268] {strides = array<i32>} : memref<6144xf32, #tpu.memory_space<vmem>>, vector<16xf32>,
      %jit3A_270 = arith.constant 0.000000e+00 : f32
      %jit3A_271 = arith.constant 2.550000e+02 : f32
      %max3A_272 = vector.broadcast %jit3A_270 : f32 to vector<16xf32>
      %max3A_273 = arith.maximumf %max3A_272, %get3A_269 : vector<16xf32>
      %min3A_274 = vector.broadcast %jit3A_271 : f32 to vector<16xf32>
      %min3A_275 = arith.minimumf %min3A_274, %max3A_273 : vector<16xf32>
      %convert_element_type3A_276 = arith.fptosi %min3A_275 : vector<16xf32> to vector<16xi32>
      %shift_right_arithmetic3A_277 = arith.constant 8 : i32
      %shift_right_arithmetic3A_278 = vector.broadcast %shift_right_arithmetic3A_277 : i32 to vector<16xi32>
      %shift_right_arithmetic3A_279 = arith.shrsi %get3A_240, %shift_right_arithmetic3A_278 : vector<16xi32>
      %and3A_280 = arith.constant 255 : i32
      %and3A_281 = vector.broadcast %and3A_280 : i32 to vector<16xi32>
      %and3A_282 = arith.andi %shift_right_arithmetic3A_279, %and3A_281 : vector<16xi32>
      %add3A_283 = arith.constant 256 : i32
      %add3A_284 = vector.broadcast %add3A_283 : i32 to vector<16xi32>
      %add3A_285 = arith.addi %add3A_284, %convert_element_type3A_276 : vector<16xi32>
      %add3A_286 = arith.addi %mul3A_87, %add3A_285 : vector<16xi32>
      tpu.vector_store_idx %arg18[%add3A_286], %broadcast_in_dim3A_37 {add = true} : memref<24576xi32, #tpu.memory_space<vmem>>[vector<16xi32>], vector<16xi32>,
      %add3A_287 = arith.constant 1024 : i32
      %add3A_288 = vector.broadcast %add3A_287 : i32 to vector<16xi32>
      %add3A_289 = arith.addi %add3A_288, %and3A_282 : vector<16xi32>
      %add3A_290 = arith.addi %mul3A_87, %add3A_289 : vector<16xi32>
      tpu.vector_store_idx %arg18[%add3A_290], %broadcast_in_dim3A_37 {add = true} : memref<24576xi32, #tpu.memory_space<vmem>>[vector<16xi32>], vector<16xi32>,
      %add3A_291 = arith.constant 4096 : i32
      %add3A_292 = arith.addi %add3A_291, %add3A_238 : i32
      %get3A_293 = arith.index_cast %add3A_292 : i32 to index
      %get3A_294 = tpu.vector_load %arg16[%get3A_293] {strides = array<i32>} : memref<6144xf32, #tpu.memory_space<vmem>>, vector<16xf32>,
      %jit3A_295 = arith.constant 0.000000e+00 : f32
      %jit3A_296 = arith.constant 2.550000e+02 : f32
      %max3A_297 = vector.broadcast %jit3A_295 : f32 to vector<16xf32>
      %max3A_298 = arith.maximumf %max3A_297, %get3A_294 : vector<16xf32>
      %min3A_299 = vector.broadcast %jit3A_296 : f32 to vector<16xf32>
      %min3A_300 = arith.minimumf %min3A_299, %max3A_298 : vector<16xf32>
      %convert_element_type3A_301 = arith.fptosi %min3A_300 : vector<16xf32> to vector<16xi32>
      %shift_right_arithmetic3A_302 = arith.constant 16 : i32
      %shift_right_arithmetic3A_303 = vector.broadcast %shift_right_arithmetic3A_302 : i32 to vector<16xi32>
      %shift_right_arithmetic3A_304 = arith.shrsi %get3A_240, %shift_right_arithmetic3A_303 : vector<16xi32>
      %and3A_305 = arith.constant 255 : i32
      %and3A_306 = vector.broadcast %and3A_305 : i32 to vector<16xi32>
      %and3A_307 = arith.andi %shift_right_arithmetic3A_304, %and3A_306 : vector<16xi32>
      %add3A_308 = arith.constant 512 : i32
      %add3A_309 = vector.broadcast %add3A_308 : i32 to vector<16xi32>
      %add3A_310 = arith.addi %add3A_309, %convert_element_type3A_301 : vector<16xi32>
      %add3A_311 = arith.addi %mul3A_87, %add3A_310 : vector<16xi32>
      tpu.vector_store_idx %arg18[%add3A_311], %broadcast_in_dim3A_37 {add = true} : memref<24576xi32, #tpu.memory_space<vmem>>[vector<16xi32>], vector<16xi32>,
      %add3A_312 = arith.constant 1280 : i32
      %add3A_313 = vector.broadcast %add3A_312 : i32 to vector<16xi32>
      %add3A_314 = arith.addi %add3A_313, %and3A_307 : vector<16xi32>
      %add3A_315 = arith.addi %mul3A_87, %add3A_314 : vector<16xi32>
      tpu.vector_store_idx %arg18[%add3A_315], %broadcast_in_dim3A_37 {add = true} : memref<24576xi32, #tpu.memory_space<vmem>>[vector<16xi32>], vector<16xi32>,
      %scan3A_316 = arith.constant 0 : i32
      scf.yield %scan3A_316 : i32
    }
    %scan3A_94 = arith.constant 64 : i32
    %scan3A_95 = arith.constant 0 : i32
    %scan3A_96 = arith.constant 0 : i32
    %scan3A_97 = arith.constant 96 : i32
    %scan3A_98 = arith.addi %scan3A_96, %scan3A_97 : i32
    %scan3A_99 = arith.constant 1 : i32
    %scan3A_100 = scf.for %scan3A_158 = %scan3A_96 to %scan3A_98 step %scan3A_99 iter_args(%scan3A_159 = %scan3A_95) -> (i32)  : i32 {
      %mul3A_160 = arith.constant 16 : i32
      %mul3A_161 = arith.muli %scan3A_158, %mul3A_160 : i32
      %get3A = arith.index_cast %mul3A_161 : i32 to index
      %get3A_162 = tpu.vector_load %arg18[%get3A] {strides = array<i32>} : memref<24576xi32, #tpu.memory_space<vmem>>, vector<16xi32>,
      %mul3A_163 = arith.constant 16 : i32
      %mul3A_164 = arith.muli %scan3A_158, %mul3A_163 : i32
      %add3A_165 = arith.constant 1536 : i32
      %add3A_166 = arith.addi %add3A_165, %mul3A_164 : i32
      %get3A_167 = arith.index_cast %add3A_166 : i32 to index
      %get3A_168 = tpu.vector_load %arg18[%get3A_167] {strides = array<i32>} : memref<24576xi32, #tpu.memory_space<vmem>>, vector<16xi32>,
      %add3A_169 = arith.addi %get3A_162, %get3A_168 : vector<16xi32>
      %mul3A_170 = arith.constant 16 : i32
      %mul3A_171 = arith.muli %scan3A_158, %mul3A_170 : i32
      %add3A_172 = arith.constant 3072 : i32
      %add3A_173 = arith.addi %add3A_172, %mul3A_171 : i32
      %get3A_174 = arith.index_cast %add3A_173 : i32 to index
      %get3A_175 = tpu.vector_load %arg18[%get3A_174] {strides = array<i32>} : memref<24576xi32, #tpu.memory_space<vmem>>, vector<16xi32>,
      %add3A_176 = arith.addi %add3A_169, %get3A_175 : vector<16xi32>
      %mul3A_177 = arith.constant 16 : i32
      %mul3A_178 = arith.muli %scan3A_158, %mul3A_177 : i32
      %add3A_179 = arith.constant 4608 : i32
      %add3A_180 = arith.addi %add3A_179, %mul3A_178 : i32
      %get3A_181 = arith.index_cast %add3A_180 : i32 to index
      %get3A_182 = tpu.vector_load %arg18[%get3A_181] {strides = array<i32>} : memref<24576xi32, #tpu.memory_space<vmem>>, vector<16xi32>,
      %add3A_183 = arith.addi %add3A_176, %get3A_182 : vector<16xi32>
      %mul3A_184 = arith.constant 16 : i32
      %mul3A_185 = arith.muli %scan3A_158, %mul3A_184 : i32
      %add3A_186 = arith.constant 6144 : i32
      %add3A_187 = arith.addi %add3A_186, %mul3A_185 : i32
      %get3A_188 = arith.index_cast %add3A_187 : i32 to index
      %get3A_189 = tpu.vector_load %arg18[%get3A_188] {strides = array<i32>} : memref<24576xi32, #tpu.memory_space<vmem>>, vector<16xi32>,
      %add3A_190 = arith.addi %add3A_183, %get3A_189 : vector<16xi32>
      %mul3A_191 = arith.constant 16 : i32
      %mul3A_192 = arith.muli %scan3A_158, %mul3A_191 : i32
      %add3A_193 = arith.constant 7680 : i32
      %add3A_194 = arith.addi %add3A_193, %mul3A_192 : i32
      %get3A_195 = arith.index_cast %add3A_194 : i32 to index
      %get3A_196 = tpu.vector_load %arg18[%get3A_195] {strides = array<i32>} : memref<24576xi32, #tpu.memory_space<vmem>>, vector<16xi32>,
      %add3A_197 = arith.addi %add3A_190, %get3A_196 : vector<16xi32>
      %mul3A_198 = arith.constant 16 : i32
      %mul3A_199 = arith.muli %scan3A_158, %mul3A_198 : i32
      %add3A_200 = arith.constant 9216 : i32
      %add3A_201 = arith.addi %add3A_200, %mul3A_199 : i32
      %get3A_202 = arith.index_cast %add3A_201 : i32 to index
      %get3A_203 = tpu.vector_load %arg18[%get3A_202] {strides = array<i32>} : memref<24576xi32, #tpu.memory_space<vmem>>, vector<16xi32>,
      %add3A_204 = arith.addi %add3A_197, %get3A_203 : vector<16xi32>
      %mul3A_205 = arith.constant 16 : i32
      %mul3A_206 = arith.muli %scan3A_158, %mul3A_205 : i32
      %add3A_207 = arith.constant 10752 : i32
      %add3A_208 = arith.addi %add3A_207, %mul3A_206 : i32
      %get3A_209 = arith.index_cast %add3A_208 : i32 to index
      %get3A_210 = tpu.vector_load %arg18[%get3A_209] {strides = array<i32>} : memref<24576xi32, #tpu.memory_space<vmem>>, vector<16xi32>,
      %add3A_211 = arith.addi %add3A_204, %get3A_210 : vector<16xi32>
      %mul3A_212 = arith.constant 16 : i32
      %mul3A_213 = arith.muli %scan3A_158, %mul3A_212 : i32
      %add3A_214 = arith.constant 12288 : i32
      %add3A_215 = arith.addi %add3A_214, %mul3A_213 : i32
      %get3A_216 = arith.index_cast %add3A_215 : i32 to index
      %get3A_217 = tpu.vector_load %arg18[%get3A_216] {strides = array<i32>} : memref<24576xi32, #tpu.memory_space<vmem>>, vector<16xi32>,
      %add3A_218 = arith.addi %add3A_211, %get3A_217 : vector<16xi32>
      %mul3A_219 = arith.constant 16 : i32
      %mul3A_220 = arith.muli %scan3A_158, %mul3A_219 : i32
      %add3A_221 = arith.constant 13824 : i32
      %add3A_222 = arith.addi %add3A_221, %mul3A_220 : i32
      %get3A_223 = arith.index_cast %add3A_222 : i32 to index
      %get3A_224 = tpu.vector_load %arg18[%get3A_223] {strides = array<i32>} : memref<24576xi32, #tpu.memory_space<vmem>>, vector<16xi32>,
      %add3A_225 = arith.addi %add3A_218, %get3A_224 : vector<16xi32>
      %mul3A_226 = arith.constant 16 : i32
      %mul3A_227 = arith.muli %scan3A_158, %mul3A_226 : i32
      %add3A_228 = arith.constant 15360 : i32
      %add3A_229 = arith.addi %add3A_228, %mul3A_227 : i32
      %get3A_230 = arith.index_cast %add3A_229 : i32 to index
      %get3A_231 = tpu.vector_load %arg18[%get3A_230] {strides = array<i32>} : memref<24576xi32, #tpu.memory_space<vmem>>, vector<16xi32>,
      %add3A_232 = arith.addi %add3A_225, %get3A_231 : vector<16xi32>
      %mul3A_233 = arith.constant 16 : i32
      %mul3A_234 = arith.muli %scan3A_158, %mul3A_233 : i32
      %add3A_235 = arith.constant 16896 : i32
      %add3A_236 = arith.addi %add3A_235, %mul3A_234 : i32
      %get3A_237 = arith.index_cast %add3A_236 : i32 to index
      %get3A_238 = tpu.vector_load %arg18[%get3A_237] {strides = array<i32>} : memref<24576xi32, #tpu.memory_space<vmem>>, vector<16xi32>,
      %add3A_239 = arith.addi %add3A_232, %get3A_238 : vector<16xi32>
      %mul3A_240 = arith.constant 16 : i32
      %mul3A_241 = arith.muli %scan3A_158, %mul3A_240 : i32
      %add3A_242 = arith.constant 18432 : i32
      %add3A_243 = arith.addi %add3A_242, %mul3A_241 : i32
      %get3A_244 = arith.index_cast %add3A_243 : i32 to index
      %get3A_245 = tpu.vector_load %arg18[%get3A_244] {strides = array<i32>} : memref<24576xi32, #tpu.memory_space<vmem>>, vector<16xi32>,
      %add3A_246 = arith.addi %add3A_239, %get3A_245 : vector<16xi32>
      %mul3A_247 = arith.constant 16 : i32
      %mul3A_248 = arith.muli %scan3A_158, %mul3A_247 : i32
      %add3A_249 = arith.constant 19968 : i32
      %add3A_250 = arith.addi %add3A_249, %mul3A_248 : i32
      %get3A_251 = arith.index_cast %add3A_250 : i32 to index
      %get3A_252 = tpu.vector_load %arg18[%get3A_251] {strides = array<i32>} : memref<24576xi32, #tpu.memory_space<vmem>>, vector<16xi32>,
      %add3A_253 = arith.addi %add3A_246, %get3A_252 : vector<16xi32>
      %mul3A_254 = arith.constant 16 : i32
      %mul3A_255 = arith.muli %scan3A_158, %mul3A_254 : i32
      %add3A_256 = arith.constant 21504 : i32
      %add3A_257 = arith.addi %add3A_256, %mul3A_255 : i32
      %get3A_258 = arith.index_cast %add3A_257 : i32 to index
      %get3A_259 = tpu.vector_load %arg18[%get3A_258] {strides = array<i32>} : memref<24576xi32, #tpu.memory_space<vmem>>, vector<16xi32>,
      %add3A_260 = arith.addi %add3A_253, %get3A_259 : vector<16xi32>
      %mul3A_261 = arith.constant 16 : i32
      %mul3A_262 = arith.muli %scan3A_158, %mul3A_261 : i32
      %add3A_263 = arith.constant 23040 : i32
      %add3A_264 = arith.addi %add3A_263, %mul3A_262 : i32
      %get3A_265 = arith.index_cast %add3A_264 : i32 to index
      %get3A_266 = tpu.vector_load %arg18[%get3A_265] {strides = array<i32>} : memref<24576xi32, #tpu.memory_space<vmem>>, vector<16xi32>,
      %add3A_267 = arith.addi %add3A_260, %get3A_266 : vector<16xi32>
      %mul3A_268 = arith.constant 16 : i32
      %mul3A_269 = arith.muli %scan3A_158, %mul3A_268 : i32
      %swap3A = arith.index_cast %mul3A_269 : i32 to index
      %swap3A_270 = tpu.vector_load %arg19[%swap3A] {strides = array<i32>} : memref<1536xi32, #tpu.memory_space<vmem>>, vector<16xi32>,
      tpu.vector_store %arg19[%swap3A], %add3A_267 {strides = array<i32>} : memref<1536xi32, #tpu.memory_space<vmem>>, vector<16xi32>,
      %scan3A_271 = arith.constant 0 : i32
      scf.yield %scan3A_271 : i32
    }
    %scan3A_101 = arith.constant 96 : i32
    %mul3A_102 = arith.constant 1536 : i32
    %mul3A_103 = arith.muli %add3A, %mul3A_102 : i32
    %dma_start3A_104 = tpu.memref_slice %arg8[%mul3A_103] : memref<49152xi32, #tpu.memory_space<hbm>> -> memref<1536xi32, #tpu.memory_space<hbm>>
    %dma_start3A_105 = tpu.memref_slice %arg8[%mul3A_103] : memref<49152xi32, #tpu.memory_space<hbm>> -> memref<1536xi32, #tpu.memory_space<hbm>>
    tpu.enqueue_dma source(%arg19 : memref<1536xi32, #tpu.memory_space<vmem>>) target(%dma_start3A_105 : memref<1536xi32, #tpu.memory_space<hbm>>) target_semaphore(%arg26 : memref<!tpu.dma_semaphore, #tpu.memory_space<semaphore_mem>>)
    %add3A_106 = arith.constant 0 : i32
    %add3A_107 = arith.addi %add3A_106, %mul3A_2 : i32
    %dma_start3A_108 = arith.constant 0 : i32
    %dma_start3A_109 = tpu.memref_slice %arg16[%dma_start3A_108] : memref<6144xf32, #tpu.memory_space<vmem>> -> memref<2048xf32, #tpu.memory_space<vmem>>
    %dma_start3A_110 = tpu.memref_slice %arg12[%add3A_107] : memref<196608xf32, #tpu.memory_space<hbm>> -> memref<2048xf32, #tpu.memory_space<hbm>>
    %dma_start3A_111 = tpu.memref_slice %arg12[%add3A_107] : memref<196608xf32, #tpu.memory_space<hbm>> -> memref<2048xf32, #tpu.memory_space<hbm>>
    %dma_start3A_112 = arith.constant 0 : i32
    %dma_start3A_113 = tpu.memref_slice %arg16[%dma_start3A_112] : memref<6144xf32, #tpu.memory_space<vmem>> -> memref<2048xf32, #tpu.memory_space<vmem>>
    tpu.enqueue_dma source(%dma_start3A_113 : memref<2048xf32, #tpu.memory_space<vmem>>) target(%dma_start3A_111 : memref<2048xf32, #tpu.memory_space<hbm>>) target_semaphore(%arg26 : memref<!tpu.dma_semaphore, #tpu.memory_space<semaphore_mem>>)
    %add3A_114 = arith.constant 65536 : i32
    %add3A_115 = arith.addi %add3A_114, %mul3A_2 : i32
    %dma_start3A_116 = arith.constant 2048 : i32
    %dma_start3A_117 = tpu.memref_slice %arg16[%dma_start3A_116] : memref<6144xf32, #tpu.memory_space<vmem>> -> memref<2048xf32, #tpu.memory_space<vmem>>
    %dma_start3A_118 = tpu.memref_slice %arg12[%add3A_115] : memref<196608xf32, #tpu.memory_space<hbm>> -> memref<2048xf32, #tpu.memory_space<hbm>>
    %dma_start3A_119 = tpu.memref_slice %arg12[%add3A_115] : memref<196608xf32, #tpu.memory_space<hbm>> -> memref<2048xf32, #tpu.memory_space<hbm>>
    %dma_start3A_120 = arith.constant 2048 : i32
    %dma_start3A_121 = tpu.memref_slice %arg16[%dma_start3A_120] : memref<6144xf32, #tpu.memory_space<vmem>> -> memref<2048xf32, #tpu.memory_space<vmem>>
    tpu.enqueue_dma source(%dma_start3A_121 : memref<2048xf32, #tpu.memory_space<vmem>>) target(%dma_start3A_119 : memref<2048xf32, #tpu.memory_space<hbm>>) target_semaphore(%arg26 : memref<!tpu.dma_semaphore, #tpu.memory_space<semaphore_mem>>)
    %add3A_122 = arith.constant 131072 : i32
    %add3A_123 = arith.addi %add3A_122, %mul3A_2 : i32
    %dma_start3A_124 = arith.constant 4096 : i32
    %dma_start3A_125 = tpu.memref_slice %arg16[%dma_start3A_124] : memref<6144xf32, #tpu.memory_space<vmem>> -> memref<2048xf32, #tpu.memory_space<vmem>>
    %dma_start3A_126 = tpu.memref_slice %arg12[%add3A_123] : memref<196608xf32, #tpu.memory_space<hbm>> -> memref<2048xf32, #tpu.memory_space<hbm>>
    %dma_start3A_127 = tpu.memref_slice %arg12[%add3A_123] : memref<196608xf32, #tpu.memory_space<hbm>> -> memref<2048xf32, #tpu.memory_space<hbm>>
    %dma_start3A_128 = arith.constant 4096 : i32
    %dma_start3A_129 = tpu.memref_slice %arg16[%dma_start3A_128] : memref<6144xf32, #tpu.memory_space<vmem>> -> memref<2048xf32, #tpu.memory_space<vmem>>
    tpu.enqueue_dma source(%dma_start3A_129 : memref<2048xf32, #tpu.memory_space<vmem>>) target(%dma_start3A_127 : memref<2048xf32, #tpu.memory_space<hbm>>) target_semaphore(%arg26 : memref<!tpu.dma_semaphore, #tpu.memory_space<semaphore_mem>>)
    %dma_wait3A_130 = tpu.memref_slice %arg8[%mul3A_103] : memref<49152xi32, #tpu.memory_space<hbm>> -> memref<1536xi32, #tpu.memory_space<hbm>>
    %dma_wait3A_131 = tpu.memref_slice %arg8[%mul3A_103] : memref<49152xi32, #tpu.memory_space<hbm>> -> memref<1536xi32, #tpu.memory_space<hbm>>
    tpu.wait_dma2 semaphore(%arg26 : memref<!tpu.dma_semaphore, #tpu.memory_space<semaphore_mem>>) src(%arg19 : memref<1536xi32, #tpu.memory_space<vmem>>) dst(%dma_wait3A_131 : memref<1536xi32, #tpu.memory_space<hbm>>)
    %dma_wait3A_132 = arith.constant 0 : i32
    %dma_wait3A_133 = tpu.memref_slice %arg16[%dma_wait3A_132] : memref<6144xf32, #tpu.memory_space<vmem>> -> memref<2048xf32, #tpu.memory_space<vmem>>
    %dma_wait3A_134 = tpu.memref_slice %arg12[%add3A_107] : memref<196608xf32, #tpu.memory_space<hbm>> -> memref<2048xf32, #tpu.memory_space<hbm>>
    %dma_wait3A_135 = tpu.memref_slice %arg12[%add3A_107] : memref<196608xf32, #tpu.memory_space<hbm>> -> memref<2048xf32, #tpu.memory_space<hbm>>
    %dma_wait3A_136 = arith.constant 0 : i32
    %dma_wait3A_137 = tpu.memref_slice %arg16[%dma_wait3A_136] : memref<6144xf32, #tpu.memory_space<vmem>> -> memref<2048xf32, #tpu.memory_space<vmem>>
    tpu.wait_dma2 semaphore(%arg26 : memref<!tpu.dma_semaphore, #tpu.memory_space<semaphore_mem>>) src(%dma_wait3A_137 : memref<2048xf32, #tpu.memory_space<vmem>>) dst(%dma_wait3A_135 : memref<2048xf32, #tpu.memory_space<hbm>>)
    %dma_wait3A_138 = arith.constant 2048 : i32
    %dma_wait3A_139 = tpu.memref_slice %arg16[%dma_wait3A_138] : memref<6144xf32, #tpu.memory_space<vmem>> -> memref<2048xf32, #tpu.memory_space<vmem>>
    %dma_wait3A_140 = tpu.memref_slice %arg12[%add3A_115] : memref<196608xf32, #tpu.memory_space<hbm>> -> memref<2048xf32, #tpu.memory_space<hbm>>
    %dma_wait3A_141 = tpu.memref_slice %arg12[%add3A_115] : memref<196608xf32, #tpu.memory_space<hbm>> -> memref<2048xf32, #tpu.memory_space<hbm>>
    %dma_wait3A_142 = arith.constant 2048 : i32
    %dma_wait3A_143 = tpu.memref_slice %arg16[%dma_wait3A_142] : memref<6144xf32, #tpu.memory_space<vmem>> -> memref<2048xf32, #tpu.memory_space<vmem>>
    tpu.wait_dma2 semaphore(%arg26 : memref<!tpu.dma_semaphore, #tpu.memory_space<semaphore_mem>>) src(%dma_wait3A_143 : memref<2048xf32, #tpu.memory_space<vmem>>) dst(%dma_wait3A_141 : memref<2048xf32, #tpu.memory_space<hbm>>)
    %dma_wait3A_144 = arith.constant 4096 : i32
    %dma_wait3A_145 = tpu.memref_slice %arg16[%dma_wait3A_144] : memref<6144xf32, #tpu.memory_space<vmem>> -> memref<2048xf32, #tpu.memory_space<vmem>>
    %dma_wait3A_146 = tpu.memref_slice %arg12[%add3A_123] : memref<196608xf32, #tpu.memory_space<hbm>> -> memref<2048xf32, #tpu.memory_space<hbm>>
    %dma_wait3A_147 = tpu.memref_slice %arg12[%add3A_123] : memref<196608xf32, #tpu.memory_space<hbm>> -> memref<2048xf32, #tpu.memory_space<hbm>>
    %dma_wait3A_148 = arith.constant 4096 : i32
    %dma_wait3A_149 = tpu.memref_slice %arg16[%dma_wait3A_148] : memref<6144xf32, #tpu.memory_space<vmem>> -> memref<2048xf32, #tpu.memory_space<vmem>>
    tpu.wait_dma2 semaphore(%arg26 : memref<!tpu.dma_semaphore, #tpu.memory_space<semaphore_mem>>) src(%dma_wait3A_149 : memref<2048xf32, #tpu.memory_space<vmem>>) dst(%dma_wait3A_147 : memref<2048xf32, #tpu.memory_space<hbm>>)
    %barrier3A_150 = arith.constant 0 : index
    tpu.barrier barrier_id(%barrier3A_150)
    "tpu.region"() ({
      %run_scoped3A = tpu.sem_alloc : memref<!tpu.dma_semaphore, #tpu.memory_space<semaphore_mem>>
      %dma_start3A_158 = tpu.memref_slice %arg25[%mul3A_4] : memref<262144xi32, #tpu.memory_space<vmem_shared>> -> memref<16384xi32, #tpu.memory_space<vmem_shared>>
      %dma_start3A_159 = tpu.memref_slice %arg25[%mul3A_4] : memref<262144xi32, #tpu.memory_space<vmem_shared>> -> memref<16384xi32, #tpu.memory_space<vmem_shared>>
      tpu.enqueue_dma source(%dma_start3A_159 : memref<16384xi32, #tpu.memory_space<vmem_shared>>) target(%arg21 : memref<16384xi32, #tpu.memory_space<vmem>>) target_semaphore(%run_scoped3A : memref<!tpu.dma_semaphore, #tpu.memory_space<semaphore_mem>>)
      %dma_wait3A_160 = tpu.memref_slice %arg25[%mul3A_4] : memref<262144xi32, #tpu.memory_space<vmem_shared>> -> memref<16384xi32, #tpu.memory_space<vmem_shared>>
      %dma_wait3A_161 = tpu.memref_slice %arg25[%mul3A_4] : memref<262144xi32, #tpu.memory_space<vmem_shared>> -> memref<16384xi32, #tpu.memory_space<vmem_shared>>
      tpu.wait_dma2 semaphore(%run_scoped3A : memref<!tpu.dma_semaphore, #tpu.memory_space<semaphore_mem>>) src(%dma_wait3A_161 : memref<16384xi32, #tpu.memory_space<vmem_shared>>) dst(%arg21 : memref<16384xi32, #tpu.memory_space<vmem>>)
      tpu.yield
    }) : () -> ()
    %eq3A = arith.constant 0 : i32
    %eq3A_151 = arith.cmpi eq, %arg0, %eq3A : i32
    %convert_element_type3A = arith.extui %eq3A_151 : i1 to i32
    %cond3A = arith.constant 0 : i32
    %cond3A_152 = arith.cmpi ne, %convert_element_type3A, %cond3A : i32
    scf.if %cond3A_152 {
      "tpu.region"() ({
        %run_scoped3A = tpu.sem_alloc : memref<!tpu.dma_semaphore, #tpu.memory_space<semaphore_mem>>
        %dma_start3A_158 = tpu.memref_slice %arg9[%mul3A_4] : memref<262144xi32, #tpu.memory_space<hbm>> -> memref<16384xi32, #tpu.memory_space<hbm>>
        %dma_start3A_159 = tpu.memref_slice %arg9[%mul3A_4] : memref<262144xi32, #tpu.memory_space<hbm>> -> memref<16384xi32, #tpu.memory_space<hbm>>
        tpu.enqueue_dma source(%arg21 : memref<16384xi32, #tpu.memory_space<vmem>>) target(%dma_start3A_159 : memref<16384xi32, #tpu.memory_space<hbm>>) target_semaphore(%run_scoped3A : memref<!tpu.dma_semaphore, #tpu.memory_space<semaphore_mem>>)
        %dma_wait3A_160 = tpu.memref_slice %arg9[%mul3A_4] : memref<262144xi32, #tpu.memory_space<hbm>> -> memref<16384xi32, #tpu.memory_space<hbm>>
        %dma_wait3A_161 = tpu.memref_slice %arg9[%mul3A_4] : memref<262144xi32, #tpu.memory_space<hbm>> -> memref<16384xi32, #tpu.memory_space<hbm>>
        tpu.wait_dma2 semaphore(%run_scoped3A : memref<!tpu.dma_semaphore, #tpu.memory_space<semaphore_mem>>) src(%arg21 : memref<16384xi32, #tpu.memory_space<vmem>>) dst(%dma_wait3A_161 : memref<16384xi32, #tpu.memory_space<hbm>>)
        tpu.yield
      }) : () -> ()
    } else {
    }
    %eq3A_153 = arith.constant 1 : i32
    %eq3A_154 = arith.cmpi eq, %arg0, %eq3A_153 : i32
    %convert_element_type3A_155 = arith.extui %eq3A_154 : i1 to i32
    %cond3A_156 = arith.constant 0 : i32
    %cond3A_157 = arith.cmpi ne, %convert_element_type3A_155, %cond3A_156 : i32
    scf.if %cond3A_157 {
      "tpu.region"() ({
        %run_scoped3A = tpu.sem_alloc : memref<!tpu.dma_semaphore, #tpu.memory_space<semaphore_mem>>
        %dma_start3A_158 = tpu.memref_slice %arg10[%mul3A_4] : memref<262144xi32, #tpu.memory_space<hbm>> -> memref<16384xi32, #tpu.memory_space<hbm>>
        %dma_start3A_159 = tpu.memref_slice %arg10[%mul3A_4] : memref<262144xi32, #tpu.memory_space<hbm>> -> memref<16384xi32, #tpu.memory_space<hbm>>
        tpu.enqueue_dma source(%arg21 : memref<16384xi32, #tpu.memory_space<vmem>>) target(%dma_start3A_159 : memref<16384xi32, #tpu.memory_space<hbm>>) target_semaphore(%run_scoped3A : memref<!tpu.dma_semaphore, #tpu.memory_space<semaphore_mem>>)
        %dma_wait3A_160 = tpu.memref_slice %arg10[%mul3A_4] : memref<262144xi32, #tpu.memory_space<hbm>> -> memref<16384xi32, #tpu.memory_space<hbm>>
        %dma_wait3A_161 = tpu.memref_slice %arg10[%mul3A_4] : memref<262144xi32, #tpu.memory_space<hbm>> -> memref<16384xi32, #tpu.memory_space<hbm>>
        tpu.wait_dma2 semaphore(%run_scoped3A : memref<!tpu.dma_semaphore, #tpu.memory_space<semaphore_mem>>) src(%arg21 : memref<16384xi32, #tpu.memory_space<vmem>>) dst(%dma_wait3A_161 : memref<16384xi32, #tpu.memory_space<hbm>>)
        tpu.yield
      }) : () -> ()
    } else {
    }
    return
  }
}

#map = affine_map<(d0, d1) -> (0)>
module attributes {stable_mosaic.version = 14 : i64} {
  func.func @_sc_correction(%arg0: i32, %arg1: i32, %arg2: memref<768xf32, #tpu.memory_space<hbm>>, %arg3: memref<262144xi32, #tpu.memory_space<hbm>>, %arg4: memref<262144xi32, #tpu.memory_space<hbm>>, %arg5: memref<65536xi32, #tpu.memory_space<hbm>>, %arg6: memref<196608xf32, #tpu.memory_space<hbm>>, %arg7: memref<262144xf32, #tpu.memory_space<hbm>>, %arg8: memref<262144xf32, #tpu.memory_space<hbm>>, %arg9: memref<262144xf32, #tpu.memory_space<hbm>>, %arg10: memref<512xf32, #tpu.memory_space<hbm>>, %arg11: memref<2048xi32, #tpu.memory_space<vmem>>, %arg12: memref<2048xi32, #tpu.memory_space<vmem>>, %arg13: memref<2048xi32, #tpu.memory_space<vmem>>, %arg14: memref<768xf32, #tpu.memory_space<vmem>>, %arg15: memref<6144xf32, #tpu.memory_space<vmem>>, %arg16: memref<6144xf32, #tpu.memory_space<vmem>>, %arg17: memref<16xf32, #tpu.memory_space<vmem>>, %arg18: memref<262144xf32, #tpu.memory_space<vmem_shared>>, %arg19: memref<262144xf32, #tpu.memory_space<vmem_shared>>, %arg20: memref<262144xf32, #tpu.memory_space<vmem_shared>>, %arg21: memref<!tpu.dma_semaphore, #tpu.memory_space<semaphore_mem>>, %arg22: memref<!tpu.dma_semaphore, #tpu.memory_space<semaphore_mem>>) attributes {dimension_semantics = [#tpu.dimension_semantics<core_parallel>, #tpu.dimension_semantics<subcore_parallel>], iteration_bounds = array<i64: 2, 16>, scalar_prefetch = 0 : i64, scratch_operands = 12 : i64, tpu.core_type = #tpu.core_type<sc_vector_subcore>, window_params = [{transform_indices = #map}, {transform_indices = #map}, {transform_indices = #map}, {transform_indices = #map}, {transform_indices = #map}, {transform_indices = #map}, {transform_indices = #map}, {transform_indices = #map}, {transform_indices = #map}]} {
    %mul3A = arith.constant 2 : i32
    %mul3A_0 = arith.muli %arg1, %mul3A : i32
    %add3A = arith.addi %mul3A_0, %arg0 : i32
    %mul3A_1 = arith.constant 2048 : i32
    %mul3A_2 = arith.muli %add3A, %mul3A_1 : i32
    %mul3A_3 = arith.constant 16384 : i32
    %mul3A_4 = arith.muli %arg1, %mul3A_3 : i32
    %dma_start3A = tpu.memref_slice %arg18[%mul3A_4] : memref<262144xf32, #tpu.memory_space<vmem_shared>> -> memref<16384xf32, #tpu.memory_space<vmem_shared>>
    %dma_start3A_5 = tpu.memref_slice %arg7[%mul3A_4] : memref<262144xf32, #tpu.memory_space<hbm>> -> memref<16384xf32, #tpu.memory_space<hbm>>
    tpu.enqueue_dma source(%dma_start3A_5 : memref<16384xf32, #tpu.memory_space<hbm>>) target(%dma_start3A : memref<16384xf32, #tpu.memory_space<vmem_shared>>) target_semaphore(%arg21 : memref<!tpu.dma_semaphore, #tpu.memory_space<semaphore_mem>>)
    %dma_start3A_6 = tpu.memref_slice %arg19[%mul3A_4] : memref<262144xf32, #tpu.memory_space<vmem_shared>> -> memref<16384xf32, #tpu.memory_space<vmem_shared>>
    %dma_start3A_7 = tpu.memref_slice %arg8[%mul3A_4] : memref<262144xf32, #tpu.memory_space<hbm>> -> memref<16384xf32, #tpu.memory_space<hbm>>
    tpu.enqueue_dma source(%dma_start3A_7 : memref<16384xf32, #tpu.memory_space<hbm>>) target(%dma_start3A_6 : memref<16384xf32, #tpu.memory_space<vmem_shared>>) target_semaphore(%arg21 : memref<!tpu.dma_semaphore, #tpu.memory_space<semaphore_mem>>)
    %dma_start3A_8 = tpu.memref_slice %arg20[%mul3A_4] : memref<262144xf32, #tpu.memory_space<vmem_shared>> -> memref<16384xf32, #tpu.memory_space<vmem_shared>>
    %dma_start3A_9 = tpu.memref_slice %arg9[%mul3A_4] : memref<262144xf32, #tpu.memory_space<hbm>> -> memref<16384xf32, #tpu.memory_space<hbm>>
    tpu.enqueue_dma source(%dma_start3A_9 : memref<16384xf32, #tpu.memory_space<hbm>>) target(%dma_start3A_8 : memref<16384xf32, #tpu.memory_space<vmem_shared>>) target_semaphore(%arg21 : memref<!tpu.dma_semaphore, #tpu.memory_space<semaphore_mem>>)
    "tpu.region"() ({
      %run_scoped3A = tpu.sem_alloc : memref<!tpu.dma_semaphore, #tpu.memory_space<semaphore_mem>>
      %dma_start3A_64 = tpu.memref_slice %arg5[%mul3A_2] : memref<65536xi32, #tpu.memory_space<hbm>> -> memref<2048xi32, #tpu.memory_space<hbm>>
      %dma_start3A_65 = tpu.memref_slice %arg5[%mul3A_2] : memref<65536xi32, #tpu.memory_space<hbm>> -> memref<2048xi32, #tpu.memory_space<hbm>>
      tpu.enqueue_dma source(%dma_start3A_65 : memref<2048xi32, #tpu.memory_space<hbm>>) target(%arg11 : memref<2048xi32, #tpu.memory_space<vmem>>) target_semaphore(%run_scoped3A : memref<!tpu.dma_semaphore, #tpu.memory_space<semaphore_mem>>)
      %dma_wait3A_66 = tpu.memref_slice %arg5[%mul3A_2] : memref<65536xi32, #tpu.memory_space<hbm>> -> memref<2048xi32, #tpu.memory_space<hbm>>
      %dma_wait3A_67 = tpu.memref_slice %arg5[%mul3A_2] : memref<65536xi32, #tpu.memory_space<hbm>> -> memref<2048xi32, #tpu.memory_space<hbm>>
      tpu.wait_dma2 semaphore(%run_scoped3A : memref<!tpu.dma_semaphore, #tpu.memory_space<semaphore_mem>>) src(%dma_wait3A_67 : memref<2048xi32, #tpu.memory_space<hbm>>) dst(%arg11 : memref<2048xi32, #tpu.memory_space<vmem>>)
      tpu.yield
    }) : () -> ()
    %dma_start3A_10 = arith.constant 0 : i32
    %dma_start3A_11 = tpu.memref_slice %arg3[%dma_start3A_10] : memref<262144xi32, #tpu.memory_space<hbm>> -> memref<262144xi32, #tpu.memory_space<hbm>>
    tpu.enqueue_indirect_dma source(%dma_start3A_11 : memref<262144xi32, #tpu.memory_space<hbm>>) target(%arg12 : memref<2048xi32, #tpu.memory_space<vmem>>) offsets(%arg11 : memref<2048xi32, #tpu.memory_space<vmem>>) semaphore(%arg22 : memref<!tpu.dma_semaphore, #tpu.memory_space<semaphore_mem>>)
    %dma_start3A_12 = arith.constant 0 : i32
    %dma_start3A_13 = tpu.memref_slice %arg4[%dma_start3A_12] : memref<262144xi32, #tpu.memory_space<hbm>> -> memref<262144xi32, #tpu.memory_space<hbm>>
    tpu.enqueue_indirect_dma source(%dma_start3A_13 : memref<262144xi32, #tpu.memory_space<hbm>>) target(%arg13 : memref<2048xi32, #tpu.memory_space<vmem>>) offsets(%arg11 : memref<2048xi32, #tpu.memory_space<vmem>>) semaphore(%arg22 : memref<!tpu.dma_semaphore, #tpu.memory_space<semaphore_mem>>)
    "tpu.region"() ({
      %run_scoped3A = tpu.sem_alloc : memref<!tpu.dma_semaphore, #tpu.memory_space<semaphore_mem>>
      tpu.enqueue_dma source(%arg2 : memref<768xf32, #tpu.memory_space<hbm>>) target(%arg14 : memref<768xf32, #tpu.memory_space<vmem>>) target_semaphore(%run_scoped3A : memref<!tpu.dma_semaphore, #tpu.memory_space<semaphore_mem>>)
      tpu.wait_dma2 semaphore(%run_scoped3A : memref<!tpu.dma_semaphore, #tpu.memory_space<semaphore_mem>>) src(%arg2 : memref<768xf32, #tpu.memory_space<hbm>>) dst(%arg14 : memref<768xf32, #tpu.memory_space<vmem>>)
      tpu.yield
    }) : () -> ()
    %add3A_14 = arith.constant 0 : i32
    %add3A_15 = arith.addi %add3A_14, %mul3A_2 : i32
    "tpu.region"() ({
      %run_scoped3A = tpu.sem_alloc : memref<!tpu.dma_semaphore, #tpu.memory_space<semaphore_mem>>
      %dma_start3A_64 = arith.constant 0 : i32
      %dma_start3A_65 = tpu.memref_slice %arg16[%dma_start3A_64] : memref<6144xf32, #tpu.memory_space<vmem>> -> memref<2048xf32, #tpu.memory_space<vmem>>
      %dma_start3A_66 = tpu.memref_slice %arg6[%add3A_15] : memref<196608xf32, #tpu.memory_space<hbm>> -> memref<2048xf32, #tpu.memory_space<hbm>>
      %dma_start3A_67 = arith.constant 0 : i32
      %dma_start3A_68 = tpu.memref_slice %arg16[%dma_start3A_67] : memref<6144xf32, #tpu.memory_space<vmem>> -> memref<2048xf32, #tpu.memory_space<vmem>>
      %dma_start3A_69 = tpu.memref_slice %arg6[%add3A_15] : memref<196608xf32, #tpu.memory_space<hbm>> -> memref<2048xf32, #tpu.memory_space<hbm>>
      tpu.enqueue_dma source(%dma_start3A_69 : memref<2048xf32, #tpu.memory_space<hbm>>) target(%dma_start3A_68 : memref<2048xf32, #tpu.memory_space<vmem>>) target_semaphore(%run_scoped3A : memref<!tpu.dma_semaphore, #tpu.memory_space<semaphore_mem>>)
      %dma_wait3A_70 = arith.constant 0 : i32
      %dma_wait3A_71 = tpu.memref_slice %arg16[%dma_wait3A_70] : memref<6144xf32, #tpu.memory_space<vmem>> -> memref<2048xf32, #tpu.memory_space<vmem>>
      %dma_wait3A_72 = tpu.memref_slice %arg6[%add3A_15] : memref<196608xf32, #tpu.memory_space<hbm>> -> memref<2048xf32, #tpu.memory_space<hbm>>
      %dma_wait3A_73 = arith.constant 0 : i32
      %dma_wait3A_74 = tpu.memref_slice %arg16[%dma_wait3A_73] : memref<6144xf32, #tpu.memory_space<vmem>> -> memref<2048xf32, #tpu.memory_space<vmem>>
      %dma_wait3A_75 = tpu.memref_slice %arg6[%add3A_15] : memref<196608xf32, #tpu.memory_space<hbm>> -> memref<2048xf32, #tpu.memory_space<hbm>>
      tpu.wait_dma2 semaphore(%run_scoped3A : memref<!tpu.dma_semaphore, #tpu.memory_space<semaphore_mem>>) src(%dma_wait3A_75 : memref<2048xf32, #tpu.memory_space<hbm>>) dst(%dma_wait3A_74 : memref<2048xf32, #tpu.memory_space<vmem>>)
      tpu.yield
    }) : () -> ()
    %add3A_16 = arith.constant 65536 : i32
    %add3A_17 = arith.addi %add3A_16, %mul3A_2 : i32
    "tpu.region"() ({
      %run_scoped3A = tpu.sem_alloc : memref<!tpu.dma_semaphore, #tpu.memory_space<semaphore_mem>>
      %dma_start3A_64 = arith.constant 2048 : i32
      %dma_start3A_65 = tpu.memref_slice %arg16[%dma_start3A_64] : memref<6144xf32, #tpu.memory_space<vmem>> -> memref<2048xf32, #tpu.memory_space<vmem>>
      %dma_start3A_66 = tpu.memref_slice %arg6[%add3A_17] : memref<196608xf32, #tpu.memory_space<hbm>> -> memref<2048xf32, #tpu.memory_space<hbm>>
      %dma_start3A_67 = arith.constant 2048 : i32
      %dma_start3A_68 = tpu.memref_slice %arg16[%dma_start3A_67] : memref<6144xf32, #tpu.memory_space<vmem>> -> memref<2048xf32, #tpu.memory_space<vmem>>
      %dma_start3A_69 = tpu.memref_slice %arg6[%add3A_17] : memref<196608xf32, #tpu.memory_space<hbm>> -> memref<2048xf32, #tpu.memory_space<hbm>>
      tpu.enqueue_dma source(%dma_start3A_69 : memref<2048xf32, #tpu.memory_space<hbm>>) target(%dma_start3A_68 : memref<2048xf32, #tpu.memory_space<vmem>>) target_semaphore(%run_scoped3A : memref<!tpu.dma_semaphore, #tpu.memory_space<semaphore_mem>>)
      %dma_wait3A_70 = arith.constant 2048 : i32
      %dma_wait3A_71 = tpu.memref_slice %arg16[%dma_wait3A_70] : memref<6144xf32, #tpu.memory_space<vmem>> -> memref<2048xf32, #tpu.memory_space<vmem>>
      %dma_wait3A_72 = tpu.memref_slice %arg6[%add3A_17] : memref<196608xf32, #tpu.memory_space<hbm>> -> memref<2048xf32, #tpu.memory_space<hbm>>
      %dma_wait3A_73 = arith.constant 2048 : i32
      %dma_wait3A_74 = tpu.memref_slice %arg16[%dma_wait3A_73] : memref<6144xf32, #tpu.memory_space<vmem>> -> memref<2048xf32, #tpu.memory_space<vmem>>
      %dma_wait3A_75 = tpu.memref_slice %arg6[%add3A_17] : memref<196608xf32, #tpu.memory_space<hbm>> -> memref<2048xf32, #tpu.memory_space<hbm>>
      tpu.wait_dma2 semaphore(%run_scoped3A : memref<!tpu.dma_semaphore, #tpu.memory_space<semaphore_mem>>) src(%dma_wait3A_75 : memref<2048xf32, #tpu.memory_space<hbm>>) dst(%dma_wait3A_74 : memref<2048xf32, #tpu.memory_space<vmem>>)
      tpu.yield
    }) : () -> ()
    %add3A_18 = arith.constant 131072 : i32
    %add3A_19 = arith.addi %add3A_18, %mul3A_2 : i32
    "tpu.region"() ({
      %run_scoped3A = tpu.sem_alloc : memref<!tpu.dma_semaphore, #tpu.memory_space<semaphore_mem>>
      %dma_start3A_64 = arith.constant 4096 : i32
      %dma_start3A_65 = tpu.memref_slice %arg16[%dma_start3A_64] : memref<6144xf32, #tpu.memory_space<vmem>> -> memref<2048xf32, #tpu.memory_space<vmem>>
      %dma_start3A_66 = tpu.memref_slice %arg6[%add3A_19] : memref<196608xf32, #tpu.memory_space<hbm>> -> memref<2048xf32, #tpu.memory_space<hbm>>
      %dma_start3A_67 = arith.constant 4096 : i32
      %dma_start3A_68 = tpu.memref_slice %arg16[%dma_start3A_67] : memref<6144xf32, #tpu.memory_space<vmem>> -> memref<2048xf32, #tpu.memory_space<vmem>>
      %dma_start3A_69 = tpu.memref_slice %arg6[%add3A_19] : memref<196608xf32, #tpu.memory_space<hbm>> -> memref<2048xf32, #tpu.memory_space<hbm>>
      tpu.enqueue_dma source(%dma_start3A_69 : memref<2048xf32, #tpu.memory_space<hbm>>) target(%dma_start3A_68 : memref<2048xf32, #tpu.memory_space<vmem>>) target_semaphore(%run_scoped3A : memref<!tpu.dma_semaphore, #tpu.memory_space<semaphore_mem>>)
      %dma_wait3A_70 = arith.constant 4096 : i32
      %dma_wait3A_71 = tpu.memref_slice %arg16[%dma_wait3A_70] : memref<6144xf32, #tpu.memory_space<vmem>> -> memref<2048xf32, #tpu.memory_space<vmem>>
      %dma_wait3A_72 = tpu.memref_slice %arg6[%add3A_19] : memref<196608xf32, #tpu.memory_space<hbm>> -> memref<2048xf32, #tpu.memory_space<hbm>>
      %dma_wait3A_73 = arith.constant 4096 : i32
      %dma_wait3A_74 = tpu.memref_slice %arg16[%dma_wait3A_73] : memref<6144xf32, #tpu.memory_space<vmem>> -> memref<2048xf32, #tpu.memory_space<vmem>>
      %dma_wait3A_75 = tpu.memref_slice %arg6[%add3A_19] : memref<196608xf32, #tpu.memory_space<hbm>> -> memref<2048xf32, #tpu.memory_space<hbm>>
      tpu.wait_dma2 semaphore(%run_scoped3A : memref<!tpu.dma_semaphore, #tpu.memory_space<semaphore_mem>>) src(%dma_wait3A_75 : memref<2048xf32, #tpu.memory_space<hbm>>) dst(%dma_wait3A_74 : memref<2048xf32, #tpu.memory_space<vmem>>)
      tpu.yield
    }) : () -> ()
    %dma_wait3A = tpu.memref_slice %arg18[%mul3A_4] : memref<262144xf32, #tpu.memory_space<vmem_shared>> -> memref<16384xf32, #tpu.memory_space<vmem_shared>>
    %dma_wait3A_20 = tpu.memref_slice %arg7[%mul3A_4] : memref<262144xf32, #tpu.memory_space<hbm>> -> memref<16384xf32, #tpu.memory_space<hbm>>
    tpu.wait_dma2 semaphore(%arg21 : memref<!tpu.dma_semaphore, #tpu.memory_space<semaphore_mem>>) src(%dma_wait3A_20 : memref<16384xf32, #tpu.memory_space<hbm>>) dst(%dma_wait3A : memref<16384xf32, #tpu.memory_space<vmem_shared>>)
    %dma_wait3A_21 = tpu.memref_slice %arg19[%mul3A_4] : memref<262144xf32, #tpu.memory_space<vmem_shared>> -> memref<16384xf32, #tpu.memory_space<vmem_shared>>
    %dma_wait3A_22 = tpu.memref_slice %arg8[%mul3A_4] : memref<262144xf32, #tpu.memory_space<hbm>> -> memref<16384xf32, #tpu.memory_space<hbm>>
    tpu.wait_dma2 semaphore(%arg21 : memref<!tpu.dma_semaphore, #tpu.memory_space<semaphore_mem>>) src(%dma_wait3A_22 : memref<16384xf32, #tpu.memory_space<hbm>>) dst(%dma_wait3A_21 : memref<16384xf32, #tpu.memory_space<vmem_shared>>)
    %dma_wait3A_23 = tpu.memref_slice %arg20[%mul3A_4] : memref<262144xf32, #tpu.memory_space<vmem_shared>> -> memref<16384xf32, #tpu.memory_space<vmem_shared>>
    %dma_wait3A_24 = tpu.memref_slice %arg9[%mul3A_4] : memref<262144xf32, #tpu.memory_space<hbm>> -> memref<16384xf32, #tpu.memory_space<hbm>>
    tpu.wait_dma2 semaphore(%arg21 : memref<!tpu.dma_semaphore, #tpu.memory_space<semaphore_mem>>) src(%dma_wait3A_24 : memref<16384xf32, #tpu.memory_space<hbm>>) dst(%dma_wait3A_23 : memref<16384xf32, #tpu.memory_space<vmem_shared>>)
    %barrier3A = arith.constant 0 : index
    tpu.barrier barrier_id(%barrier3A)
    %dma_start3A_25 = arith.constant 0 : i32
    %dma_start3A_26 = tpu.memref_slice %arg15[%dma_start3A_25] : memref<6144xf32, #tpu.memory_space<vmem>> -> memref<2048xf32, #tpu.memory_space<vmem>>
    %dma_start3A_27 = arith.constant 0 : i32
    %dma_start3A_28 = tpu.memref_slice %arg18[%dma_start3A_27] : memref<262144xf32, #tpu.memory_space<vmem_shared>> -> memref<262144xf32, #tpu.memory_space<vmem_shared>>
    tpu.enqueue_indirect_dma source(%dma_start3A_28 : memref<262144xf32, #tpu.memory_space<vmem_shared>>) target(%dma_start3A_26 : memref<2048xf32, #tpu.memory_space<vmem>>) offsets(%arg11 : memref<2048xi32, #tpu.memory_space<vmem>>) semaphore(%arg21 : memref<!tpu.dma_semaphore, #tpu.memory_space<semaphore_mem>>)
    %dma_start3A_29 = arith.constant 2048 : i32
    %dma_start3A_30 = tpu.memref_slice %arg15[%dma_start3A_29] : memref<6144xf32, #tpu.memory_space<vmem>> -> memref<2048xf32, #tpu.memory_space<vmem>>
    %dma_start3A_31 = arith.constant 0 : i32
    %dma_start3A_32 = tpu.memref_slice %arg19[%dma_start3A_31] : memref<262144xf32, #tpu.memory_space<vmem_shared>> -> memref<262144xf32, #tpu.memory_space<vmem_shared>>
    tpu.enqueue_indirect_dma source(%dma_start3A_32 : memref<262144xf32, #tpu.memory_space<vmem_shared>>) target(%dma_start3A_30 : memref<2048xf32, #tpu.memory_space<vmem>>) offsets(%arg11 : memref<2048xi32, #tpu.memory_space<vmem>>) semaphore(%arg21 : memref<!tpu.dma_semaphore, #tpu.memory_space<semaphore_mem>>)
    %dma_start3A_33 = arith.constant 4096 : i32
    %dma_start3A_34 = tpu.memref_slice %arg15[%dma_start3A_33] : memref<6144xf32, #tpu.memory_space<vmem>> -> memref<2048xf32, #tpu.memory_space<vmem>>
    %dma_start3A_35 = arith.constant 0 : i32
    %dma_start3A_36 = tpu.memref_slice %arg20[%dma_start3A_35] : memref<262144xf32, #tpu.memory_space<vmem_shared>> -> memref<262144xf32, #tpu.memory_space<vmem_shared>>
    tpu.enqueue_indirect_dma source(%dma_start3A_36 : memref<262144xf32, #tpu.memory_space<vmem_shared>>) target(%dma_start3A_34 : memref<2048xf32, #tpu.memory_space<vmem>>) offsets(%arg11 : memref<2048xi32, #tpu.memory_space<vmem>>) semaphore(%arg21 : memref<!tpu.dma_semaphore, #tpu.memory_space<semaphore_mem>>)
    %dma_wait3A_37 = arith.constant 0 : i32
    %dma_wait3A_38 = tpu.memref_slice %arg15[%dma_wait3A_37] : memref<6144xf32, #tpu.memory_space<vmem>> -> memref<2048xf32, #tpu.memory_space<vmem>>
    %dma_wait3A_39 = arith.constant 0 : i32
    %dma_wait3A_40 = tpu.memref_slice %arg18[%dma_wait3A_39] : memref<262144xf32, #tpu.memory_space<vmem_shared>> -> memref<262144xf32, #tpu.memory_space<vmem_shared>>
    tpu.wait_indirect_dma semaphore(%arg21 : memref<!tpu.dma_semaphore, #tpu.memory_space<semaphore_mem>>) src(%dma_wait3A_40 : memref<262144xf32, #tpu.memory_space<vmem_shared>>) dst(%dma_wait3A_38 : memref<2048xf32, #tpu.memory_space<vmem>>)
    %dma_wait3A_41 = arith.constant 2048 : i32
    %dma_wait3A_42 = tpu.memref_slice %arg15[%dma_wait3A_41] : memref<6144xf32, #tpu.memory_space<vmem>> -> memref<2048xf32, #tpu.memory_space<vmem>>
    %dma_wait3A_43 = arith.constant 0 : i32
    %dma_wait3A_44 = tpu.memref_slice %arg19[%dma_wait3A_43] : memref<262144xf32, #tpu.memory_space<vmem_shared>> -> memref<262144xf32, #tpu.memory_space<vmem_shared>>
    tpu.wait_indirect_dma semaphore(%arg21 : memref<!tpu.dma_semaphore, #tpu.memory_space<semaphore_mem>>) src(%dma_wait3A_44 : memref<262144xf32, #tpu.memory_space<vmem_shared>>) dst(%dma_wait3A_42 : memref<2048xf32, #tpu.memory_space<vmem>>)
    %dma_wait3A_45 = arith.constant 4096 : i32
    %dma_wait3A_46 = tpu.memref_slice %arg15[%dma_wait3A_45] : memref<6144xf32, #tpu.memory_space<vmem>> -> memref<2048xf32, #tpu.memory_space<vmem>>
    %dma_wait3A_47 = arith.constant 0 : i32
    %dma_wait3A_48 = tpu.memref_slice %arg20[%dma_wait3A_47] : memref<262144xf32, #tpu.memory_space<vmem_shared>> -> memref<262144xf32, #tpu.memory_space<vmem_shared>>
    tpu.wait_indirect_dma semaphore(%arg21 : memref<!tpu.dma_semaphore, #tpu.memory_space<semaphore_mem>>) src(%dma_wait3A_48 : memref<262144xf32, #tpu.memory_space<vmem_shared>>) dst(%dma_wait3A_46 : memref<2048xf32, #tpu.memory_space<vmem>>)
    %dma_wait3A_49 = arith.constant 0 : i32
    %dma_wait3A_50 = tpu.memref_slice %arg3[%dma_wait3A_49] : memref<262144xi32, #tpu.memory_space<hbm>> -> memref<262144xi32, #tpu.memory_space<hbm>>
    tpu.wait_indirect_dma semaphore(%arg22 : memref<!tpu.dma_semaphore, #tpu.memory_space<semaphore_mem>>) src(%dma_wait3A_50 : memref<262144xi32, #tpu.memory_space<hbm>>) dst(%arg12 : memref<2048xi32, #tpu.memory_space<vmem>>)
    %dma_wait3A_51 = arith.constant 0 : i32
    %dma_wait3A_52 = tpu.memref_slice %arg4[%dma_wait3A_51] : memref<262144xi32, #tpu.memory_space<hbm>> -> memref<262144xi32, #tpu.memory_space<hbm>>
    tpu.wait_indirect_dma semaphore(%arg22 : memref<!tpu.dma_semaphore, #tpu.memory_space<semaphore_mem>>) src(%dma_wait3A_52 : memref<262144xi32, #tpu.memory_space<hbm>>) dst(%arg13 : memref<2048xi32, #tpu.memory_space<vmem>>)
    %broadcast_in_dim3A = arith.constant 1.000000e+00 : f32
    %broadcast_in_dim3A_53 = vector.broadcast %broadcast_in_dim3A : f32 to vector<16xf32>
    %broadcast_in_dim3A_54 = arith.constant 0.000000e+00 : f32
    %broadcast_in_dim3A_55 = vector.broadcast %broadcast_in_dim3A_54 : f32 to vector<16xf32>
    %scan3A = arith.constant 0 : i32
    %scan3A_56 = arith.constant 64 : i32
    %scan3A_57 = arith.addi %scan3A, %scan3A_56 : i32
    %scan3A_58 = arith.constant 1 : i32
    %scan3A_59 = scf.for %scan3A_64 = %scan3A to %scan3A_57 step %scan3A_58 iter_args(%scan3A_65 = %broadcast_in_dim3A_55) -> (vector<16xf32>)  : i32 {
      %mul3A_66 = arith.constant 32 : i32
      %mul3A_67 = arith.muli %scan3A_64, %mul3A_66 : i32
      %add3A_68 = arith.constant 0 : i32
      %add3A_69 = arith.addi %mul3A_67, %add3A_68 : i32
      %get3A = arith.index_cast %add3A_69 : i32 to index
      %get3A_70 = tpu.vector_load %arg12[%get3A] {strides = array<i32>} : memref<2048xi32, #tpu.memory_space<vmem>>, vector<16xi32>,
      %get3A_71 = arith.index_cast %add3A_69 : i32 to index
      %get3A_72 = tpu.vector_load %arg13[%get3A_71] {strides = array<i32>} : memref<2048xi32, #tpu.memory_space<vmem>>, vector<16xi32>,
      %add3A_73 = arith.addi %get3A_70, %get3A_72 : vector<16xi32>
      %convert_element_type3A = arith.sitofp %add3A_73 : vector<16xi32> to vector<16xf32>
      %div3A = arith.divf %broadcast_in_dim3A_53, %convert_element_type3A : vector<16xf32>
      %add3A_74 = arith.constant 0 : i32
      %add3A_75 = arith.addi %add3A_74, %add3A_69 : i32
      %get3A_76 = arith.index_cast %add3A_75 : i32 to index
      %get3A_77 = tpu.vector_load %arg16[%get3A_76] {strides = array<i32>} : memref<6144xf32, #tpu.memory_space<vmem>>, vector<16xf32>,
      %add3A_78 = arith.constant 0 : i32
      %add3A_79 = arith.addi %add3A_78, %add3A_69 : i32
      %get3A_80 = arith.index_cast %add3A_79 : i32 to index
      %get3A_81 = tpu.vector_load %arg15[%get3A_80] {strides = array<i32>} : memref<6144xf32, #tpu.memory_space<vmem>>, vector<16xf32>,
      %jit3A = arith.constant 0.000000e+00 : f32
      %jit3A_82 = arith.constant 2.550000e+02 : f32
      %max3A = vector.broadcast %jit3A : f32 to vector<16xf32>
      %max3A_83 = arith.maximumf %max3A, %get3A_77 : vector<16xf32>
      %min3A = vector.broadcast %jit3A_82 : f32 to vector<16xf32>
      %min3A_84 = arith.minimumf %min3A, %max3A_83 : vector<16xf32>
      %convert_element_type3A_85 = arith.fptosi %min3A_84 : vector<16xf32> to vector<16xi32>
      %add3A_86 = arith.constant 0 : i32
      %add3A_87 = vector.broadcast %add3A_86 : i32 to vector<16xi32>
      %add3A_88 = arith.addi %convert_element_type3A_85, %add3A_87 : vector<16xi32>
      %gather3A = tpu.vector_load_idx %arg14[%add3A_88] : memref<768xf32, #tpu.memory_space<vmem>>[vector<16xi32>], vector<16xf32>,
      %sub3A = arith.subf %get3A_81, %gather3A : vector<16xf32>
      %abs3A = math.absf %sub3A : vector<16xf32>
      %sub3A_89 = arith.subf %get3A_81, %get3A_77 : vector<16xf32>
      %abs3A_90 = math.absf %sub3A_89 : vector<16xf32>
      %sub3A_91 = arith.subf %abs3A, %abs3A_90 : vector<16xf32>
      %mul3A_92 = arith.mulf %sub3A_91, %div3A : vector<16xf32>
      %add3A_93 = arith.addf %scan3A_65, %mul3A_92 : vector<16xf32>
      %add3A_94 = arith.constant 2048 : i32
      %add3A_95 = arith.addi %add3A_94, %add3A_69 : i32
      %get3A_96 = arith.index_cast %add3A_95 : i32 to index
      %get3A_97 = tpu.vector_load %arg16[%get3A_96] {strides = array<i32>} : memref<6144xf32, #tpu.memory_space<vmem>>, vector<16xf32>,
      %add3A_98 = arith.constant 2048 : i32
      %add3A_99 = arith.addi %add3A_98, %add3A_69 : i32
      %get3A_100 = arith.index_cast %add3A_99 : i32 to index
      %get3A_101 = tpu.vector_load %arg15[%get3A_100] {strides = array<i32>} : memref<6144xf32, #tpu.memory_space<vmem>>, vector<16xf32>,
      %jit3A_102 = arith.constant 0.000000e+00 : f32
      %jit3A_103 = arith.constant 2.550000e+02 : f32
      %max3A_104 = vector.broadcast %jit3A_102 : f32 to vector<16xf32>
      %max3A_105 = arith.maximumf %max3A_104, %get3A_97 : vector<16xf32>
      %min3A_106 = vector.broadcast %jit3A_103 : f32 to vector<16xf32>
      %min3A_107 = arith.minimumf %min3A_106, %max3A_105 : vector<16xf32>
      %convert_element_type3A_108 = arith.fptosi %min3A_107 : vector<16xf32> to vector<16xi32>
      %add3A_109 = arith.constant 256 : i32
      %add3A_110 = vector.broadcast %add3A_109 : i32 to vector<16xi32>
      %add3A_111 = arith.addi %convert_element_type3A_108, %add3A_110 : vector<16xi32>
      %gather3A_112 = tpu.vector_load_idx %arg14[%add3A_111] : memref<768xf32, #tpu.memory_space<vmem>>[vector<16xi32>], vector<16xf32>,
      %sub3A_113 = arith.subf %get3A_101, %gather3A_112 : vector<16xf32>
      %abs3A_114 = math.absf %sub3A_113 : vector<16xf32>
      %sub3A_115 = arith.subf %get3A_101, %get3A_97 : vector<16xf32>
      %abs3A_116 = math.absf %sub3A_115 : vector<16xf32>
      %sub3A_117 = arith.subf %abs3A_114, %abs3A_116 : vector<16xf32>
      %mul3A_118 = arith.mulf %sub3A_117, %div3A : vector<16xf32>
      %add3A_119 = arith.addf %add3A_93, %mul3A_118 : vector<16xf32>
      %add3A_120 = arith.constant 4096 : i32
      %add3A_121 = arith.addi %add3A_120, %add3A_69 : i32
      %get3A_122 = arith.index_cast %add3A_121 : i32 to index
      %get3A_123 = tpu.vector_load %arg16[%get3A_122] {strides = array<i32>} : memref<6144xf32, #tpu.memory_space<vmem>>, vector<16xf32>,
      %add3A_124 = arith.constant 4096 : i32
      %add3A_125 = arith.addi %add3A_124, %add3A_69 : i32
      %get3A_126 = arith.index_cast %add3A_125 : i32 to index
      %get3A_127 = tpu.vector_load %arg15[%get3A_126] {strides = array<i32>} : memref<6144xf32, #tpu.memory_space<vmem>>, vector<16xf32>,
      %jit3A_128 = arith.constant 0.000000e+00 : f32
      %jit3A_129 = arith.constant 2.550000e+02 : f32
      %max3A_130 = vector.broadcast %jit3A_128 : f32 to vector<16xf32>
      %max3A_131 = arith.maximumf %max3A_130, %get3A_123 : vector<16xf32>
      %min3A_132 = vector.broadcast %jit3A_129 : f32 to vector<16xf32>
      %min3A_133 = arith.minimumf %min3A_132, %max3A_131 : vector<16xf32>
      %convert_element_type3A_134 = arith.fptosi %min3A_133 : vector<16xf32> to vector<16xi32>
      %add3A_135 = arith.constant 512 : i32
      %add3A_136 = vector.broadcast %add3A_135 : i32 to vector<16xi32>
      %add3A_137 = arith.addi %convert_element_type3A_134, %add3A_136 : vector<16xi32>
      %gather3A_138 = tpu.vector_load_idx %arg14[%add3A_137] : memref<768xf32, #tpu.memory_space<vmem>>[vector<16xi32>], vector<16xf32>,
      %sub3A_139 = arith.subf %get3A_127, %gather3A_138 : vector<16xf32>
      %abs3A_140 = math.absf %sub3A_139 : vector<16xf32>
      %sub3A_141 = arith.subf %get3A_127, %get3A_123 : vector<16xf32>
      %abs3A_142 = math.absf %sub3A_141 : vector<16xf32>
      %sub3A_143 = arith.subf %abs3A_140, %abs3A_142 : vector<16xf32>
      %mul3A_144 = arith.mulf %sub3A_143, %div3A : vector<16xf32>
      %add3A_145 = arith.addf %add3A_119, %mul3A_144 : vector<16xf32>
      %mul3A_146 = arith.constant 32 : i32
      %mul3A_147 = arith.muli %scan3A_64, %mul3A_146 : i32
      %add3A_148 = arith.constant 16 : i32
      %add3A_149 = arith.addi %mul3A_147, %add3A_148 : i32
      %get3A_150 = arith.index_cast %add3A_149 : i32 to index
      %get3A_151 = tpu.vector_load %arg12[%get3A_150] {strides = array<i32>} : memref<2048xi32, #tpu.memory_space<vmem>>, vector<16xi32>,
      %get3A_152 = arith.index_cast %add3A_149 : i32 to index
      %get3A_153 = tpu.vector_load %arg13[%get3A_152] {strides = array<i32>} : memref<2048xi32, #tpu.memory_space<vmem>>, vector<16xi32>,
      %add3A_154 = arith.addi %get3A_151, %get3A_153 : vector<16xi32>
      %convert_element_type3A_155 = arith.sitofp %add3A_154 : vector<16xi32> to vector<16xf32>
      %div3A_156 = arith.divf %broadcast_in_dim3A_53, %convert_element_type3A_155 : vector<16xf32>
      %add3A_157 = arith.constant 0 : i32
      %add3A_158 = arith.addi %add3A_157, %add3A_149 : i32
      %get3A_159 = arith.index_cast %add3A_158 : i32 to index
      %get3A_160 = tpu.vector_load %arg16[%get3A_159] {strides = array<i32>} : memref<6144xf32, #tpu.memory_space<vmem>>, vector<16xf32>,
      %add3A_161 = arith.constant 0 : i32
      %add3A_162 = arith.addi %add3A_161, %add3A_149 : i32
      %get3A_163 = arith.index_cast %add3A_162 : i32 to index
      %get3A_164 = tpu.vector_load %arg15[%get3A_163] {strides = array<i32>} : memref<6144xf32, #tpu.memory_space<vmem>>, vector<16xf32>,
      %jit3A_165 = arith.constant 0.000000e+00 : f32
      %jit3A_166 = arith.constant 2.550000e+02 : f32
      %max3A_167 = vector.broadcast %jit3A_165 : f32 to vector<16xf32>
      %max3A_168 = arith.maximumf %max3A_167, %get3A_160 : vector<16xf32>
      %min3A_169 = vector.broadcast %jit3A_166 : f32 to vector<16xf32>
      %min3A_170 = arith.minimumf %min3A_169, %max3A_168 : vector<16xf32>
      %convert_element_type3A_171 = arith.fptosi %min3A_170 : vector<16xf32> to vector<16xi32>
      %add3A_172 = arith.constant 0 : i32
      %add3A_173 = vector.broadcast %add3A_172 : i32 to vector<16xi32>
      %add3A_174 = arith.addi %convert_element_type3A_171, %add3A_173 : vector<16xi32>
      %gather3A_175 = tpu.vector_load_idx %arg14[%add3A_174] : memref<768xf32, #tpu.memory_space<vmem>>[vector<16xi32>], vector<16xf32>,
      %sub3A_176 = arith.subf %get3A_164, %gather3A_175 : vector<16xf32>
      %abs3A_177 = math.absf %sub3A_176 : vector<16xf32>
      %sub3A_178 = arith.subf %get3A_164, %get3A_160 : vector<16xf32>
      %abs3A_179 = math.absf %sub3A_178 : vector<16xf32>
      %sub3A_180 = arith.subf %abs3A_177, %abs3A_179 : vector<16xf32>
      %mul3A_181 = arith.mulf %sub3A_180, %div3A_156 : vector<16xf32>
      %add3A_182 = arith.addf %add3A_145, %mul3A_181 : vector<16xf32>
      %add3A_183 = arith.constant 2048 : i32
      %add3A_184 = arith.addi %add3A_183, %add3A_149 : i32
      %get3A_185 = arith.index_cast %add3A_184 : i32 to index
      %get3A_186 = tpu.vector_load %arg16[%get3A_185] {strides = array<i32>} : memref<6144xf32, #tpu.memory_space<vmem>>, vector<16xf32>,
      %add3A_187 = arith.constant 2048 : i32
      %add3A_188 = arith.addi %add3A_187, %add3A_149 : i32
      %get3A_189 = arith.index_cast %add3A_188 : i32 to index
      %get3A_190 = tpu.vector_load %arg15[%get3A_189] {strides = array<i32>} : memref<6144xf32, #tpu.memory_space<vmem>>, vector<16xf32>,
      %jit3A_191 = arith.constant 0.000000e+00 : f32
      %jit3A_192 = arith.constant 2.550000e+02 : f32
      %max3A_193 = vector.broadcast %jit3A_191 : f32 to vector<16xf32>
      %max3A_194 = arith.maximumf %max3A_193, %get3A_186 : vector<16xf32>
      %min3A_195 = vector.broadcast %jit3A_192 : f32 to vector<16xf32>
      %min3A_196 = arith.minimumf %min3A_195, %max3A_194 : vector<16xf32>
      %convert_element_type3A_197 = arith.fptosi %min3A_196 : vector<16xf32> to vector<16xi32>
      %add3A_198 = arith.constant 256 : i32
      %add3A_199 = vector.broadcast %add3A_198 : i32 to vector<16xi32>
      %add3A_200 = arith.addi %convert_element_type3A_197, %add3A_199 : vector<16xi32>
      %gather3A_201 = tpu.vector_load_idx %arg14[%add3A_200] : memref<768xf32, #tpu.memory_space<vmem>>[vector<16xi32>], vector<16xf32>,
      %sub3A_202 = arith.subf %get3A_190, %gather3A_201 : vector<16xf32>
      %abs3A_203 = math.absf %sub3A_202 : vector<16xf32>
      %sub3A_204 = arith.subf %get3A_190, %get3A_186 : vector<16xf32>
      %abs3A_205 = math.absf %sub3A_204 : vector<16xf32>
      %sub3A_206 = arith.subf %abs3A_203, %abs3A_205 : vector<16xf32>
      %mul3A_207 = arith.mulf %sub3A_206, %div3A_156 : vector<16xf32>
      %add3A_208 = arith.addf %add3A_182, %mul3A_207 : vector<16xf32>
      %add3A_209 = arith.constant 4096 : i32
      %add3A_210 = arith.addi %add3A_209, %add3A_149 : i32
      %get3A_211 = arith.index_cast %add3A_210 : i32 to index
      %get3A_212 = tpu.vector_load %arg16[%get3A_211] {strides = array<i32>} : memref<6144xf32, #tpu.memory_space<vmem>>, vector<16xf32>,
      %add3A_213 = arith.constant 4096 : i32
      %add3A_214 = arith.addi %add3A_213, %add3A_149 : i32
      %get3A_215 = arith.index_cast %add3A_214 : i32 to index
      %get3A_216 = tpu.vector_load %arg15[%get3A_215] {strides = array<i32>} : memref<6144xf32, #tpu.memory_space<vmem>>, vector<16xf32>,
      %jit3A_217 = arith.constant 0.000000e+00 : f32
      %jit3A_218 = arith.constant 2.550000e+02 : f32
      %max3A_219 = vector.broadcast %jit3A_217 : f32 to vector<16xf32>
      %max3A_220 = arith.maximumf %max3A_219, %get3A_212 : vector<16xf32>
      %min3A_221 = vector.broadcast %jit3A_218 : f32 to vector<16xf32>
      %min3A_222 = arith.minimumf %min3A_221, %max3A_220 : vector<16xf32>
      %convert_element_type3A_223 = arith.fptosi %min3A_222 : vector<16xf32> to vector<16xi32>
      %add3A_224 = arith.constant 512 : i32
      %add3A_225 = vector.broadcast %add3A_224 : i32 to vector<16xi32>
      %add3A_226 = arith.addi %convert_element_type3A_223, %add3A_225 : vector<16xi32>
      %gather3A_227 = tpu.vector_load_idx %arg14[%add3A_226] : memref<768xf32, #tpu.memory_space<vmem>>[vector<16xi32>], vector<16xf32>,
      %sub3A_228 = arith.subf %get3A_216, %gather3A_227 : vector<16xf32>
      %abs3A_229 = math.absf %sub3A_228 : vector<16xf32>
      %sub3A_230 = arith.subf %get3A_216, %get3A_212 : vector<16xf32>
      %abs3A_231 = math.absf %sub3A_230 : vector<16xf32>
      %sub3A_232 = arith.subf %abs3A_229, %abs3A_231 : vector<16xf32>
      %mul3A_233 = arith.mulf %sub3A_232, %div3A_156 : vector<16xf32>
      %add3A_234 = arith.addf %add3A_208, %mul3A_233 : vector<16xf32>
      scf.yield %add3A_234 : vector<16xf32>
    }
    %scan3A_60 = arith.constant 64 : i32
    %swap3A = arith.constant 0 : index
    %swap3A_61 = tpu.vector_load %arg17[%swap3A] {strides = array<i32>} : memref<16xf32, #tpu.memory_space<vmem>>, vector<16xf32>,
    tpu.vector_store %arg17[%swap3A], %scan3A_59 {strides = array<i32>} : memref<16xf32, #tpu.memory_space<vmem>>, vector<16xf32>,
    %mul3A_62 = arith.constant 16 : i32
    %mul3A_63 = arith.muli %add3A, %mul3A_62 : i32
    "tpu.region"() ({
      %run_scoped3A = tpu.sem_alloc : memref<!tpu.dma_semaphore, #tpu.memory_space<semaphore_mem>>
      %dma_start3A_64 = tpu.memref_slice %arg10[%mul3A_63] : memref<512xf32, #tpu.memory_space<hbm>> -> memref<16xf32, #tpu.memory_space<hbm>>
      %dma_start3A_65 = tpu.memref_slice %arg10[%mul3A_63] : memref<512xf32, #tpu.memory_space<hbm>> -> memref<16xf32, #tpu.memory_space<hbm>>
      tpu.enqueue_dma source(%arg17 : memref<16xf32, #tpu.memory_space<vmem>>) target(%dma_start3A_65 : memref<16xf32, #tpu.memory_space<hbm>>) target_semaphore(%run_scoped3A : memref<!tpu.dma_semaphore, #tpu.memory_space<semaphore_mem>>)
      %dma_wait3A_66 = tpu.memref_slice %arg10[%mul3A_63] : memref<512xf32, #tpu.memory_space<hbm>> -> memref<16xf32, #tpu.memory_space<hbm>>
      %dma_wait3A_67 = tpu.memref_slice %arg10[%mul3A_63] : memref<512xf32, #tpu.memory_space<hbm>> -> memref<16xf32, #tpu.memory_space<hbm>>
      tpu.wait_dma2 semaphore(%run_scoped3A : memref<!tpu.dma_semaphore, #tpu.memory_space<semaphore_mem>>) src(%arg17 : memref<16xf32, #tpu.memory_space<vmem>>) dst(%dma_wait3A_67 : memref<16xf32, #tpu.memory_space<hbm>>)
      tpu.yield
    }) : () -> ()
    return
  }
}

module attributes {stable_mosaic.version = 14 : i64} {
  func.func @_tc_tables(%arg0: memref<49152xi32, #tpu.memory_space<vmem>>, %arg1: memref<768xf32, #tpu.memory_space<vmem>>) attributes {dimension_semantics = [], scalar_prefetch = 0 : i64, scratch_operands = 0 : i64, tpu.core_type = #tpu.core_type<tc>} {
    %get3A = arith.constant 0 : index
    %get3A_0 = vector.load %arg0[%get3A] : memref<49152xi32, #tpu.memory_space<vmem>>, vector<1536xi32>
    %get3A_1 = arith.constant 1536 : index
    %get3A_2 = vector.load %arg0[%get3A_1] : memref<49152xi32, #tpu.memory_space<vmem>>, vector<1536xi32>
    %add3A = arith.addi %get3A_0, %get3A_2 : vector<1536xi32>
    %get3A_3 = arith.constant 3072 : index
    %get3A_4 = vector.load %arg0[%get3A_3] : memref<49152xi32, #tpu.memory_space<vmem>>, vector<1536xi32>
    %add3A_5 = arith.addi %add3A, %get3A_4 : vector<1536xi32>
    %get3A_6 = arith.constant 4608 : index
    %get3A_7 = vector.load %arg0[%get3A_6] : memref<49152xi32, #tpu.memory_space<vmem>>, vector<1536xi32>
    %add3A_8 = arith.addi %add3A_5, %get3A_7 : vector<1536xi32>
    %get3A_9 = arith.constant 6144 : index
    %get3A_10 = vector.load %arg0[%get3A_9] : memref<49152xi32, #tpu.memory_space<vmem>>, vector<1536xi32>
    %add3A_11 = arith.addi %add3A_8, %get3A_10 : vector<1536xi32>
    %get3A_12 = arith.constant 7680 : index
    %get3A_13 = vector.load %arg0[%get3A_12] : memref<49152xi32, #tpu.memory_space<vmem>>, vector<1536xi32>
    %add3A_14 = arith.addi %add3A_11, %get3A_13 : vector<1536xi32>
    %get3A_15 = arith.constant 9216 : index
    %get3A_16 = vector.load %arg0[%get3A_15] : memref<49152xi32, #tpu.memory_space<vmem>>, vector<1536xi32>
    %add3A_17 = arith.addi %add3A_14, %get3A_16 : vector<1536xi32>
    %get3A_18 = arith.constant 10752 : index
    %get3A_19 = vector.load %arg0[%get3A_18] : memref<49152xi32, #tpu.memory_space<vmem>>, vector<1536xi32>
    %add3A_20 = arith.addi %add3A_17, %get3A_19 : vector<1536xi32>
    %get3A_21 = arith.constant 12288 : index
    %get3A_22 = vector.load %arg0[%get3A_21] : memref<49152xi32, #tpu.memory_space<vmem>>, vector<1536xi32>
    %add3A_23 = arith.addi %add3A_20, %get3A_22 : vector<1536xi32>
    %get3A_24 = arith.constant 13824 : index
    %get3A_25 = vector.load %arg0[%get3A_24] : memref<49152xi32, #tpu.memory_space<vmem>>, vector<1536xi32>
    %add3A_26 = arith.addi %add3A_23, %get3A_25 : vector<1536xi32>
    %get3A_27 = arith.constant 15360 : index
    %get3A_28 = vector.load %arg0[%get3A_27] : memref<49152xi32, #tpu.memory_space<vmem>>, vector<1536xi32>
    %add3A_29 = arith.addi %add3A_26, %get3A_28 : vector<1536xi32>
    %get3A_30 = arith.constant 16896 : index
    %get3A_31 = vector.load %arg0[%get3A_30] : memref<49152xi32, #tpu.memory_space<vmem>>, vector<1536xi32>
    %add3A_32 = arith.addi %add3A_29, %get3A_31 : vector<1536xi32>
    %get3A_33 = arith.constant 18432 : index
    %get3A_34 = vector.load %arg0[%get3A_33] : memref<49152xi32, #tpu.memory_space<vmem>>, vector<1536xi32>
    %add3A_35 = arith.addi %add3A_32, %get3A_34 : vector<1536xi32>
    %get3A_36 = arith.constant 19968 : index
    %get3A_37 = vector.load %arg0[%get3A_36] : memref<49152xi32, #tpu.memory_space<vmem>>, vector<1536xi32>
    %add3A_38 = arith.addi %add3A_35, %get3A_37 : vector<1536xi32>
    %get3A_39 = arith.constant 21504 : index
    %get3A_40 = vector.load %arg0[%get3A_39] : memref<49152xi32, #tpu.memory_space<vmem>>, vector<1536xi32>
    %add3A_41 = arith.addi %add3A_38, %get3A_40 : vector<1536xi32>
    %get3A_42 = arith.constant 23040 : index
    %get3A_43 = vector.load %arg0[%get3A_42] : memref<49152xi32, #tpu.memory_space<vmem>>, vector<1536xi32>
    %add3A_44 = arith.addi %add3A_41, %get3A_43 : vector<1536xi32>
    %get3A_45 = arith.constant 24576 : index
    %get3A_46 = vector.load %arg0[%get3A_45] : memref<49152xi32, #tpu.memory_space<vmem>>, vector<1536xi32>
    %add3A_47 = arith.addi %add3A_44, %get3A_46 : vector<1536xi32>
    %get3A_48 = arith.constant 26112 : index
    %get3A_49 = vector.load %arg0[%get3A_48] : memref<49152xi32, #tpu.memory_space<vmem>>, vector<1536xi32>
    %add3A_50 = arith.addi %add3A_47, %get3A_49 : vector<1536xi32>
    %get3A_51 = arith.constant 27648 : index
    %get3A_52 = vector.load %arg0[%get3A_51] : memref<49152xi32, #tpu.memory_space<vmem>>, vector<1536xi32>
    %add3A_53 = arith.addi %add3A_50, %get3A_52 : vector<1536xi32>
    %get3A_54 = arith.constant 29184 : index
    %get3A_55 = vector.load %arg0[%get3A_54] : memref<49152xi32, #tpu.memory_space<vmem>>, vector<1536xi32>
    %add3A_56 = arith.addi %add3A_53, %get3A_55 : vector<1536xi32>
    %get3A_57 = arith.constant 30720 : index
    %get3A_58 = vector.load %arg0[%get3A_57] : memref<49152xi32, #tpu.memory_space<vmem>>, vector<1536xi32>
    %add3A_59 = arith.addi %add3A_56, %get3A_58 : vector<1536xi32>
    %get3A_60 = arith.constant 32256 : index
    %get3A_61 = vector.load %arg0[%get3A_60] : memref<49152xi32, #tpu.memory_space<vmem>>, vector<1536xi32>
    %add3A_62 = arith.addi %add3A_59, %get3A_61 : vector<1536xi32>
    %get3A_63 = arith.constant 33792 : index
    %get3A_64 = vector.load %arg0[%get3A_63] : memref<49152xi32, #tpu.memory_space<vmem>>, vector<1536xi32>
    %add3A_65 = arith.addi %add3A_62, %get3A_64 : vector<1536xi32>
    %get3A_66 = arith.constant 35328 : index
    %get3A_67 = vector.load %arg0[%get3A_66] : memref<49152xi32, #tpu.memory_space<vmem>>, vector<1536xi32>
    %add3A_68 = arith.addi %add3A_65, %get3A_67 : vector<1536xi32>
    %get3A_69 = arith.constant 36864 : index
    %get3A_70 = vector.load %arg0[%get3A_69] : memref<49152xi32, #tpu.memory_space<vmem>>, vector<1536xi32>
    %add3A_71 = arith.addi %add3A_68, %get3A_70 : vector<1536xi32>
    %get3A_72 = arith.constant 38400 : index
    %get3A_73 = vector.load %arg0[%get3A_72] : memref<49152xi32, #tpu.memory_space<vmem>>, vector<1536xi32>
    %add3A_74 = arith.addi %add3A_71, %get3A_73 : vector<1536xi32>
    %get3A_75 = arith.constant 39936 : index
    %get3A_76 = vector.load %arg0[%get3A_75] : memref<49152xi32, #tpu.memory_space<vmem>>, vector<1536xi32>
    %add3A_77 = arith.addi %add3A_74, %get3A_76 : vector<1536xi32>
    %get3A_78 = arith.constant 41472 : index
    %get3A_79 = vector.load %arg0[%get3A_78] : memref<49152xi32, #tpu.memory_space<vmem>>, vector<1536xi32>
    %add3A_80 = arith.addi %add3A_77, %get3A_79 : vector<1536xi32>
    %get3A_81 = arith.constant 43008 : index
    %get3A_82 = vector.load %arg0[%get3A_81] : memref<49152xi32, #tpu.memory_space<vmem>>, vector<1536xi32>
    %add3A_83 = arith.addi %add3A_80, %get3A_82 : vector<1536xi32>
    %get3A_84 = arith.constant 44544 : index
    %get3A_85 = vector.load %arg0[%get3A_84] : memref<49152xi32, #tpu.memory_space<vmem>>, vector<1536xi32>
    %add3A_86 = arith.addi %add3A_83, %get3A_85 : vector<1536xi32>
    %get3A_87 = arith.constant 46080 : index
    %get3A_88 = vector.load %arg0[%get3A_87] : memref<49152xi32, #tpu.memory_space<vmem>>, vector<1536xi32>
    %add3A_89 = arith.addi %add3A_86, %get3A_88 : vector<1536xi32>
    %get3A_90 = arith.constant 47616 : index
    %get3A_91 = vector.load %arg0[%get3A_90] : memref<49152xi32, #tpu.memory_space<vmem>>, vector<1536xi32>
    %add3A_92 = arith.addi %add3A_89, %get3A_91 : vector<1536xi32>
    %reshape3A = vector.shape_cast %add3A_92 : vector<1536xi32> to vector<6x256xi32>
    %convert_element_type3A = arith.sitofp %reshape3A : vector<6x256xi32> to vector<6x256xf32>
    %iota3A = tpu.iota {dimensions = array<i32: 0>} : vector<256x256xi32>
    %iota3A_93 = tpu.iota {dimensions = array<i32: 1>} : vector<256x256xi32>
    %le3A = arith.cmpi sle, %iota3A, %iota3A_93 : vector<256x256xi32>
    %convert_element_type3A_94 = arith.extui %le3A : vector<256x256xi1> to vector<256x256xi32>
    %convert_element_type3A_95 = arith.sitofp %convert_element_type3A_94 : vector<256x256xi32> to vector<256x256xf32>
    %dot_general3A = arith.constant dense<0.000000e+00> : vector<6x256xf32>
    %dot_general3A_96 = tpu.matmul %convert_element_type3A, %convert_element_type3A_95, %dot_general3A {dimension_numbers = #tpu.dot_dimension_numbers<[1], [0], [0], [1], [0, 0, 1, 1], [], []>, transpose_lhs_hint = false} : vector<6x256xf32>, vector<256x256xf32>, vector<6x256xf32> -> vector<6x256xf32>
    %mul3A = arith.constant 1.52587891E-5 : f32
    %mul3A_97 = vector.broadcast %mul3A : f32 to vector<6x256xf32>
    %mul3A_98 = arith.mulf %dot_general3A_96, %mul3A_97 : vector<6x256xf32>
    %iota3A_99 = tpu.iota {dimensions = array<i32: 1>} : vector<1x256xi32>
    %iota3A_100 = vector.shape_cast %iota3A_99 : vector<1x256xi32> to vector<256xi32>
    %convert_element_type3A_101 = arith.sitofp %iota3A_100 : vector<256xi32> to vector<256xf32>
    %slice3A = vector.extract_strided_slice %mul3A_98 {offsets = [0, 0], sizes = [1, 256], strides = [1, 1]} : vector<6x256xf32> to vector<1x256xf32>
    %squeeze3A = vector.shape_cast %slice3A : vector<1x256xf32> to vector<256xf32>
    %slice3A_102 = vector.extract_strided_slice %mul3A_98 {offsets = [3, 0], sizes = [1, 256], strides = [1, 1]} : vector<6x256xf32> to vector<1x256xf32>
    %squeeze3A_103 = vector.shape_cast %slice3A_102 : vector<1x256xf32> to vector<256xf32>
    %broadcast_in_dim3A = vector.shape_cast %squeeze3A_103 : vector<256xf32> to vector<1x256xf32>
    %broadcast_in_dim3A_104 = vector.shape_cast %squeeze3A : vector<256xf32> to vector<256x1xf32>
    %lt3A = vector.broadcast %broadcast_in_dim3A : vector<1x256xf32> to vector<256x256xf32>
    %lt3A_105 = vector.broadcast %broadcast_in_dim3A_104 : vector<256x1xf32> to vector<256x256xf32>
    %lt3A_106 = arith.cmpf olt, %lt3A, %lt3A_105 : vector<256x256xf32>
    %convert_element_type3A_107 = arith.extui %lt3A_106 : vector<256x256xi1> to vector<256x256xi32>
    %convert_element_type3A_108 = arith.sitofp %convert_element_type3A_107 : vector<256x256xi32> to vector<256x256xf32>
    %reduce_sum3A = arith.constant dense<0.000000e+00> : vector<256xf32>
    %reduce_sum3A_109 = vector.multi_reduction <add>, %convert_element_type3A_108, %reduce_sum3A [1] : vector<256x256xf32> to vector<256xf32>
    %ge3A = arith.constant 1.000000e+00 : f32
    %ge3A_110 = vector.broadcast %ge3A : f32 to vector<256xf32>
    %ge3A_111 = arith.cmpf oge, %reduce_sum3A_109, %ge3A_110 : vector<256xf32>
    %slice3A_112 = vector.extract_strided_slice %squeeze3A_103 {offsets = [0], sizes = [1], strides = [1]} : vector<256xf32> to vector<1xf32>
    %squeeze3A_113 = vector.extract %slice3A_112[0] : f32 from vector<1xf32>
    %ge3A_114 = vector.broadcast %squeeze3A_113 : f32 to vector<256xf32>
    %ge3A_115 = arith.cmpf oge, %squeeze3A, %ge3A_114 : vector<256xf32>
    %jit3A = arith.constant 1.000000e+00 : f32
    %broadcast_in_dim3A_116 = vector.broadcast %jit3A : f32 to vector<256xf32>
    %select_n3A = arith.select %ge3A_115, %broadcast_in_dim3A_116, %convert_element_type3A_101 : vector<256xi1>, vector<256xf32>
    %select_n3A_117 = arith.select %ge3A_111, %reduce_sum3A_109, %select_n3A : vector<256xi1>, vector<256xf32>
    %eq3A = arith.constant 0.000000e+00 : f32
    %eq3A_118 = vector.broadcast %eq3A : f32 to vector<256xf32>
    %eq3A_119 = arith.cmpf oeq, %convert_element_type3A_101, %eq3A_118 : vector<256xf32>
    %eq3A_120 = arith.constant 2.550000e+02 : f32
    %eq3A_121 = vector.broadcast %eq3A_120 : f32 to vector<256xf32>
    %eq3A_122 = arith.cmpf oeq, %convert_element_type3A_101, %eq3A_121 : vector<256xf32>
    %jit3A_123 = arith.constant 2.550000e+02 : f32
    %broadcast_in_dim3A_124 = vector.broadcast %jit3A_123 : f32 to vector<256xf32>
    %select_n3A_125 = arith.select %eq3A_122, %broadcast_in_dim3A_124, %select_n3A_117 : vector<256xi1>, vector<256xf32>
    %jit3A_126 = arith.constant 0.000000e+00 : f32
    %broadcast_in_dim3A_127 = vector.broadcast %jit3A_126 : f32 to vector<256xf32>
    %select_n3A_128 = arith.select %eq3A_119, %broadcast_in_dim3A_127, %select_n3A_125 : vector<256xi1>, vector<256xf32>
    %swap3A = arith.constant 0 : index
    %swap3A_129 = vector.load %arg1[%swap3A] : memref<768xf32, #tpu.memory_space<vmem>>, vector<256xf32>
    tpu.vector_store %arg1[%swap3A], %select_n3A_128 {strides = array<i32>} : memref<768xf32, #tpu.memory_space<vmem>>, vector<256xf32>,
    %slice3A_130 = vector.extract_strided_slice %mul3A_98 {offsets = [1, 0], sizes = [1, 256], strides = [1, 1]} : vector<6x256xf32> to vector<1x256xf32>
    %squeeze3A_131 = vector.shape_cast %slice3A_130 : vector<1x256xf32> to vector<256xf32>
    %slice3A_132 = vector.extract_strided_slice %mul3A_98 {offsets = [4, 0], sizes = [1, 256], strides = [1, 1]} : vector<6x256xf32> to vector<1x256xf32>
    %squeeze3A_133 = vector.shape_cast %slice3A_132 : vector<1x256xf32> to vector<256xf32>
    %broadcast_in_dim3A_134 = vector.shape_cast %squeeze3A_133 : vector<256xf32> to vector<1x256xf32>
    %broadcast_in_dim3A_135 = vector.shape_cast %squeeze3A_131 : vector<256xf32> to vector<256x1xf32>
    %lt3A_136 = vector.broadcast %broadcast_in_dim3A_134 : vector<1x256xf32> to vector<256x256xf32>
    %lt3A_137 = vector.broadcast %broadcast_in_dim3A_135 : vector<256x1xf32> to vector<256x256xf32>
    %lt3A_138 = arith.cmpf olt, %lt3A_136, %lt3A_137 : vector<256x256xf32>
    %convert_element_type3A_139 = arith.extui %lt3A_138 : vector<256x256xi1> to vector<256x256xi32>
    %convert_element_type3A_140 = arith.sitofp %convert_element_type3A_139 : vector<256x256xi32> to vector<256x256xf32>
    %reduce_sum3A_141 = arith.constant dense<0.000000e+00> : vector<256xf32>
    %reduce_sum3A_142 = vector.multi_reduction <add>, %convert_element_type3A_140, %reduce_sum3A_141 [1] : vector<256x256xf32> to vector<256xf32>
    %ge3A_143 = arith.constant 1.000000e+00 : f32
    %ge3A_144 = vector.broadcast %ge3A_143 : f32 to vector<256xf32>
    %ge3A_145 = arith.cmpf oge, %reduce_sum3A_142, %ge3A_144 : vector<256xf32>
    %slice3A_146 = vector.extract_strided_slice %squeeze3A_133 {offsets = [0], sizes = [1], strides = [1]} : vector<256xf32> to vector<1xf32>
    %squeeze3A_147 = vector.extract %slice3A_146[0] : f32 from vector<1xf32>
    %ge3A_148 = vector.broadcast %squeeze3A_147 : f32 to vector<256xf32>
    %ge3A_149 = arith.cmpf oge, %squeeze3A_131, %ge3A_148 : vector<256xf32>
    %jit3A_150 = arith.constant 1.000000e+00 : f32
    %broadcast_in_dim3A_151 = vector.broadcast %jit3A_150 : f32 to vector<256xf32>
    %select_n3A_152 = arith.select %ge3A_149, %broadcast_in_dim3A_151, %convert_element_type3A_101 : vector<256xi1>, vector<256xf32>
    %select_n3A_153 = arith.select %ge3A_145, %reduce_sum3A_142, %select_n3A_152 : vector<256xi1>, vector<256xf32>
    %eq3A_154 = arith.constant 0.000000e+00 : f32
    %eq3A_155 = vector.broadcast %eq3A_154 : f32 to vector<256xf32>
    %eq3A_156 = arith.cmpf oeq, %convert_element_type3A_101, %eq3A_155 : vector<256xf32>
    %eq3A_157 = arith.constant 2.550000e+02 : f32
    %eq3A_158 = vector.broadcast %eq3A_157 : f32 to vector<256xf32>
    %eq3A_159 = arith.cmpf oeq, %convert_element_type3A_101, %eq3A_158 : vector<256xf32>
    %jit3A_160 = arith.constant 2.550000e+02 : f32
    %broadcast_in_dim3A_161 = vector.broadcast %jit3A_160 : f32 to vector<256xf32>
    %select_n3A_162 = arith.select %eq3A_159, %broadcast_in_dim3A_161, %select_n3A_153 : vector<256xi1>, vector<256xf32>
    %jit3A_163 = arith.constant 0.000000e+00 : f32
    %broadcast_in_dim3A_164 = vector.broadcast %jit3A_163 : f32 to vector<256xf32>
    %select_n3A_165 = arith.select %eq3A_156, %broadcast_in_dim3A_164, %select_n3A_162 : vector<256xi1>, vector<256xf32>
    %swap3A_166 = arith.constant 256 : index
    %swap3A_167 = vector.load %arg1[%swap3A_166] : memref<768xf32, #tpu.memory_space<vmem>>, vector<256xf32>
    tpu.vector_store %arg1[%swap3A_166], %select_n3A_165 {strides = array<i32>} : memref<768xf32, #tpu.memory_space<vmem>>, vector<256xf32>,
    %slice3A_168 = vector.extract_strided_slice %mul3A_98 {offsets = [2, 0], sizes = [1, 256], strides = [1, 1]} : vector<6x256xf32> to vector<1x256xf32>
    %squeeze3A_169 = vector.shape_cast %slice3A_168 : vector<1x256xf32> to vector<256xf32>
    %slice3A_170 = vector.extract_strided_slice %mul3A_98 {offsets = [5, 0], sizes = [1, 256], strides = [1, 1]} : vector<6x256xf32> to vector<1x256xf32>
    %squeeze3A_171 = vector.shape_cast %slice3A_170 : vector<1x256xf32> to vector<256xf32>
    %broadcast_in_dim3A_172 = vector.shape_cast %squeeze3A_171 : vector<256xf32> to vector<1x256xf32>
    %broadcast_in_dim3A_173 = vector.shape_cast %squeeze3A_169 : vector<256xf32> to vector<256x1xf32>
    %lt3A_174 = vector.broadcast %broadcast_in_dim3A_172 : vector<1x256xf32> to vector<256x256xf32>
    %lt3A_175 = vector.broadcast %broadcast_in_dim3A_173 : vector<256x1xf32> to vector<256x256xf32>
    %lt3A_176 = arith.cmpf olt, %lt3A_174, %lt3A_175 : vector<256x256xf32>
    %convert_element_type3A_177 = arith.extui %lt3A_176 : vector<256x256xi1> to vector<256x256xi32>
    %convert_element_type3A_178 = arith.sitofp %convert_element_type3A_177 : vector<256x256xi32> to vector<256x256xf32>
    %reduce_sum3A_179 = arith.constant dense<0.000000e+00> : vector<256xf32>
    %reduce_sum3A_180 = vector.multi_reduction <add>, %convert_element_type3A_178, %reduce_sum3A_179 [1] : vector<256x256xf32> to vector<256xf32>
    %ge3A_181 = arith.constant 1.000000e+00 : f32
    %ge3A_182 = vector.broadcast %ge3A_181 : f32 to vector<256xf32>
    %ge3A_183 = arith.cmpf oge, %reduce_sum3A_180, %ge3A_182 : vector<256xf32>
    %slice3A_184 = vector.extract_strided_slice %squeeze3A_171 {offsets = [0], sizes = [1], strides = [1]} : vector<256xf32> to vector<1xf32>
    %squeeze3A_185 = vector.extract %slice3A_184[0] : f32 from vector<1xf32>
    %ge3A_186 = vector.broadcast %squeeze3A_185 : f32 to vector<256xf32>
    %ge3A_187 = arith.cmpf oge, %squeeze3A_169, %ge3A_186 : vector<256xf32>
    %jit3A_188 = arith.constant 1.000000e+00 : f32
    %broadcast_in_dim3A_189 = vector.broadcast %jit3A_188 : f32 to vector<256xf32>
    %select_n3A_190 = arith.select %ge3A_187, %broadcast_in_dim3A_189, %convert_element_type3A_101 : vector<256xi1>, vector<256xf32>
    %select_n3A_191 = arith.select %ge3A_183, %reduce_sum3A_180, %select_n3A_190 : vector<256xi1>, vector<256xf32>
    %eq3A_192 = arith.constant 0.000000e+00 : f32
    %eq3A_193 = vector.broadcast %eq3A_192 : f32 to vector<256xf32>
    %eq3A_194 = arith.cmpf oeq, %convert_element_type3A_101, %eq3A_193 : vector<256xf32>
    %eq3A_195 = arith.constant 2.550000e+02 : f32
    %eq3A_196 = vector.broadcast %eq3A_195 : f32 to vector<256xf32>
    %eq3A_197 = arith.cmpf oeq, %convert_element_type3A_101, %eq3A_196 : vector<256xf32>
    %jit3A_198 = arith.constant 2.550000e+02 : f32
    %broadcast_in_dim3A_199 = vector.broadcast %jit3A_198 : f32 to vector<256xf32>
    %select_n3A_200 = arith.select %eq3A_197, %broadcast_in_dim3A_199, %select_n3A_191 : vector<256xi1>, vector<256xf32>
    %jit3A_201 = arith.constant 0.000000e+00 : f32
    %broadcast_in_dim3A_202 = vector.broadcast %jit3A_201 : f32 to vector<256xf32>
    %select_n3A_203 = arith.select %eq3A_194, %broadcast_in_dim3A_202, %select_n3A_200 : vector<256xi1>, vector<256xf32>
    %swap3A_204 = arith.constant 512 : index
    %swap3A_205 = vector.load %arg1[%swap3A_204] : memref<768xf32, #tpu.memory_space<vmem>>, vector<256xf32>
    tpu.vector_store %arg1[%swap3A_204], %select_n3A_203 {strides = array<i32>} : memref<768xf32, #tpu.memory_space<vmem>>, vector<256xf32>,
    return
  }
}

module attributes {stable_mosaic.version = 14 : i64} {
  func.func @_tc_finish(%arg0: memref<1x1xf32, #tpu.memory_space<vmem>>, %arg1: memref<512xf32, #tpu.memory_space<vmem>>, %arg2: memref<1x1xf32, #tpu.memory_space<vmem>>) attributes {dimension_semantics = [], scalar_prefetch = 0 : i64, scratch_operands = 0 : i64, tpu.core_type = #tpu.core_type<tc>} {
    %get3A = arith.constant 0 : index
    %get3A_0 = arith.constant 0 : index
    %get3A_1 = vector.load %arg0[%get3A, %get3A_0] : memref<1x1xf32, #tpu.memory_space<vmem>>, vector<1x1xf32>
    %get3A_2 = arith.constant 0 : index
    %get3A_3 = vector.load %arg1[%get3A_2] : memref<512xf32, #tpu.memory_space<vmem>>, vector<512xf32>
    %reduce_sum3A = vector.shape_cast %get3A_3 : vector<512xf32> to vector<1x512xf32>
    %reduce_sum3A_4 = arith.constant dense<0.000000e+00> : vector<1xf32>
    %reduce_sum3A_5 = vector.multi_reduction <add>, %reduce_sum3A, %reduce_sum3A_4 [1] : vector<1x512xf32> to vector<1xf32>
    %reduce_sum3A_6 = vector.shape_cast %reduce_sum3A_5 : vector<1xf32> to vector<1x1xf32>
    %reduce_sum3A_7 = vector.extract %reduce_sum3A_6[0, 0] : f32 from vector<1x1xf32>
    %reshape3A = vector.broadcast %reduce_sum3A_7 : f32 to vector<1x1xf32>
    %add3A = arith.addf %get3A_1, %reshape3A : vector<1x1xf32>
    %mul3A = arith.constant 1.27156579E-6 : f32
    %mul3A_8 = vector.broadcast %mul3A : f32 to vector<1x1xf32>
    %mul3A_9 = arith.mulf %add3A, %mul3A_8 : vector<1x1xf32>
    %swap3A = arith.constant 0 : index
    %swap3A_10 = arith.constant 0 : index
    %swap3A_11 = vector.load %arg2[%swap3A, %swap3A_10] : memref<1x1xf32, #tpu.memory_space<vmem>>, vector<1x1xf32>
    tpu.vector_store %arg2[%swap3A, %swap3A_10], %mul3A_9 {strides = array<i32>} : memref<1x1xf32, #tpu.memory_space<vmem>>, vector<1x1xf32>,
    return
  }
}

module attributes {stable_mosaic.version = 14 : i64} {
  func.func @_tc_prep(%arg0: i32, %arg1: memref<256x512xf32, #tpu.memory_space<vmem>>, %arg2: memref<256x512xf32, #tpu.memory_space<vmem>>, %arg3: memref<256x512xf32, #tpu.memory_space<vmem>>, %arg4: memref<256x512xf32, #tpu.memory_space<vmem>>, %arg5: memref<256x512xf32, #tpu.memory_space<vmem>>, %arg6: memref<256x512xf32, #tpu.memory_space<vmem>>, %arg7: memref<256x512xf32, #tpu.memory_space<vmem>>, %arg8: memref<256x512xf32, #tpu.memory_space<vmem>>, %arg9: memref<256x512xf32, #tpu.memory_space<vmem>>, %arg10: memref<256x512xf32, #tpu.memory_space<vmem>>, %arg11: memref<256x512xf32, #tpu.memory_space<vmem>>, %arg12: memref<131072xf32, #tpu.memory_space<vmem>>, %arg13: memref<131072xf32, #tpu.memory_space<vmem>>, %arg14: memref<131072xf32, #tpu.memory_space<vmem>>, %arg15: memref<131072xf32, #tpu.memory_space<vmem>>, %arg16: memref<131072xf32, #tpu.memory_space<vmem>>, %arg17: memref<131072xf32, #tpu.memory_space<vmem>>, %arg18: memref<131072xi32, #tpu.memory_space<vmem>>, %arg19: memref<131072xi32, #tpu.memory_space<vmem>>, %arg20: memref<1x1xf32, #tpu.memory_space<vmem>>) attributes {dimension_semantics = [#tpu.dimension_semantics<arbitrary>], iteration_bounds = array<i64: 2>, scalar_prefetch = 0 : i64, scratch_operands = 0 : i64, tpu.core_type = #tpu.core_type<tc>, window_params = [{transform_indices = @transform_0, window_bounds = array<i64: 256, 512>}, {transform_indices = @transform_1, window_bounds = array<i64: 256, 512>}, {transform_indices = @transform_2, window_bounds = array<i64: 256, 512>}, {transform_indices = @transform_3, window_bounds = array<i64: 256, 512>}, {transform_indices = @transform_4, window_bounds = array<i64: 256, 512>}, {transform_indices = @transform_5, window_bounds = array<i64: 256, 512>}, {transform_indices = @transform_6, window_bounds = array<i64: 256, 512>}, {transform_indices = @transform_7, window_bounds = array<i64: 256, 512>}, {transform_indices = @transform_8, window_bounds = array<i64: 256, 512>}, {transform_indices = @transform_9, window_bounds = array<i64: 256, 512>}, {transform_indices = @transform_10, window_bounds = array<i64: 256, 512>}, {transform_indices = @transform_11, window_bounds = array<i64: 131072>}, {transform_indices = @transform_12, window_bounds = array<i64: 131072>}, {transform_indices = @transform_13, window_bounds = array<i64: 131072>}, {transform_indices = @transform_14, window_bounds = array<i64: 131072>}, {transform_indices = @transform_15, window_bounds = array<i64: 131072>}, {transform_indices = @transform_16, window_bounds = array<i64: 131072>}, {transform_indices = @transform_17, window_bounds = array<i64: 131072>}, {transform_indices = @transform_18, window_bounds = array<i64: 131072>}, {pipeline_mode = #tpu.pipeline_mode<synchronous>, transform_indices = @transform_19, window_bounds = array<i64: 1, 1>}]} {
    %get3A = arith.constant 0 : index
    %get3A_0 = arith.constant 0 : index
    %get3A_1 = vector.load %arg10[%get3A, %get3A_0] : memref<256x512xf32, #tpu.memory_space<vmem>>, vector<256x512xf32>
    %get3A_2 = arith.constant 0 : index
    %get3A_3 = arith.constant 0 : index
    %get3A_4 = vector.load %arg11[%get3A_2, %get3A_3] : memref<256x512xf32, #tpu.memory_space<vmem>>, vector<256x512xf32>
    %broadcast_in_dim3A = arith.constant 0.000000e+00 : f32
    %broadcast_in_dim3A_5 = vector.broadcast %broadcast_in_dim3A : f32 to vector<1x1xf32>
    %get3A_6 = arith.constant 0 : index
    %get3A_7 = arith.constant 0 : index
    %get3A_8 = vector.load %arg1[%get3A_6, %get3A_7] : memref<256x512xf32, #tpu.memory_space<vmem>>, vector<256x512xf32>
    %add3A = arith.constant 1.000000e+00 : f32
    %add3A_9 = vector.broadcast %add3A : f32 to vector<256x512xf32>
    %add3A_10 = arith.addf %get3A_8, %add3A_9 : vector<256x512xf32>
    %div3A = arith.constant 2.000000e+00 : f32
    %div3A_11 = vector.broadcast %div3A : f32 to vector<256x512xf32>
    %div3A_12 = arith.divf %add3A_10, %div3A_11 : vector<256x512xf32>
    %jit3A = arith.constant 0.000000e+00 : f32
    %jit3A_13 = arith.constant 1.000000e+00 : f32
    %max3A = vector.broadcast %jit3A : f32 to vector<256x512xf32>
    %max3A_14 = arith.maximumf %max3A, %div3A_12 : vector<256x512xf32>
    %min3A = vector.broadcast %jit3A_13 : f32 to vector<256x512xf32>
    %min3A_15 = arith.minimumf %min3A, %max3A_14 : vector<256x512xf32>
    %mul3A = arith.constant 2.550000e+02 : f32
    %mul3A_16 = vector.broadcast %mul3A : f32 to vector<256x512xf32>
    %mul3A_17 = arith.mulf %min3A_15, %mul3A_16 : vector<256x512xf32>
    %mul3A_18 = arith.mulf %mul3A_17, %get3A_1 : vector<256x512xf32>
    %get3A_19 = arith.constant 0 : index
    %get3A_20 = arith.constant 0 : index
    %get3A_21 = vector.load %arg4[%get3A_19, %get3A_20] : memref<256x512xf32, #tpu.memory_space<vmem>>, vector<256x512xf32>
    %add3A_22 = arith.constant 1.000000e+00 : f32
    %add3A_23 = vector.broadcast %add3A_22 : f32 to vector<256x512xf32>
    %add3A_24 = arith.addf %get3A_21, %add3A_23 : vector<256x512xf32>
    %div3A_25 = arith.constant 2.000000e+00 : f32
    %div3A_26 = vector.broadcast %div3A_25 : f32 to vector<256x512xf32>
    %div3A_27 = arith.divf %add3A_24, %div3A_26 : vector<256x512xf32>
    %jit3A_28 = arith.constant 0.000000e+00 : f32
    %jit3A_29 = arith.constant 1.000000e+00 : f32
    %max3A_30 = vector.broadcast %jit3A_28 : f32 to vector<256x512xf32>
    %max3A_31 = arith.maximumf %max3A_30, %div3A_27 : vector<256x512xf32>
    %min3A_32 = vector.broadcast %jit3A_29 : f32 to vector<256x512xf32>
    %min3A_33 = arith.minimumf %min3A_32, %max3A_31 : vector<256x512xf32>
    %mul3A_34 = arith.constant 2.550000e+02 : f32
    %mul3A_35 = vector.broadcast %mul3A_34 : f32 to vector<256x512xf32>
    %mul3A_36 = arith.mulf %min3A_33, %mul3A_35 : vector<256x512xf32>
    %mul3A_37 = arith.mulf %mul3A_36, %get3A_1 : vector<256x512xf32>
    %get3A_38 = arith.constant 0 : index
    %get3A_39 = arith.constant 0 : index
    %get3A_40 = vector.load %arg7[%get3A_38, %get3A_39] : memref<256x512xf32, #tpu.memory_space<vmem>>, vector<256x512xf32>
    %add3A_41 = arith.constant 1.000000e+00 : f32
    %add3A_42 = vector.broadcast %add3A_41 : f32 to vector<256x512xf32>
    %add3A_43 = arith.addf %get3A_40, %add3A_42 : vector<256x512xf32>
    %div3A_44 = arith.constant 2.000000e+00 : f32
    %div3A_45 = vector.broadcast %div3A_44 : f32 to vector<256x512xf32>
    %div3A_46 = arith.divf %add3A_43, %div3A_45 : vector<256x512xf32>
    %jit3A_47 = arith.constant 0.000000e+00 : f32
    %jit3A_48 = arith.constant 1.000000e+00 : f32
    %max3A_49 = vector.broadcast %jit3A_47 : f32 to vector<256x512xf32>
    %max3A_50 = arith.maximumf %max3A_49, %div3A_46 : vector<256x512xf32>
    %min3A_51 = vector.broadcast %jit3A_48 : f32 to vector<256x512xf32>
    %min3A_52 = arith.minimumf %min3A_51, %max3A_50 : vector<256x512xf32>
    %mul3A_53 = arith.constant 2.550000e+02 : f32
    %mul3A_54 = vector.broadcast %mul3A_53 : f32 to vector<256x512xf32>
    %mul3A_55 = arith.mulf %min3A_52, %mul3A_54 : vector<256x512xf32>
    %mul3A_56 = arith.mulf %mul3A_55, %get3A_4 : vector<256x512xf32>
    %reshape3A = vector.shape_cast %mul3A_18 : vector<256x512xf32> to vector<131072xf32>
    %swap3A = arith.constant 0 : index
    %swap3A_57 = vector.load %arg12[%swap3A] : memref<131072xf32, #tpu.memory_space<vmem>>, vector<131072xf32>
    tpu.vector_store %arg12[%swap3A], %reshape3A {strides = array<i32>} : memref<131072xf32, #tpu.memory_space<vmem>>, vector<131072xf32>,
    %reshape3A_58 = vector.shape_cast %mul3A_37 : vector<256x512xf32> to vector<131072xf32>
    %swap3A_59 = arith.constant 0 : index
    %swap3A_60 = vector.load %arg15[%swap3A_59] : memref<131072xf32, #tpu.memory_space<vmem>>, vector<131072xf32>
    tpu.vector_store %arg15[%swap3A_59], %reshape3A_58 {strides = array<i32>} : memref<131072xf32, #tpu.memory_space<vmem>>, vector<131072xf32>,
    %jit3A_61 = arith.constant 0.000000e+00 : f32
    %jit3A_62 = arith.constant 2.550000e+02 : f32
    %max3A_63 = vector.broadcast %jit3A_61 : f32 to vector<256x512xf32>
    %max3A_64 = arith.maximumf %max3A_63, %mul3A_56 : vector<256x512xf32>
    %min3A_65 = vector.broadcast %jit3A_62 : f32 to vector<256x512xf32>
    %min3A_66 = arith.minimumf %min3A_65, %max3A_64 : vector<256x512xf32>
    %convert_element_type3A = arith.fptosi %min3A_66 : vector<256x512xf32> to vector<256x512xi32>
    %sub3A = arith.subf %mul3A_18, %mul3A_37 : vector<256x512xf32>
    %abs3A = math.absf %sub3A : vector<256x512xf32>
    %reduce_sum3A = vector.shape_cast %abs3A : vector<256x512xf32> to vector<1x256x512xf32>
    %reduce_sum3A_67 = arith.constant dense<0.000000e+00> : vector<1xf32>
    %reduce_sum3A_68 = vector.multi_reduction <add>, %reduce_sum3A, %reduce_sum3A_67 [1, 2] : vector<1x256x512xf32> to vector<1xf32>
    %reduce_sum3A_69 = vector.shape_cast %reduce_sum3A_68 : vector<1xf32> to vector<1x1x1xf32>
    %reduce_sum3A_70 = vector.extract %reduce_sum3A_69[0, 0, 0] : f32 from vector<1x1x1xf32>
    %reshape3A_71 = vector.broadcast %reduce_sum3A_70 : f32 to vector<1x1xf32>
    %add3A_72 = arith.addf %broadcast_in_dim3A_5, %reshape3A_71 : vector<1x1xf32>
    %get3A_73 = arith.constant 0 : index
    %get3A_74 = arith.constant 0 : index
    %get3A_75 = vector.load %arg2[%get3A_73, %get3A_74] : memref<256x512xf32, #tpu.memory_space<vmem>>, vector<256x512xf32>
    %add3A_76 = arith.constant 1.000000e+00 : f32
    %add3A_77 = vector.broadcast %add3A_76 : f32 to vector<256x512xf32>
    %add3A_78 = arith.addf %get3A_75, %add3A_77 : vector<256x512xf32>
    %div3A_79 = arith.constant 2.000000e+00 : f32
    %div3A_80 = vector.broadcast %div3A_79 : f32 to vector<256x512xf32>
    %div3A_81 = arith.divf %add3A_78, %div3A_80 : vector<256x512xf32>
    %jit3A_82 = arith.constant 0.000000e+00 : f32
    %jit3A_83 = arith.constant 1.000000e+00 : f32
    %max3A_84 = vector.broadcast %jit3A_82 : f32 to vector<256x512xf32>
    %max3A_85 = arith.maximumf %max3A_84, %div3A_81 : vector<256x512xf32>
    %min3A_86 = vector.broadcast %jit3A_83 : f32 to vector<256x512xf32>
    %min3A_87 = arith.minimumf %min3A_86, %max3A_85 : vector<256x512xf32>
    %mul3A_88 = arith.constant 2.550000e+02 : f32
    %mul3A_89 = vector.broadcast %mul3A_88 : f32 to vector<256x512xf32>
    %mul3A_90 = arith.mulf %min3A_87, %mul3A_89 : vector<256x512xf32>
    %mul3A_91 = arith.mulf %mul3A_90, %get3A_1 : vector<256x512xf32>
    %get3A_92 = arith.constant 0 : index
    %get3A_93 = arith.constant 0 : index
    %get3A_94 = vector.load %arg5[%get3A_92, %get3A_93] : memref<256x512xf32, #tpu.memory_space<vmem>>, vector<256x512xf32>
    %add3A_95 = arith.constant 1.000000e+00 : f32
    %add3A_96 = vector.broadcast %add3A_95 : f32 to vector<256x512xf32>
    %add3A_97 = arith.addf %get3A_94, %add3A_96 : vector<256x512xf32>
    %div3A_98 = arith.constant 2.000000e+00 : f32
    %div3A_99 = vector.broadcast %div3A_98 : f32 to vector<256x512xf32>
    %div3A_100 = arith.divf %add3A_97, %div3A_99 : vector<256x512xf32>
    %jit3A_101 = arith.constant 0.000000e+00 : f32
    %jit3A_102 = arith.constant 1.000000e+00 : f32
    %max3A_103 = vector.broadcast %jit3A_101 : f32 to vector<256x512xf32>
    %max3A_104 = arith.maximumf %max3A_103, %div3A_100 : vector<256x512xf32>
    %min3A_105 = vector.broadcast %jit3A_102 : f32 to vector<256x512xf32>
    %min3A_106 = arith.minimumf %min3A_105, %max3A_104 : vector<256x512xf32>
    %mul3A_107 = arith.constant 2.550000e+02 : f32
    %mul3A_108 = vector.broadcast %mul3A_107 : f32 to vector<256x512xf32>
    %mul3A_109 = arith.mulf %min3A_106, %mul3A_108 : vector<256x512xf32>
    %mul3A_110 = arith.mulf %mul3A_109, %get3A_1 : vector<256x512xf32>
    %get3A_111 = arith.constant 0 : index
    %get3A_112 = arith.constant 0 : index
    %get3A_113 = vector.load %arg8[%get3A_111, %get3A_112] : memref<256x512xf32, #tpu.memory_space<vmem>>, vector<256x512xf32>
    %add3A_114 = arith.constant 1.000000e+00 : f32
    %add3A_115 = vector.broadcast %add3A_114 : f32 to vector<256x512xf32>
    %add3A_116 = arith.addf %get3A_113, %add3A_115 : vector<256x512xf32>
    %div3A_117 = arith.constant 2.000000e+00 : f32
    %div3A_118 = vector.broadcast %div3A_117 : f32 to vector<256x512xf32>
    %div3A_119 = arith.divf %add3A_116, %div3A_118 : vector<256x512xf32>
    %jit3A_120 = arith.constant 0.000000e+00 : f32
    %jit3A_121 = arith.constant 1.000000e+00 : f32
    %max3A_122 = vector.broadcast %jit3A_120 : f32 to vector<256x512xf32>
    %max3A_123 = arith.maximumf %max3A_122, %div3A_119 : vector<256x512xf32>
    %min3A_124 = vector.broadcast %jit3A_121 : f32 to vector<256x512xf32>
    %min3A_125 = arith.minimumf %min3A_124, %max3A_123 : vector<256x512xf32>
    %mul3A_126 = arith.constant 2.550000e+02 : f32
    %mul3A_127 = vector.broadcast %mul3A_126 : f32 to vector<256x512xf32>
    %mul3A_128 = arith.mulf %min3A_125, %mul3A_127 : vector<256x512xf32>
    %mul3A_129 = arith.mulf %mul3A_128, %get3A_4 : vector<256x512xf32>
    %reshape3A_130 = vector.shape_cast %mul3A_91 : vector<256x512xf32> to vector<131072xf32>
    %swap3A_131 = arith.constant 0 : index
    %swap3A_132 = vector.load %arg13[%swap3A_131] : memref<131072xf32, #tpu.memory_space<vmem>>, vector<131072xf32>
    tpu.vector_store %arg13[%swap3A_131], %reshape3A_130 {strides = array<i32>} : memref<131072xf32, #tpu.memory_space<vmem>>, vector<131072xf32>,
    %reshape3A_133 = vector.shape_cast %mul3A_110 : vector<256x512xf32> to vector<131072xf32>
    %swap3A_134 = arith.constant 0 : index
    %swap3A_135 = vector.load %arg16[%swap3A_134] : memref<131072xf32, #tpu.memory_space<vmem>>, vector<131072xf32>
    tpu.vector_store %arg16[%swap3A_134], %reshape3A_133 {strides = array<i32>} : memref<131072xf32, #tpu.memory_space<vmem>>, vector<131072xf32>,
    %jit3A_136 = arith.constant 0.000000e+00 : f32
    %jit3A_137 = arith.constant 2.550000e+02 : f32
    %max3A_138 = vector.broadcast %jit3A_136 : f32 to vector<256x512xf32>
    %max3A_139 = arith.maximumf %max3A_138, %mul3A_129 : vector<256x512xf32>
    %min3A_140 = vector.broadcast %jit3A_137 : f32 to vector<256x512xf32>
    %min3A_141 = arith.minimumf %min3A_140, %max3A_139 : vector<256x512xf32>
    %convert_element_type3A_142 = arith.fptosi %min3A_141 : vector<256x512xf32> to vector<256x512xi32>
    %shift_left3A = arith.constant 8 : i32
    %shift_left3A_143 = vector.broadcast %shift_left3A : i32 to vector<256x512xi32>
    %shift_left3A_144 = arith.shli %convert_element_type3A_142, %shift_left3A_143 : vector<256x512xi32>
    %or3A = arith.ori %convert_element_type3A, %shift_left3A_144 : vector<256x512xi32>
    %sub3A_145 = arith.subf %mul3A_91, %mul3A_110 : vector<256x512xf32>
    %abs3A_146 = math.absf %sub3A_145 : vector<256x512xf32>
    %reduce_sum3A_147 = vector.shape_cast %abs3A_146 : vector<256x512xf32> to vector<1x256x512xf32>
    %reduce_sum3A_148 = arith.constant dense<0.000000e+00> : vector<1xf32>
    %reduce_sum3A_149 = vector.multi_reduction <add>, %reduce_sum3A_147, %reduce_sum3A_148 [1, 2] : vector<1x256x512xf32> to vector<1xf32>
    %reduce_sum3A_150 = vector.shape_cast %reduce_sum3A_149 : vector<1xf32> to vector<1x1x1xf32>
    %reduce_sum3A_151 = vector.extract %reduce_sum3A_150[0, 0, 0] : f32 from vector<1x1x1xf32>
    %reshape3A_152 = vector.broadcast %reduce_sum3A_151 : f32 to vector<1x1xf32>
    %add3A_153 = arith.addf %add3A_72, %reshape3A_152 : vector<1x1xf32>
    %get3A_154 = arith.constant 0 : index
    %get3A_155 = arith.constant 0 : index
    %get3A_156 = vector.load %arg3[%get3A_154, %get3A_155] : memref<256x512xf32, #tpu.memory_space<vmem>>, vector<256x512xf32>
    %add3A_157 = arith.constant 1.000000e+00 : f32
    %add3A_158 = vector.broadcast %add3A_157 : f32 to vector<256x512xf32>
    %add3A_159 = arith.addf %get3A_156, %add3A_158 : vector<256x512xf32>
    %div3A_160 = arith.constant 2.000000e+00 : f32
    %div3A_161 = vector.broadcast %div3A_160 : f32 to vector<256x512xf32>
    %div3A_162 = arith.divf %add3A_159, %div3A_161 : vector<256x512xf32>
    %jit3A_163 = arith.constant 0.000000e+00 : f32
    %jit3A_164 = arith.constant 1.000000e+00 : f32
    %max3A_165 = vector.broadcast %jit3A_163 : f32 to vector<256x512xf32>
    %max3A_166 = arith.maximumf %max3A_165, %div3A_162 : vector<256x512xf32>
    %min3A_167 = vector.broadcast %jit3A_164 : f32 to vector<256x512xf32>
    %min3A_168 = arith.minimumf %min3A_167, %max3A_166 : vector<256x512xf32>
    %mul3A_169 = arith.constant 2.550000e+02 : f32
    %mul3A_170 = vector.broadcast %mul3A_169 : f32 to vector<256x512xf32>
    %mul3A_171 = arith.mulf %min3A_168, %mul3A_170 : vector<256x512xf32>
    %mul3A_172 = arith.mulf %mul3A_171, %get3A_1 : vector<256x512xf32>
    %get3A_173 = arith.constant 0 : index
    %get3A_174 = arith.constant 0 : index
    %get3A_175 = vector.load %arg6[%get3A_173, %get3A_174] : memref<256x512xf32, #tpu.memory_space<vmem>>, vector<256x512xf32>
    %add3A_176 = arith.constant 1.000000e+00 : f32
    %add3A_177 = vector.broadcast %add3A_176 : f32 to vector<256x512xf32>
    %add3A_178 = arith.addf %get3A_175, %add3A_177 : vector<256x512xf32>
    %div3A_179 = arith.constant 2.000000e+00 : f32
    %div3A_180 = vector.broadcast %div3A_179 : f32 to vector<256x512xf32>
    %div3A_181 = arith.divf %add3A_178, %div3A_180 : vector<256x512xf32>
    %jit3A_182 = arith.constant 0.000000e+00 : f32
    %jit3A_183 = arith.constant 1.000000e+00 : f32
    %max3A_184 = vector.broadcast %jit3A_182 : f32 to vector<256x512xf32>
    %max3A_185 = arith.maximumf %max3A_184, %div3A_181 : vector<256x512xf32>
    %min3A_186 = vector.broadcast %jit3A_183 : f32 to vector<256x512xf32>
    %min3A_187 = arith.minimumf %min3A_186, %max3A_185 : vector<256x512xf32>
    %mul3A_188 = arith.constant 2.550000e+02 : f32
    %mul3A_189 = vector.broadcast %mul3A_188 : f32 to vector<256x512xf32>
    %mul3A_190 = arith.mulf %min3A_187, %mul3A_189 : vector<256x512xf32>
    %mul3A_191 = arith.mulf %mul3A_190, %get3A_1 : vector<256x512xf32>
    %get3A_192 = arith.constant 0 : index
    %get3A_193 = arith.constant 0 : index
    %get3A_194 = vector.load %arg9[%get3A_192, %get3A_193] : memref<256x512xf32, #tpu.memory_space<vmem>>, vector<256x512xf32>
    %add3A_195 = arith.constant 1.000000e+00 : f32
    %add3A_196 = vector.broadcast %add3A_195 : f32 to vector<256x512xf32>
    %add3A_197 = arith.addf %get3A_194, %add3A_196 : vector<256x512xf32>
    %div3A_198 = arith.constant 2.000000e+00 : f32
    %div3A_199 = vector.broadcast %div3A_198 : f32 to vector<256x512xf32>
    %div3A_200 = arith.divf %add3A_197, %div3A_199 : vector<256x512xf32>
    %jit3A_201 = arith.constant 0.000000e+00 : f32
    %jit3A_202 = arith.constant 1.000000e+00 : f32
    %max3A_203 = vector.broadcast %jit3A_201 : f32 to vector<256x512xf32>
    %max3A_204 = arith.maximumf %max3A_203, %div3A_200 : vector<256x512xf32>
    %min3A_205 = vector.broadcast %jit3A_202 : f32 to vector<256x512xf32>
    %min3A_206 = arith.minimumf %min3A_205, %max3A_204 : vector<256x512xf32>
    %mul3A_207 = arith.constant 2.550000e+02 : f32
    %mul3A_208 = vector.broadcast %mul3A_207 : f32 to vector<256x512xf32>
    %mul3A_209 = arith.mulf %min3A_206, %mul3A_208 : vector<256x512xf32>
    %mul3A_210 = arith.mulf %mul3A_209, %get3A_4 : vector<256x512xf32>
    %reshape3A_211 = vector.shape_cast %mul3A_172 : vector<256x512xf32> to vector<131072xf32>
    %swap3A_212 = arith.constant 0 : index
    %swap3A_213 = vector.load %arg14[%swap3A_212] : memref<131072xf32, #tpu.memory_space<vmem>>, vector<131072xf32>
    tpu.vector_store %arg14[%swap3A_212], %reshape3A_211 {strides = array<i32>} : memref<131072xf32, #tpu.memory_space<vmem>>, vector<131072xf32>,
    %reshape3A_214 = vector.shape_cast %mul3A_191 : vector<256x512xf32> to vector<131072xf32>
    %swap3A_215 = arith.constant 0 : index
    %swap3A_216 = vector.load %arg17[%swap3A_215] : memref<131072xf32, #tpu.memory_space<vmem>>, vector<131072xf32>
    tpu.vector_store %arg17[%swap3A_215], %reshape3A_214 {strides = array<i32>} : memref<131072xf32, #tpu.memory_space<vmem>>, vector<131072xf32>,
    %jit3A_217 = arith.constant 0.000000e+00 : f32
    %jit3A_218 = arith.constant 2.550000e+02 : f32
    %max3A_219 = vector.broadcast %jit3A_217 : f32 to vector<256x512xf32>
    %max3A_220 = arith.maximumf %max3A_219, %mul3A_210 : vector<256x512xf32>
    %min3A_221 = vector.broadcast %jit3A_218 : f32 to vector<256x512xf32>
    %min3A_222 = arith.minimumf %min3A_221, %max3A_220 : vector<256x512xf32>
    %convert_element_type3A_223 = arith.fptosi %min3A_222 : vector<256x512xf32> to vector<256x512xi32>
    %shift_left3A_224 = arith.constant 16 : i32
    %shift_left3A_225 = vector.broadcast %shift_left3A_224 : i32 to vector<256x512xi32>
    %shift_left3A_226 = arith.shli %convert_element_type3A_223, %shift_left3A_225 : vector<256x512xi32>
    %or3A_227 = arith.ori %or3A, %shift_left3A_226 : vector<256x512xi32>
    %sub3A_228 = arith.subf %mul3A_172, %mul3A_191 : vector<256x512xf32>
    %abs3A_229 = math.absf %sub3A_228 : vector<256x512xf32>
    %reduce_sum3A_230 = vector.shape_cast %abs3A_229 : vector<256x512xf32> to vector<1x256x512xf32>
    %reduce_sum3A_231 = arith.constant dense<0.000000e+00> : vector<1xf32>
    %reduce_sum3A_232 = vector.multi_reduction <add>, %reduce_sum3A_230, %reduce_sum3A_231 [1, 2] : vector<1x256x512xf32> to vector<1xf32>
    %reduce_sum3A_233 = vector.shape_cast %reduce_sum3A_232 : vector<1xf32> to vector<1x1x1xf32>
    %reduce_sum3A_234 = vector.extract %reduce_sum3A_233[0, 0, 0] : f32 from vector<1x1x1xf32>
    %reshape3A_235 = vector.broadcast %reduce_sum3A_234 : f32 to vector<1x1xf32>
    %add3A_236 = arith.addf %add3A_153, %reshape3A_235 : vector<1x1xf32>
    %reshape3A_237 = vector.shape_cast %or3A_227 : vector<256x512xi32> to vector<131072xi32>
    %swap3A_238 = arith.constant 0 : index
    %swap3A_239 = vector.load %arg18[%swap3A_238] : memref<131072xi32, #tpu.memory_space<vmem>>, vector<131072xi32>
    tpu.vector_store %arg18[%swap3A_238], %reshape3A_237 {strides = array<i32>} : memref<131072xi32, #tpu.memory_space<vmem>>, vector<131072xi32>,
    %broadcast_in_dim3A_240 = arith.constant 0 : i32
    %broadcast_in_dim3A_241 = vector.broadcast %broadcast_in_dim3A_240 : i32 to vector<131072xi32>
    %swap3A_242 = arith.constant 0 : index
    %swap3A_243 = vector.load %arg19[%swap3A_242] : memref<131072xi32, #tpu.memory_space<vmem>>, vector<131072xi32>
    tpu.vector_store %arg19[%swap3A_242], %broadcast_in_dim3A_241 {strides = array<i32>} : memref<131072xi32, #tpu.memory_space<vmem>>, vector<131072xi32>,
    %eq3A = arith.constant 0 : i32
    %eq3A_244 = arith.cmpi eq, %arg0, %eq3A : i32
    %convert_element_type3A_245 = arith.extui %eq3A_244 : i1 to i32
    %cond3A = arith.constant 0 : i32
    %cond3A_246 = arith.cmpi ne, %convert_element_type3A_245, %cond3A : i32
    scf.if %cond3A_246 {
      %swap3A_251 = arith.constant 0 : index
      %swap3A_252 = arith.constant 0 : index
      %swap3A_253 = vector.load %arg20[%swap3A_251, %swap3A_252] : memref<1x1xf32, #tpu.memory_space<vmem>>, vector<1x1xf32>
      tpu.vector_store %arg20[%swap3A_251, %swap3A_252], %add3A_236 {strides = array<i32>} : memref<1x1xf32, #tpu.memory_space<vmem>>, vector<1x1xf32>,
    } else {
    }
    %gt3A = arith.constant 0 : i32
    %gt3A_247 = arith.cmpi sgt, %arg0, %gt3A : i32
    %convert_element_type3A_248 = arith.extui %gt3A_247 : i1 to i32
    %cond3A_249 = arith.constant 0 : i32
    %cond3A_250 = arith.cmpi ne, %convert_element_type3A_248, %cond3A_249 : i32
    scf.if %cond3A_250 {
      %get3A_251 = arith.constant 0 : index
      %get3A_252 = arith.constant 0 : index
      %get3A_253 = vector.load %arg20[%get3A_251, %get3A_252] : memref<1x1xf32, #tpu.memory_space<vmem>>, vector<1x1xf32>
      %add3A_254 = arith.addf %get3A_253, %add3A_236 : vector<1x1xf32>
      %swap3A_255 = arith.constant 0 : index
      %swap3A_256 = arith.constant 0 : index
      %swap3A_257 = vector.load %arg20[%swap3A_255, %swap3A_256] : memref<1x1xf32, #tpu.memory_space<vmem>>, vector<1x1xf32>
      tpu.vector_store %arg20[%swap3A_255, %swap3A_256], %add3A_254 {strides = array<i32>} : memref<1x1xf32, #tpu.memory_space<vmem>>, vector<1x1xf32>,
    } else {
    }
    return
  }
  func.func @transform_0(%arg0: i32) -> (i32, i32) {
    %add3A = arith.constant 0 : i32
    %add3A_0 = arith.addi %add3A, %arg0 : i32
    %c0_i32 = arith.constant 0 : i32
    %c0_i32_1 = arith.constant 0 : i32
    return %add3A_0, %c0_i32 : i32, i32
  }
  func.func @transform_1(%arg0: i32) -> (i32, i32) {
    %add3A = arith.constant 2 : i32
    %add3A_0 = arith.addi %add3A, %arg0 : i32
    %c0_i32 = arith.constant 0 : i32
    %c0_i32_1 = arith.constant 0 : i32
    return %add3A_0, %c0_i32 : i32, i32
  }
  func.func @transform_2(%arg0: i32) -> (i32, i32) {
    %add3A = arith.constant 4 : i32
    %add3A_0 = arith.addi %add3A, %arg0 : i32
    %c0_i32 = arith.constant 0 : i32
    %c0_i32_1 = arith.constant 0 : i32
    return %add3A_0, %c0_i32 : i32, i32
  }
  func.func @transform_3(%arg0: i32) -> (i32, i32) {
    %add3A = arith.constant 0 : i32
    %add3A_0 = arith.addi %add3A, %arg0 : i32
    %c0_i32 = arith.constant 0 : i32
    %c0_i32_1 = arith.constant 0 : i32
    return %add3A_0, %c0_i32 : i32, i32
  }
  func.func @transform_4(%arg0: i32) -> (i32, i32) {
    %add3A = arith.constant 2 : i32
    %add3A_0 = arith.addi %add3A, %arg0 : i32
    %c0_i32 = arith.constant 0 : i32
    %c0_i32_1 = arith.constant 0 : i32
    return %add3A_0, %c0_i32 : i32, i32
  }
  func.func @transform_5(%arg0: i32) -> (i32, i32) {
    %add3A = arith.constant 4 : i32
    %add3A_0 = arith.addi %add3A, %arg0 : i32
    %c0_i32 = arith.constant 0 : i32
    %c0_i32_1 = arith.constant 0 : i32
    return %add3A_0, %c0_i32 : i32, i32
  }
  func.func @transform_6(%arg0: i32) -> (i32, i32) {
    %add3A = arith.constant 0 : i32
    %add3A_0 = arith.addi %add3A, %arg0 : i32
    %c0_i32 = arith.constant 0 : i32
    %c0_i32_1 = arith.constant 0 : i32
    return %add3A_0, %c0_i32 : i32, i32
  }
  func.func @transform_7(%arg0: i32) -> (i32, i32) {
    %add3A = arith.constant 2 : i32
    %add3A_0 = arith.addi %add3A, %arg0 : i32
    %c0_i32 = arith.constant 0 : i32
    %c0_i32_1 = arith.constant 0 : i32
    return %add3A_0, %c0_i32 : i32, i32
  }
  func.func @transform_8(%arg0: i32) -> (i32, i32) {
    %add3A = arith.constant 4 : i32
    %add3A_0 = arith.addi %add3A, %arg0 : i32
    %c0_i32 = arith.constant 0 : i32
    %c0_i32_1 = arith.constant 0 : i32
    return %add3A_0, %c0_i32 : i32, i32
  }
  func.func @transform_9(%arg0: i32) -> (i32, i32) {
    %c0_i32 = arith.constant 0 : i32
    %c0_i32_0 = arith.constant 0 : i32
    return %arg0, %c0_i32 : i32, i32
  }
  func.func @transform_10(%arg0: i32) -> (i32, i32) {
    %c0_i32 = arith.constant 0 : i32
    %c0_i32_0 = arith.constant 0 : i32
    return %arg0, %c0_i32 : i32, i32
  }
  func.func @transform_11(%arg0: i32) -> i32 {
    %c0_i32 = arith.constant 0 : i32
    return %arg0 : i32
  }
  func.func @transform_12(%arg0: i32) -> i32 {
    %c0_i32 = arith.constant 0 : i32
    return %arg0 : i32
  }
  func.func @transform_13(%arg0: i32) -> i32 {
    %c0_i32 = arith.constant 0 : i32
    return %arg0 : i32
  }
  func.func @transform_14(%arg0: i32) -> i32 {
    %c0_i32 = arith.constant 0 : i32
    return %arg0 : i32
  }
  func.func @transform_15(%arg0: i32) -> i32 {
    %c0_i32 = arith.constant 0 : i32
    return %arg0 : i32
  }
  func.func @transform_16(%arg0: i32) -> i32 {
    %c0_i32 = arith.constant 0 : i32
    return %arg0 : i32
  }
  func.func @transform_17(%arg0: i32) -> i32 {
    %c0_i32 = arith.constant 0 : i32
    return %arg0 : i32
  }
  func.func @transform_18(%arg0: i32) -> i32 {
    %c0_i32 = arith.constant 0 : i32
    return %arg0 : i32
  }
  func.func @transform_19(%arg0: i32) -> (i32, i32) {
    %c0_i32 = arith.constant 0 : i32
    %c0_i32_0 = arith.constant 0 : i32
    %c0_i32_1 = arith.constant 0 : i32
    return %c0_i32, %c0_i32_0 : i32, i32
  }
}

</mosaic_0001>

<sc_bundles>
// kernel: kernel.10.cloned.1.call-start
scs
__scs_entry_jumppad:
0x0: {  	(pc) =	sbr.rel $0x88, $3  }
0x1: {  	(tag) =	ssettag $0x0;
	lr =	simm.s32 $0x1  }
0x2: {  	[smem:$0x3F9B] =	sst lr;
	_ =	strace $0xD0000000  }
0x3: {  	_ = 	snop  }
0x4: {  	_ = 	snop  }
0x5: {  	_ = 	snop  }
0x6: {  	_ = 	snop  }
0x7: {  	_ = 	snop  }
__scs_overlays_trampoline_lowered:
0x8: {  	[smem:$0x3FAA] =	sst s0  }
0x9: {  	[smem:$0x3FAB] =	sst s1  }
0xa: {  	[smem:$0x3FAC] =	sst s2  }
0xb: {  	[smem:$0x3FAD] =	sst s3  }
0xc: {  	[smem:$0x3FAE] =	sst s4  }
0xd: {  	[smem:$0x3FAF] =	sst s5  }
0xe: {  	[smem:$0x3FB0] =	sst s6  }
0xf: {  	[smem:$0x3FB1] =	sst s7  }
0x10: {  	[smem:$0x3FB2] =	sst s8  }
0x11: {  	[smem:$0x3FB3] =	sst s9;
	s0 =	simm.s32 @!p0 $0x0  }
0x12: {  	s1 =	sld [smem:$0x3F99];
	s0 =	simm.s32 @p0 $0x1  }
0x13: {  	[smem:$0x3FB4] =	sst s0;
	s0 =	simm.s32 @!p1 $0x0  }
0x14: {  	s2 =	sld [smem:$0x3F98];
	s0 =	simm.s32 @p1 $0x1  }
0x15: {  	[smem:$0x3FB5] =	sst s0;
	s0 =	simm.s32 @!p2 $0x0  }
0x16: {  	s3 =	sld [smem:$0x3FDB];
	s0 =	simm.s32 @p2 $0x1  }
0x17: {  	s4 =	simm.s32 $0x1BF5;
	[smem:$0x3FB7] =	sst s0  }
0x18: {  	s0 =	sld [smem:$0x3F9A];
	_ =	swait.ge [sflag:s4], $0x0  }
0x19: {  	s7 =	sld [smem:$0x3F9B]  }
0x1a: {  	s8 =	sadd.s32 $0xFFFFE003, lr  }
0x1b: {  	s9 =	sadd.s32 $0xFFFFFEF7, lr;
	s5 =	simm.s32 $0xFFFFFFFF;
	p2 =	slt.u32 s8, $0xFFFFF086  }
0x1c: {  	p1 =	slt.u32 s9, $0xF7A;
	s5 =	simm.s32 @!p2 $0x0  }
0x1d: {  	s5 =	simm.s32 @p1 $0x1;
	p0 =	seq.s32 s7, s2  }
0x1e: {  	s7 =	smul.u32 @!p0 $0xF7A, s2;
	p2 =	seq.s32 @!p0 s5, $0x0  }
0x1f: {  	s9 =	smul.u32 $0xF7A, s1;
	s8 =	simm.s32 @!p0 $0x1BF5;
	p2 =	por !p2, p0  }
0x20: {  	[sflag:s8] =	ssyncset.s32 @!p0 $0xFFFFF086;
	s6 =	sadd.s32 @!p0 s3, s7;
	s7 =	simm.s32 @!p0 $0x108  }
0x21: {  	s3 =	sadd.s32 s3, s9;
	s6 =	sadd.s32 @!p0 $0x88, s6;
	s7 =	simm.s32 @p2 $0x1082  }
0x22: {  	[simem:s7], [sflag:s8] =	dma.local @!p0 [hbm:s6], $0xF7A  }
0x23: {  	s9 =	sor.u32 $0xD0000000, s2;
	s6 =	simm.s32 $0x108;
	_ =	swait.ge @!p0 [sflag:s8], $0x0  }
0x24: {  	s3 =	sadd.s32 $0x88, s3;
	s6 =	simm.s32 @!p1 $0x1082;
	[sflag:s4] =	ssyncset.s32 $0xFFFFF086  }
0x25: {  	[simem:s6], [sflag:s4] =	dma.local [hbm:s3], $0xF7A  }
0x26: {  	[smem:$0x3F9B] =	sst s1;
	(tag) =	ssettag s2;
	_ =	strace s9  }
0x27: {  	s1 =	sld [smem:$0x3FAB]  }
0x28: {  	s2 =	sld [smem:$0x3FAC]  }
0x29: {  	s4 =	sld [smem:$0x3FAE]  }
0x2a: {  	p0 =	seq.s32 s5, $0x0;
	s5 =	sld [smem:$0x3FAF]  }
0x2b: {  	s6 =	sld [smem:$0x3FB0]  }
0x2c: {  	s7 =	sld [smem:$0x3FB1]  }
0x2d: {  	s3 =	simm.s32 $0x108;
	s8 =	sld [smem:$0x3FB2]  }
0x2e: {  	s3 =	simm.s32 @!p0 $0x1082;
	s9 =	sld [smem:$0x3FB3]  }
0x2f: {  	lr =	sadd.s32 s0, s3;
	s0 =	sld [smem:$0x3FAA]  }
0x30: {  	s3 =	sld [smem:$0x3FAD]  }
0x31: {  	[smem:$0x3FB6] =	sst s10  }
0x32: {  	s10 =	sld [smem:$0x3FB4];
	_ =	sdelay $0x3  }
0x33: {  	p0 =	seq.s32 s10, $0x1;
	s10 =	sld [smem:$0x3FB6];
	_ =	sdelay $0x3  }
0x34: {  	[smem:$0x3FB6] =	sst s10  }
0x35: {  	s10 =	sld [smem:$0x3FB5];
	_ =	sdelay $0x3  }
0x36: {  	p1 =	seq.s32 s10, $0x1;
	s10 =	sld [smem:$0x3FB6];
	_ =	sdelay $0x3  }
0x37: {  	[smem:$0x3FB6] =	sst s10  }
0x38: {  	s10 =	sld [smem:$0x3FB7]  }
0x39: {  	_ = 	snop;
	(pc) =	sbr.ind lr, $3  }
0x3a: {  	_ = 	snop  }
0x3b: {  	_ = 	snop  }
0x3c: {  	p2 =	seq.s32 s10, $0x1;
	s10 =	sld [smem:$0x3FB6]  }
0x3d: {  	_ =	shalt  }
0x3e: {  	_ =	shalt  }
0x3f: {  	_ =	shalt  }
0x40: {  	_ =	shalt  }
0x41: {  	_ =	shalt  }
0x42: {  	_ =	shalt  }
0x43: {  	_ =	shalt  }
0x44: {  	_ =	shalt  }
0x45: {  	_ =	shalt  }
0x46: {  	_ =	shalt  }
0x47: {  	_ =	shalt  }
0x48: {  	_ =	shalt  }
0x49: {  	_ =	shalt  }
0x4a: {  	_ =	shalt  }
0x4b: {  	_ =	shalt  }
0x4c: {  	_ =	shalt  }
0x4d: {  	_ =	shalt  }
0x4e: {  	_ =	shalt  }
0x4f: {  	_ =	shalt  }
0x50: {  	_ =	shalt  }
0x51: {  	_ =	shalt  }
0x52: {  	_ =	shalt  }
0x53: {  	_ =	shalt  }
0x54: {  	_ =	shalt  }
0x55: {  	_ =	shalt  }
0x56: {  	_ =	shalt  }
0x57: {  	_ =	shalt  }
0x58: {  	_ =	shalt  }
0x59: {  	_ =	shalt  }
0x5a: {  	_ =	shalt  }
0x5b: {  	_ =	shalt  }
0x5c: {  	_ =	shalt  }
0x5d: {  	_ =	shalt  }
0x5e: {  	_ =	shalt  }
0x5f: {  	_ =	shalt  }
0x60: {  	_ =	shalt  }
0x61: {  	_ =	shalt  }
0x62: {  	_ =	shalt  }
0x63: {  	_ =	shalt  }
0x64: {  	_ =	shalt  }
0x65: {  	_ =	shalt  }
0x66: {  	_ =	shalt  }
0x67: {  	_ =	shalt  }
0x68: {  	_ =	shalt  }
0x69: {  	_ =	shalt  }
0x6a: {  	_ =	shalt  }
0x6b: {  	_ =	shalt  }
0x6c: {  	_ =	shalt  }
0x6d: {  	_ =	shalt  }
0x6e: {  	_ =	shalt  }
0x6f: {  	_ =	shalt  }
0x70: {  	_ =	shalt  }
0x71: {  	_ =	shalt  }
0x72: {  	_ =	shalt  }
0x73: {  	_ =	shalt  }
0x74: {  	_ =	shalt  }
0x75: {  	_ =	shalt  }
0x76: {  	_ =	shalt  }
0x77: {  	_ =	shalt  }
0x78: {  	_ =	shalt  }
0x79: {  	_ =	shalt  }
0x7a: {  	_ =	shalt  }
0x7b: {  	_ =	shalt  }
0x7c: {  	_ =	shalt  }
0x7d: {  	_ =	shalt  }
0x7e: {  	_ =	shalt  }
0x7f: {  	_ =	shalt  }
0x80: {  	_ =	shalt  }
0x81: {  	_ =	shalt  }
0x82: {  	_ =	shalt  }
0x83: {  	_ =	shalt  }
0x84: {  	_ =	shalt  }
0x85: {  	_ =	shalt  }
0x86: {  	_ =	shalt  }
0x87: {  	_ =	shalt  }
.Lfunc_end0:
.L_simem_size_0:
called_computation.1_lowered:
.L_overlay_start_0:
0x88: {  	s2 =	sld [smem:$0x3FD9]  }
0x89: {  	s3 =	sld [smem:$0x3FFE];
	_ =	sdelay $0x1  }
0x8a: {  	s1 =	srdreg.scid  }
0x8b: {  	s0 =	sand.u32 $0x1, s1  }
0x8c: {  	s16 =	sshll.u32 s0, $0xA;
	s2 =	sadd.s32 s3, s2  }
0x8d: {  	s2 =	sadd.s32 s2, s16  }
0x8e: {  	[smem:$0x3FC2] =	sst s2  }
0x8f: {  	_ = 	snop  }
0x90: {  	(tm) =	ssettm $0x1  }
0x91: {  	s17 =	sld [smem:$0x3FFB];
	_ =	sdelay $0x3  }
0x92: {  	_ =	strace s17  }
0x93: {  	s2 =	sld [smem:$0x3FFC];
	_ =	sdelay $0x3  }
0x94: {  	_ =	strace s2  }
0x95: {  	s2 =	sld [smem:$0x3FFD];
	_ =	sdelay $0x3  }
0x96: {  	_ =	strace s2  }
0x97: {  	_ =	strace $0x8FFFFFFF  }
0x98: {  	s18 =	sld [smem:$0x3FDB];
	_ =	sdelay $0x1  }
0x99: {  	s19 =	simm.s32 $_scs_section_size  }
0x9a: {  	s4 =	simm.s32 $_size__tile_overlayer_lowered;
	s5 =	simm.s32 $_tile_overlayer_lowered  }
0x9b: {  	s22 =	simm.s32 $0x1BFF;
	s21 =	sshll.u32 s5, $0x1;
	s2 =	sadd.s32 s19, s18  }
0x9c: {  	s6 =	simm.s32 $0x0;
	s20 =	sshll.u32 s4, $0x1;
	s4 =	sadd.s32 s21, s2  }
0x9d: {  	[timem:s6], [sflag:s22] =	dma.local [hbm:s4], s20  }
0x9e: {  	_ =	swait.ge [sflag:s22], s20  }
0x9f: {  	s3 =	ssub.s32 $0x0, s20;
	[sflag:s22] =	ssyncset.done $0x0  }
0xa0: {  	[sflag:s22] =	ssyncadd.s32 s3;
	_ =	sdelay $0x1  }
0xa1: {  	s23 =	simm.s32 $0x1B8B  }
0xa2: {  	_ =	swait.ge [sflag:s23], $0x1  }
0xa3: {  	[sflag:s23] =	ssyncset.done $0x0  }
0xa4: {  	s25 =	simm.s32 $0x1B8E;
	s24 =	sld [smem:$0x3FFE];
	[sflag:s23] =	ssyncadd.s32 $0xFFFFFFFF  }
0xa5: {  	s26 =	simm.s32 $execute0_lowered;
	[smem:$0x3FD2] =	sst s25  }
0xa6: {  	s4 =	sshll.u32 s26, $0x1;
	_ =	strace $0x80000049;
	[dreg:$0x1] =	wrdreg $0xFFFFFFFF  }
0xa7: {  	s28 =	simm.s32 $_size_execute0_lowered;
	s2 =	sadd.s32 s2, s4;
	[dreg:$0x0] =	wrdreg $0x0  }
0xa8: {  	s4 =	sshll.u32 s28, $0x1;
	[dreg:$0x2] =	wrdreg s2  }
0xa9: {  	[dreg:$0x3] =	wrdreg s4  }
0xaa: {  	[dreg:$0x4] =	wrdreg $0xC0  }
0xab: {  	_ =	task [dreg:s6], $0x5FFFF  }
0xac: {  	[dreg:$0x1] =	wrdreg $0xFFFFFFFF  }
0xad: {  	[dreg:$0x0] =	wrdreg $0x60  }
0xae: {  	[dreg:$0x2] =	wrdreg s24  }
0xaf: {  	[dreg:$0x3] =	wrdreg $0x4B800  }
0xb0: {  	[dreg:$0x4] =	wrdreg $0x8B800  }
0xb1: {  	[dreg:$0x5] =	wrdreg $0xCB800  }
0xb2: {  	[dreg:$0x6] =	wrdreg $0x9  }
0xb3: {  	_ =	task.clear_ibuf [dreg:s6], $0x7FFFF;
	_ =	strace $0x90000049  }
0xb4: {  	s29 =	simm.s32 $0x9;
	_ =	strace $0x8000004B  }
0xb5: {  	_ =	swait.ge [sflag:s29], $0x1  }
0xb6: {  	[sflag:s29] =	ssyncadd.s32 $0xFFFFFFFF  }
0xb7: {  	_ =	strace $0x9000004B  }
0xb8: {  	_ =	sfence  }
0xb9: {  	s30 =	sld [smem:$0x0];
	_ =	sdelay $0x2  }
0xba: {  	s31 =	sshll.u32 s1, $0xD;
	s1 =	sshrl.u32 s1, $0x2  }
0xbb: {  	s3 =	sand.u32 $0x4000, s31;
	s1 =	sadd.s32 s1, s30  }
0xbc: {  	s0 =	sor.u32 s3, s0;
	s1 =	sshll.u32 s1, $0x11  }
0xbd: {  	s0 =	sor.u32 s1, s0  }
0xbe: {  	s0 =	sadd.s32 $0x8F2B, s0  }
0xbf: {  	[sflag:s0] =	ssyncadd.remote.s32 $0x1  }
0xc0: {  	_ =	sfence.sel $0xFFFF  }
0xc1: {  	[dreg:$0x0] =	wrdreg $0xFFFFFFFF;
	(pc) =	sbr.abs _section_cstart, $3  }
0xc2: {  	[dreg:$0x1] =	wrdreg $0xFFFFFFFF  }
0xc3: {  	_ =	task.clear_ibuf [dreg:s6], $0x2FFFF;
	_ =	strace $0x9FFFFFFF  }
0xc4: {  	(tm) =	ssettm $0x7FFFFFFF  }
0xc5: {  	_ =	shalt  }
tec
execute0_lowered:
.L_overlay_start_1:
0x0: {  	(tag) =	ssettag $0x1  }
0x1: {  	s0 =	rddreg [dreg:$0x0]  }
0x2: {  	s9 =	rddreg [dreg:$0x1]  }
0x3: {  	s11 =	rddreg [dreg:$0x2]  }
0x4: {  	s12 =	rddreg [dreg:$0x3]  }
0x5: {  	s1 =	srdreg.scid;
	s10 =	stileid.u32  }
0x6: {  	s5 =	simm.s32 $0x0;
	s22 =	simm.s32 $0x3;
	s23 =	simm.s32 $0x800  }
0x7: {  	s28 =	simm.s32 $0x3B00;
	s29 =	simm.s32 $0x4300;
	s30 =	simm.s32 $0x1  }
0x8: {  	s31 =	simm.s32 $0x1B00;
	s1 =	sand.u32 $0x1, s1;
	s2 =	sshll.u32 s10, $0x1  }
0x9: {  	[smem:$0x7FF] =	sst s5;
	s6 =	sadd.s32 $0x43000, s0;
	s7 =	sadd.s32 $0x44800, s0  }
0xa: {  	s8 =	sadd.s32 $0x4C800, s0;
	s4 =	sshll.u32 s10, $0xB;
	s26 =	sshll.u32 s10, $0xE  }
0xb: {  	s10 =	sshll.u32 s10, $0x6;
	s2 =	sor.u32 s1, s2;
	_ =	strace $0x8000004A  }
0xc: {  	s1 =	ssub.s32 $0x2, s1;
	s4 =	sadd.s32 s4, s0;
	s19 =	sadd.s32 s26, s9  }
0xd: {  	s10 =	sor.u32 $0x1C01, s10;
	s20 =	sadd.s32 s26, s11;
	s3 =	sshll.u32 s2, $0x8  }
0xe: {  	s2 =	sshll.u32 s2, $0x1;
	s25 =	sshrl.u32 s1, $0x1;
	s9 =	sadd.s32 $0x2B000, s4  }
0xf: {  	s11 =	sadd.s32 $0x33000, s4;
	s19 =	sshrl.u32 s19, $0x3;
	s20 =	sshrl.u32 s20, $0x3  }
0x10: {  	s3 =	sadd.s32 s3, s0;
	s0 =	sadd.s32 s2, s0;
	s1 =	ssub.s32 s1, s25  }
0x11: {  	s2 =	sadd.s32 s26, s12;
	s12 =	sadd.s32 $0x3B000, s4;
	s25 =	simm.s32 $0x1800  }
0x12: {  	s4 =	simm.s32 $0x0;
	s13 =	sadd.s32 $0x54800, s3;
	s14 =	sadd.s32 $0x56800, s3  }
0x13: {  	s15 =	sadd.s32 $0x58800, s3;
	s16 =	sadd.s32 $0x5A800, s3;
	s17 =	sadd.s32 $0x43200, s0  }
0x14: {  	s18 =	smax.u32 s1, $0x1;
	s21 =	sshrl.u32 s2, $0x3;
	s0 =	simm.s32 $0x2300  }
0x15: {  	s2 =	simm.s32 $0x2B00;
	s1 =	simm.s32 $0x2;
	s3 =	simm.s32 $0x4B00  }
.LBB2_1:
0x16: {  	[spmem:s19], [sflag:s10] =	dma.local [hbm:s9], $0x800  }
0x17: {  	[spmem:s20], [sflag:s10] =	dma.local [hbm:s11], $0x800  }
0x18: {  	[spmem:s21], [sflag:s10] =	dma.local [hbm:s12], $0x800  }
0x19: {  	[tilespmem:s5], [sflag:$0x3] =	stream.linear.gather [hbm4b:s13+s5], $0x800, $0x38;
	[tilespmem:$0x10B80] =	vst v63  }
0x1a: {  	_ =	swait.ge [sflag:s22], $0x800  }
0x1b: {  	[sflag:s22] =	ssyncset.done $0x0  }
0x1c: {  	[sflag:s22] =	ssyncadd.s32 $0xFFFFF800  }
0x1d: {  	[tilespmem:s23], [sflag:$0x2] =	stream.indirect.gather [hbm4b:s7+s23], $0x1, s5, s23, $0xb8;
	[tilespmem:$0x10B80] =	vst v63  }
0x1e: {  	s24 =	simm.s32 $0x1000  }
0x1f: {  	[tilespmem:s24], [sflag:$0x2] =	stream.indirect.gather [hbm4b:s8+s23], $0x1, s5, s23, $0xb8;
	[tilespmem:$0x10B80] =	vst v63  }
0x20: {  	_ = 	snop  }
0x21: {  	[tilespmem:s25], [sflag:$0x3] =	stream.linear.gather [hbm4b:s6+s5], $0x300, $0x38;
	[tilespmem:$0x10B80] =	vst v63  }
0x22: {  	_ =	swait.ge [sflag:s22], $0x300  }
0x23: {  	[sflag:s22] =	ssyncset.done $0x0  }
0x24: {  	s26 =	simm.s32 $0x3300;
	[sflag:s22] =	ssyncadd.s32 $0xFFFFFD00  }
0x25: {  	[tilespmem:s26], [sflag:$0x3] =	stream.linear.gather [hbm4b:s14+s5], $0x800, $0x38;
	[tilespmem:$0x10B80] =	vst v63  }
0x26: {  	_ =	swait.ge [sflag:s22], $0x800  }
0x27: {  	[sflag:s22] =	ssyncset.done $0x0  }
0x28: {  	[sflag:s22] =	ssyncadd.s32 $0xFFFFF800  }
0x29: {  	[tilespmem:s28], [sflag:$0x3] =	stream.linear.gather [hbm4b:s15+s5], $0x800, $0x38;
	[tilespmem:$0x10B80] =	vst v63  }
0x2a: {  	_ =	swait.ge [sflag:s22], $0x800  }
0x2b: {  	[sflag:s22] =	ssyncset.done $0x0  }
0x2c: {  	[sflag:s22] =	ssyncadd.s32 $0xFFFFF800  }
0x2d: {  	[tilespmem:s29], [sflag:$0x3] =	stream.linear.gather [hbm4b:s16+s5], $0x800, $0x38;
	[tilespmem:$0x10B80] =	vst v63  }
0x2e: {  	_ =	swait.ge [sflag:s22], $0x800  }
0x2f: {  	[sflag:s22] =	ssyncset.done $0x0  }
0x30: {  	[sflag:s22] =	ssyncadd.s32 $0xFFFFF800  }
0x31: {  	_ =	swait.ge [sflag:s30], $0x800  }
0x32: {  	[sflag:s30] =	ssyncset.done $0x0  }
0x33: {  	[sflag:s30] =	ssyncadd.s32 $0xFFFFF800  }
0x34: {  	_ =	swait.ge [sflag:s30], $0x800  }
0x35: {  	[sflag:s30] =	ssyncset.done $0x0  }
0x36: {  	[sflag:s30] =	ssyncadd.s32 $0xFFFFF800  }
0x37: {  	_ =	swait.ge [sflag:s30], $0x800  }
0x38: {  	[sflag:s30] =	ssyncset.done $0x0  }
0x39: {  	[sflag:s30] =	ssyncadd.s32 $0xFFFFF800  }
0x3a: {  	[bflag:$0x0] =	sbarrier.arrive $0xFFFF  }
0x3b: {  	s26 =	rddreg [dreg:$0x1]  }
0x3c: {  	[tilespmem:s31], [sflag:$0x1] =	stream.indirect.gather [spmem:s26], $0x1, s5, s23, $0xb8;
	[tilespmem:$0x10B80] =	vst v63  }
0x3d: {  	s26 =	rddreg [dreg:$0x2]  }
0x3e: {  	[tilespmem:s0], [sflag:$0x1] =	stream.indirect.gather [spmem:s26], $0x1, s5, s23, $0xb8;
	[tilespmem:$0x10B80] =	vst v63  }
0x3f: {  	s26 =	rddreg [dreg:$0x3]  }
0x40: {  	[tilespmem:s2], [sflag:$0x1] =	stream.indirect.gather [spmem:s26], $0x1, s5, s23, $0xb8;
	[tilespmem:$0x10B80] =	vst v63  }
0x41: {  	_ =	swait.ge [sflag:s30], $0x800  }
0x42: {  	[sflag:s30] =	ssyncset.done $0x0  }
0x43: {  	[sflag:s30] =	ssyncadd.s32 $0xFFFFF800  }
0x44: {  	_ =	swait.ge [sflag:s30], $0x800  }
0x45: {  	[sflag:s30] =	ssyncset.done $0x0  }
0x46: {  	[sflag:s30] =	ssyncadd.s32 $0xFFFFF800  }
0x47: {  	_ =	swait.ge [sflag:s30], $0x800  }
0x48: {  	[sflag:s30] =	ssyncset.done $0x0  }
0x49: {  	[sflag:s30] =	ssyncadd.s32 $0xFFFFF800  }
0x4a: {  	_ =	swait.ge [sflag:s1], $0x800  }
0x4b: {  	[sflag:s1] =	ssyncset.done $0x0  }
0x4c: {  	[sflag:s1] =	ssyncadd.s32 $0xFFFFF800  }
0x4d: {  	_ =	swait.ge [sflag:s1], $0x800  }
0x4e: {  	[sflag:s1] =	ssyncset.done $0x0  }
0x4f: {  	s26 =	simm.s32 $0x0;
	[sflag:s1] =	ssyncadd.s32 $0xFFFFF800  }
0x50: {  	v7 =	vld [tilespmem:s26+$0x4300]  }
0x51: {  	v10 =	vld [tilespmem:s26+$0x3B00]  }
0x52: {  	v13 =	vld [tilespmem:s26+$0x3300]  }
0x53: {  	v3 =	vld [tilespmem:s26+$0x2B10]  }
0x54: {  	v5 =	vld [tilespmem:s26+$0x2310]  }
0x55: {  	v0 =	vld [tilespmem:s26+$0x800]  }
0x56: {  	v1 =	vld [tilespmem:s26+$0x1000]  }
0x57: {  	v11 =	vld [tilespmem:s26+$0x3310]  }
0x58: {  	v12 =	vld [tilespmem:s26+$0x4310];
	v2 =	vmax.f32 v13, $0.0e+00  }
0x59: {  	v4 =	vld [tilespmem:s26+$0x1B10];
	v6 =	vmax.f32 v10, $0.0e+00;
	v2 =	vmin.f32 v2, $2.550000000e+02  }
0x5a: {  	v9 =	vld [tilespmem:s26+$0x3B10];
	v8 =	vmax.f32 v7, $0.0e+00;
	v6 =	vmin.f32 v6, $2.550000000e+02;
	v2 =	vtrunc.f32 v2  }
0x5b: {  	v14 =	vld [tilespmem:s26+$0x2B00];
	v8 =	vmin.f32 v8, $2.550000000e+02;
	v6 =	vtrunc.f32 v6;
	v2 =	vcvt.f32.s32 v2  }
0x5c: {  	v15 =	vld [tilespmem:s26+$0x2300];
	v0 =	vadd.s32 v0, v1;
	v8 =	vtrunc.f32 v8;
	v6 =	vcvt.f32.s32 v6  }
0x5d: {  	v16 =	vld [tilespmem:s26+$0x1B00];
	v1 =	vmax.f32 v11, $0.0e+00;
	v21 =	vmax.f32 v12, $0.0e+00;
	v8 =	vcvt.f32.s32 v8  }
0x5e: {  	v17 =	vld [tilespmem:s26+$0x810];
	v18 =	vcvt.s32.f32 v0;
	v1 =	vmin.f32 v1, $2.550000000e+02;
	v6 =	vadd.s32 $0x100, v6  }
0x5f: {  	s24 =	simm.s32 $0x20;
	v19 =	vld [tilespmem:s26+$0x1010];
	v0 =	vmax.f32 v9, $0.0e+00;
	v1 =	vtrunc.f32 v1;
	v20 =	vadd.s32 $0x200, v8  }
0x60: {  	(erf) = vrcp.f32 v18;
	v18 =	vcvt.f32.s32 v1;
	v1 =	vld [tilespmem:s24+$0x3B00];
	v8 =	vmin.f32 v0, $2.550000000e+02  }
0x61: {  	v21 =	vmin.f32 v21, $2.550000000e+02;
	v8 =	vtrunc.f32 v8;
	v22 =	vld.idx.msk [tilespmem:v2+s25+$0x0], $0xffff  }
0x62: {  	v11 =	vsub.f32 v4, v11;
	v21 =	vtrunc.f32 v21;
	v0 =	vld [tilespmem:s24+$0x4300];
	v2 =	vcvt.f32.s32 v8  }
0x63: {  	v13 =	vsub.f32 v16, v13;
	v21 =	vcvt.f32.s32 v21;
	v23 =	vld.idx.msk [tilespmem:v6+s25+$0x0], $0xffff;
	v6 =	vsub.f32 v3, v12  }
0x64: {  	v12 =	vsub.f32 v14, v7;
	v7 =	vadd.s32 v17, v19;
	v17 =	vld.idx.msk [tilespmem:v20+s25+$0x0], $0xffff;
	v24 =	vadd.s32 $0x100, v2  }
0x65: {  	v9 =	vsub.f32 v5, v9;
	v19 =	vsub.f32 v15, v10;
	v2 =	vld [tilespmem:s24+$0x3300];
	v10 =	vcvt.s32.f32 v7  }
0x66: {  	v13 =	vand.u32 $0x7FFFFFFF, v13;
	v20 =	vadd.s32 $0x200, v21;
	v21 =	vsub.f32 v16, v22  }
0x67: {  	v8 =	vimm.f32 $0.0e+00;
	v7 =	vmax.f32 v0, $0.0e+00;
	(erf) = vrcp.f32 v10;
	v16 =	vld.idx.msk [tilespmem:v18+s25+$0x0], $0xffff  }
0x68: {  	v22 =	vmax.f32 v1, $0.0e+00;
	v23 =	vsub.f32 v15, v23;
	v21 =	vand.u32 $0x7FFFFFFF, v21  }
0x69: {  	v10 =	vmin.f32 v22, $2.550000000e+02;
	v18 =	vsub.f32 v14, v17;
	v15 =	vld.idx.msk [tilespmem:v24+s25+$0x0], $0xffff;
	v21 =	vsub.f32 v21, v13  }
0x6a: {  	v17 =	vpop (erf);
	v25 =	vmax.f32 v2, $0.0e+00;
	v22 =	vand.u32 $0x7FFFFFFF, v23;
	v23 =	vand.u32 $0x7FFFFFFF, v19  }
0x6b: {  	s26 =	simm.s32 $0x100;
	v14 =	vld.idx.msk [tilespmem:v20+s25+$0x0], $0xffff;
	v13 =	vmin.f32 v25, $2.550000000e+02;
	v20 =	vsub.f32 v22, v23;
	v19 =	vmul.f32 v21, v17  }
.LBB2_2:
0x6c: {  	p0 =	sne.s32 s26, $0x1F80;
	v21 =	vld [tilespmem:s24+$0x2B10];
	v18 =	vand.u32 $0x7FFFFFFF, v18;
	v12 =	vand.u32 $0x7FFFFFFF, v12;
	v16 =	vsub.f32 v4, v16  }
0x6d: {  	v22 =	vld [tilespmem:s24+$0x2310];
	v8 =	vadd.f32 v19, v8;
	v19 =	vmul.f32 v20, v17;
	v12 =	vsub.f32 v18, v12  }
0x6e: {  	v11 =	vand.u32 $0x7FFFFFFF, v11;
	v5 =	vsub.f32 v5, v15;
	v4 =	vld [tilespmem:s24+$0x1B10];
	v16 =	vand.u32 $0x7FFFFFFF, v16  }
0x6f: {  	v15 =	vld [tilespmem:s24+$0x800];
	v8 =	vadd.f32 v19, v8;
	v12 =	vmul.f32 v12, v17;
	v11 =	vsub.f32 v16, v11  }
0x70: {  	v9 =	vand.u32 $0x7FFFFFFF, v9;
	v19 =	vand.u32 $0x7FFFFFFF, v5;
	v14 =	vsub.f32 v3, v14;
	v16 =	vld [tilespmem:s24+$0x1000];
	v17 =	vpop (erf)  }
0x71: {  	v9 =	vsub.f32 v19, v9;
	v18 =	vld [tilespmem:s24+$0x3310];
	v8 =	vadd.f32 v12, v8;
	v11 =	vmul.f32 v11, v17;
	v3 =	vmovc v21  }
0x72: {  	v6 =	vand.u32 $0x7FFFFFFF, v6;
	v12 =	vtrunc.f32 v13;
	v14 =	vand.u32 $0x7FFFFFFF, v14;
	v13 =	vld [tilespmem:s24+$0x2B00];
	v5 =	vmovc v22  }
0x73: {  	v9 =	vmul.f32 v9, v17;
	v6 =	vsub.f32 v14, v6;
	v19 =	vld [tilespmem:s24+$0x3B10];
	v8 =	vadd.f32 v11, v8  }
0x74: {  	v10 =	vtrunc.f32 v10;
	v7 =	vmin.f32 v7, $2.550000000e+02;
	v11 =	vcvt.f32.s32 v12;
	v14 =	vld [tilespmem:s24+$0x2300]  }
0x75: {  	v10 =	vcvt.f32.s32 v10;
	v6 =	vmul.f32 v6, v17;
	v12 =	vld [tilespmem:s24+$0x4310];
	v8 =	vadd.f32 v9, v8  }
0x76: {  	v7 =	vtrunc.f32 v7;
	v9 =	vadd.s32 v15, v16;
	v15 =	vld [tilespmem:s24+$0x1B00];
	v16 =	vmax.f32 v18, $0.0e+00  }
0x77: {  	v7 =	vcvt.f32.s32 v7;
	v10 =	vadd.s32 $0x100, v10;
	v17 =	vld [tilespmem:s24+$0x810];
	v8 =	vadd.f32 v6, v8  }
0x78: {  	v6 =	vcvt.s32.f32 v9;
	v9 =	vmin.f32 v16, $2.550000000e+02;
	v20 =	vld [tilespmem:s24+$0x1010];
	s24 =	sshra.s32 s26, $0x2;
	v16 =	vmax.f32 v19, $0.0e+00  }
0x79: {  	v7 =	vadd.s32 $0x200, v7;
	v9 =	vtrunc.f32 v9;
	v21 =	vld [tilespmem:s24+$0x4300];
	v16 =	vmin.f32 v16, $2.550000000e+02  }
0x7a: {  	v23 =	vcvt.f32.s32 v9;
	v22 =	vld.idx.msk [tilespmem:v11+s25+$0x0], $0xffff;
	v9 =	vtrunc.f32 v16;
	v11 =	vmax.f32 v12, $0.0e+00  }
0x7b: {  	v24 =	vld [tilespmem:s24+$0x3B00];
	v9 =	vcvt.f32.s32 v9;
	v11 =	vmin.f32 v11, $2.550000000e+02;
	(erf) = vrcp.f32 v6  }
0x7c: {  	v6 =	vsub.f32 v3, v12;
	v10 =	vld.idx.msk [tilespmem:v10+s25+$0x0], $0xffff;
	v11 =	vtrunc.f32 v11  }
0x7d: {  	v25 =	vld [tilespmem:s24+$0x3300];
	v26 =	vadd.s32 $0x100, v9;
	v9 =	vsub.f32 v5, v19;
	v16 =	vcvt.f32.s32 v11  }
0x7e: {  	v12 =	vsub.f32 v13, v0;
	v11 =	vsub.f32 v4, v18;
	v19 =	vld.idx.msk [tilespmem:v7+s25+$0x0], $0xffff;
	v7 =	vadd.s32 v17, v20  }
0x7f: {  	v17 =	vsub.f32 v14, v1;
	v0 =	vmovc v21;
	v18 =	vcvt.s32.f32 v7;
	v20 =	vadd.s32 $0x200, v16  }
0x80: {  	v27 =	vsub.f32 v15, v2;
	v21 =	vsub.f32 v15, v22;
	v16 =	vld.idx.msk [tilespmem:v23+s25+$0x0], $0xffff;
	v1 =	vmov v24  }
.Ltmp0:
0x81: {  	v7 =	vmax.f32 v0, $0.0e+00;
	v22 =	vmax.f32 v1, $0.0e+00;
	(erf) = vrcp.f32 v18;
	(pc) =	sbr.rel @p0 .LBB2_2-.Ltmp0, $4  }
0x82: {  	v18 =	vand.u32 $0x7FFFFFFF, v21;
	v21 =	vand.u32 $0x7FFFFFFF, v27;
	v14 =	vsub.f32 v14, v10;
	v15 =	vld.idx.msk [tilespmem:v26+s25+$0x0], $0xffff;
	v2 =	vmovc v25  }
0x83: {  	v10 =	vmin.f32 v22, $2.550000000e+02;
	v21 =	vsub.f32 v18, v21;
	v23 =	vmax.f32 v2, $0.0e+00  }
0x84: {  	v24 =	vand.u32 $0x7FFFFFFF, v17;
	v22 =	vand.u32 $0x7FFFFFFF, v14;
	v18 =	vsub.f32 v13, v19;
	v14 =	vld.idx.msk [tilespmem:v20+s25+$0x0], $0xffff;
	v17 =	vpop (erf)  }
0x85: {  	s26 =	sadd.s32 $0x80, s26;
	v13 =	vmin.f32 v23, $2.550000000e+02;
	v20 =	vsub.f32 v22, v24;
	v19 =	vmul.f32 v21, v17  }
0x86: {  	v18 =	vand.u32 $0x7FFFFFFF, v18;
	v12 =	vand.u32 $0x7FFFFFFF, v12  }
0x87: {  	v4 =	vsub.f32 v4, v16;
	v11 =	vand.u32 $0x7FFFFFFF, v11;
	v60 =	vld [tilespmem:s24+$0x800];
	v9 =	vand.u32 $0x7FFFFFFF, v9  }
0x88: {  	v61 =	vld [tilespmem:s24+$0x1000];
	v24 =	vtrunc.f32 v13;
	v6 =	vand.u32 $0x7FFFFFFF, v6;
	v28 =	vtrunc.f32 v10  }
0x89: {  	v63 =	vld [tilespmem:s24+$0x3310];
	v8 =	vadd.f32 v19, v8;
	v59 =	vmul.f32 v20, v17;
	v12 =	vsub.f32 v18, v12  }
0x8a: {  	v25 =	vld [tilespmem:s24+$0x3B10];
	v29 =	vmin.f32 v7, $2.550000000e+02;
	v5 =	vsub.f32 v5, v15;
	v30 =	vcvt.f32.s32 v28  }
0x8b: {  	v31 =	vld [tilespmem:s24+$0x4310];
	v4 =	vand.u32 $0x7FFFFFFF, v4;
	v8 =	vadd.f32 v59, v8;
	v12 =	vmul.f32 v12, v17  }
0x8c: {  	v27 =	vcvt.f32.s32 v24;
	v4 =	vsub.f32 v4, v11;
	v3 =	vsub.f32 v3, v14  }
0x8d: {  	v26 =	vld [tilespmem:s24+$0x2B10];
	v5 =	vand.u32 $0x7FFFFFFF, v5;
	v7 =	vadd.s32 $0x100, v30;
	v62 =	vpop (erf);
	v8 =	vadd.f32 v12, v8  }
0x8e: {  	v32 =	vld [tilespmem:s24+$0x2310];
	v4 =	vmul.f32 v4, v62;
	v3 =	vand.u32 $0x7FFFFFFF, v3;
	v11 =	vadd.s32 v60, v61  }
0x8f: {  	v34 =	vld [tilespmem:s24+$0x810];
	v33 =	vmax.f32 v63, $0.0e+00;
	v3 =	vsub.f32 v3, v6;
	v6 =	vtrunc.f32 v29  }
0x90: {  	v35 =	vld [tilespmem:s24+$0x1010];
	v36 =	vmax.f32 v25, $0.0e+00;
	v21 =	vmax.f32 v31, $0.0e+00;
	v6 =	vcvt.f32.s32 v6  }
0x91: {  	v37 =	vld [tilespmem:s24+$0x1B00];
	v15 =	vmin.f32 v33, $2.550000000e+02;
	v11 =	vcvt.s32.f32 v11;
	v19 =	vmin.f32 v36, $2.550000000e+02  }
0x92: {  	v38 =	vld [tilespmem:s24+$0x2300];
	v15 =	vtrunc.f32 v15;
	v19 =	vtrunc.f32 v19;
	v6 =	vadd.s32 $0x200, v6  }
0x93: {  	v4 =	vadd.f32 v4, v8;
	v8 =	vld.idx.msk [tilespmem:v27+s25+$0x0], $0xffff;
	v15 =	vcvt.f32.s32 v15;
	(erf) = vrcp.f32 v11  }
0x94: {  	v41 =	vld [tilespmem:s24+$0x2B00];
	v5 =	vsub.f32 v5, v9;
	v21 =	vmin.f32 v21, $2.550000000e+02;
	v19 =	vcvt.f32.s32 v19  }
0x95: {  	v17 =	vadd.s32 v34, v35;
	v42 =	vsub.f32 v26, v31;
	v40 =	vtrunc.f32 v21;
	v39 =	vld.idx.msk [tilespmem:v7+s25+$0x0], $0xffff  }
0x96: {  	v44 =	vld [tilespmem:s24+$0x1B10];
	v2 =	vsub.f32 v37, v2;
	v7 =	vcvt.f32.s32 v40;
	v19 =	vadd.s32 $0x100, v19  }
0x97: {  	v12 =	vsub.f32 v32, v25;
	v1 =	vsub.f32 v38, v1;
	v43 =	vcvt.s32.f32 v17;
	v6 =	vld.idx.msk [tilespmem:v6+s25+$0x0], $0xffff  }
0x98: {  	v5 =	vmul.f32 v5, v62;
	v7 =	vadd.s32 $0x200, v7;
	v8 =	vsub.f32 v37, v8  }
0x99: {  	v0 =	vsub.f32 v41, v0;
	v2 =	vand.u32 $0x7FFFFFFF, v2;
	(erf) = vrcp.f32 v43;
	v15 =	vld.idx.msk [tilespmem:v15+s25+$0x0], $0xffff  }
0x9a: {  	v4 =	vadd.f32 v5, v4;
	v5 =	vsub.f32 v38, v39;
	v8 =	vand.u32 $0x7FFFFFFF, v8  }
0x9b: {  	v47 =	vsub.f32 v44, v63;
	v3 =	vmul.f32 v3, v62;
	v45 =	vld.idx.msk [tilespmem:v19+s25+$0x0], $0xffff;
	v2 =	vsub.f32 v8, v2  }
0x9c: {  	v1 =	vand.u32 $0x7FFFFFFF, v1;
	v5 =	vand.u32 $0x7FFFFFFF, v5;
	v46 =	vpop (erf);
	v6 =	vsub.f32 v41, v6  }
0x9d: {  	v3 =	vadd.f32 v3, v4;
	v7 =	vld.idx.msk [tilespmem:v7+s25+$0x0], $0xffff;
	v1 =	vsub.f32 v5, v1;
	v2 =	vmul.f32 v2, v46  }
0x9e: {  	v0 =	vand.u32 $0x7FFFFFFF, v0;
	v49 =	vsub.f32 v44, v15;
	v48 =	vand.u32 $0x7FFFFFFF, v6  }
0x9f: {  	v1 =	vmul.f32 v1, v46;
	v2 =	vadd.f32 v2, v3;
	v0 =	vsub.f32 v48, v0  }
0xa0: {  	v51 =	vand.u32 $0x7FFFFFFF, v47;
	v52 =	vsub.f32 v32, v45;
	v50 =	vand.u32 $0x7FFFFFFF, v49  }
0xa1: {  	v1 =	vadd.f32 v1, v2;
	v53 =	vsub.f32 v50, v51;
	v0 =	vmul.f32 v0, v46  }
0xa2: {  	v55 =	vand.u32 $0x7FFFFFFF, v12;
	v57 =	vpop (erf);
	v56 =	vsub.f32 v26, v7;
	v54 =	vand.u32 $0x7FFFFFFF, v52  }
0xa3: {  	v59 =	vsub.f32 v54, v55;
	v58 =	vmul.f32 v53, v57;
	v0 =	vadd.f32 v0, v1  }
0xa4: {  	v4 =	vand.u32 $0x7FFFFFFF, v42;
	v60 =	vand.u32 $0x7FFFFFFF, v56  }
0xa5: {  	v62 =	vsub.f32 v60, v4;
	v61 =	vmul.f32 v59, v57;
	v0 =	vadd.f32 v58, v0;
	_ =	sdelay $0x1  }
0xa6: {  	v63 =	vmul.f32 v62, v57;
	v0 =	vadd.f32 v61, v0;
	_ =	sdelay $0x1  }
0xa7: {  	s4 =	sadd.s32 $0x1, s4;
	v0 =	vadd.f32 v63, v0  }
0xa8: {  	p0 =	sne.s32 s4, s18  }
.Ltmp1:
0xa9: {  	[tilespmem:$0x4B00] =	vst v0;
	(pc) =	sbr.rel @p0 .LBB2_1-.Ltmp1, $4  }
0xaa: {  	[hbm4b:s17+s5] =	stream.linear.scatter [tilespmem:s3], [sflag:$0x3], $0x10, $0x38;
	[tilespmem:$0x10B80] =	vst v63  }
0xab: {  	_ =	swait.ge [sflag:s22], $0x10  }
0xac: {  	[sflag:s22] =	ssyncset.done $0x0  }
0xad: {  	[sflag:s22] =	ssyncadd.s32 $0xFFFFFFF0  }
0xae: {  	_ =	sfence.sel $0x180000  }
0xaf: {  	[bflag:$0x0] =	sbarrier.arrive $0xFFFF  }
0xb0: {  	_ =	strace $0x9000004A  }
0xb1: {  	s0 =	stileid.u32;
	[bflag:$0x2] =	sbarrier.arrive $0xFFFF  }
0xb2: {  	p0 =	sne.s32 s0, $0x0;
	s0 =	rddreg [dreg:$0x4]  }
0xb3: {  	s0 =	sadd.s32 @!p0 $0x100000, s0  }
0xb4: {  	[sflag:s0] =	ssyncadd.tile.s32 @!p0 $0x1;
	_ =	shalt  }
.Lfunc_end2:
_tile_overlayer_lowered:
.L_overlay_start_2:
0xb5: {  	(tag) =	ssettag $0x2  }
0xb6: {  	s0 =	rddreg [dreg:$0x0];
	s2 =	stileid.u32  }
0xb7: {  	s1 =	rddreg [dreg:$0x1];
	p0 =	sne.s32 s2, $0x0  }
0xb8: {  	s3 =	rddreg [dreg:$0x2];
	[bflag:$0x3] =	sbarrier.arrive $0xFFFF;
	s2 =	simm.s32 @!p0 $0x1C03  }
0xb9: {  	[timem:s3], [sflag:s2] =	dma.local @!p0 [hbm:s0], s1  }
0xba: {  	s0 =	simm.s32 @!p0 $0x3  }
0xbb: {  	_ =	swait.ge @!p0 [sflag:s0], s1  }
0xbc: {  	s1 =	ssub.s32 @!p0 $0x0, s1;
	[sflag:s0] =	ssyncset.done @!p0 $0x0  }
0xbd: {  	[sflag:s0] =	ssyncadd.s32 @!p0 s1  }
0xbe: {  	[bflag:$0x3] =	sbarrier.arrive $0xFFFF  }
0xbf: {  	_ =	shalt  }

// kernel: kernel.7.cloned.1.call-start
scs
__scs_entry_jumppad:
0x0: {  	(pc) =	sbr.rel $0x88, $3  }
0x1: {  	(tag) =	ssettag $0x0;
	lr =	simm.s32 $0x1  }
0x2: {  	[smem:$0x3F9B] =	sst lr;
	_ =	strace $0xD0000000  }
0x3: {  	_ = 	snop  }
0x4: {  	_ = 	snop  }
0x5: {  	_ = 	snop  }
0x6: {  	_ = 	snop  }
0x7: {  	_ = 	snop  }
__scs_overlays_trampoline_lowered:
0x8: {  	[smem:$0x3FAA] =	sst s0  }
0x9: {  	[smem:$0x3FAB] =	sst s1  }
0xa: {  	[smem:$0x3FAC] =	sst s2  }
0xb: {  	[smem:$0x3FAD] =	sst s3  }
0xc: {  	[smem:$0x3FAE] =	sst s4  }
0xd: {  	[smem:$0x3FAF] =	sst s5  }
0xe: {  	[smem:$0x3FB0] =	sst s6  }
0xf: {  	[smem:$0x3FB1] =	sst s7  }
0x10: {  	[smem:$0x3FB2] =	sst s8  }
0x11: {  	[smem:$0x3FB3] =	sst s9;
	s0 =	simm.s32 @!p0 $0x0  }
0x12: {  	s1 =	sld [smem:$0x3F99];
	s0 =	simm.s32 @p0 $0x1  }
0x13: {  	[smem:$0x3FB4] =	sst s0;
	s0 =	simm.s32 @!p1 $0x0  }
0x14: {  	s2 =	sld [smem:$0x3F98];
	s0 =	simm.s32 @p1 $0x1  }
0x15: {  	[smem:$0x3FB5] =	sst s0;
	s0 =	simm.s32 @!p2 $0x0  }
0x16: {  	s3 =	sld [smem:$0x3FDB];
	s0 =	simm.s32 @p2 $0x1  }
0x17: {  	s4 =	simm.s32 $0x1BF5;
	[smem:$0x3FB7] =	sst s0  }
0x18: {  	s0 =	sld [smem:$0x3F9A];
	_ =	swait.ge [sflag:s4], $0x0  }
0x19: {  	s7 =	sld [smem:$0x3F9B]  }
0x1a: {  	s8 =	sadd.s32 $0xFFFFE003, lr  }
0x1b: {  	s9 =	sadd.s32 $0xFFFFFEF7, lr;
	s5 =	simm.s32 $0xFFFFFFFF;
	p2 =	slt.u32 s8, $0xFFFFF086  }
0x1c: {  	p1 =	slt.u32 s9, $0xF7A;
	s5 =	simm.s32 @!p2 $0x0  }
0x1d: {  	s5 =	simm.s32 @p1 $0x1;
	p0 =	seq.s32 s7, s2  }
0x1e: {  	s7 =	smul.u32 @!p0 $0xF7A, s2;
	p2 =	seq.s32 @!p0 s5, $0x0  }
0x1f: {  	s9 =	smul.u32 $0xF7A, s1;
	s8 =	simm.s32 @!p0 $0x1BF5;
	p2 =	por !p2, p0  }
0x20: {  	[sflag:s8] =	ssyncset.s32 @!p0 $0xFFFFF086;
	s6 =	sadd.s32 @!p0 s3, s7;
	s7 =	simm.s32 @!p0 $0x108  }
0x21: {  	s3 =	sadd.s32 s3, s9;
	s6 =	sadd.s32 @!p0 $0x88, s6;
	s7 =	simm.s32 @p2 $0x1082  }
0x22: {  	[simem:s7], [sflag:s8] =	dma.local @!p0 [hbm:s6], $0xF7A  }
0x23: {  	s9 =	sor.u32 $0xD0000000, s2;
	s6 =	simm.s32 $0x108;
	_ =	swait.ge @!p0 [sflag:s8], $0x0  }
0x24: {  	s3 =	sadd.s32 $0x88, s3;
	s6 =	simm.s32 @!p1 $0x1082;
	[sflag:s4] =	ssyncset.s32 $0xFFFFF086  }
0x25: {  	[simem:s6], [sflag:s4] =	dma.local [hbm:s3], $0xF7A  }
0x26: {  	[smem:$0x3F9B] =	sst s1;
	(tag) =	ssettag s2;
	_ =	strace s9  }
0x27: {  	s1 =	sld [smem:$0x3FAB]  }
0x28: {  	s2 =	sld [smem:$0x3FAC]  }
0x29: {  	s4 =	sld [smem:$0x3FAE]  }
0x2a: {  	p0 =	seq.s32 s5, $0x0;
	s5 =	sld [smem:$0x3FAF]  }
0x2b: {  	s6 =	sld [smem:$0x3FB0]  }
0x2c: {  	s7 =	sld [smem:$0x3FB1]  }
0x2d: {  	s3 =	simm.s32 $0x108;
	s8 =	sld [smem:$0x3FB2]  }
0x2e: {  	s3 =	simm.s32 @!p0 $0x1082;
	s9 =	sld [smem:$0x3FB3]  }
0x2f: {  	lr =	sadd.s32 s0, s3;
	s0 =	sld [smem:$0x3FAA]  }
0x30: {  	s3 =	sld [smem:$0x3FAD]  }
0x31: {  	[smem:$0x3FB6] =	sst s10  }
0x32: {  	s10 =	sld [smem:$0x3FB4];
	_ =	sdelay $0x3  }
0x33: {  	p0 =	seq.s32 s10, $0x1;
	s10 =	sld [smem:$0x3FB6];
	_ =	sdelay $0x3  }
0x34: {  	[smem:$0x3FB6] =	sst s10  }
0x35: {  	s10 =	sld [smem:$0x3FB5];
	_ =	sdelay $0x3  }
0x36: {  	p1 =	seq.s32 s10, $0x1;
	s10 =	sld [smem:$0x3FB6];
	_ =	sdelay $0x3  }
0x37: {  	[smem:$0x3FB6] =	sst s10  }
0x38: {  	s10 =	sld [smem:$0x3FB7]  }
0x39: {  	_ = 	snop;
	(pc) =	sbr.ind lr, $3  }
0x3a: {  	_ = 	snop  }
0x3b: {  	_ = 	snop  }
0x3c: {  	p2 =	seq.s32 s10, $0x1;
	s10 =	sld [smem:$0x3FB6]  }
0x3d: {  	_ =	shalt  }
0x3e: {  	_ =	shalt  }
0x3f: {  	_ =	shalt  }
0x40: {  	_ =	shalt  }
0x41: {  	_ =	shalt  }
0x42: {  	_ =	shalt  }
0x43: {  	_ =	shalt  }
0x44: {  	_ =	shalt  }
0x45: {  	_ =	shalt  }
0x46: {  	_ =	shalt  }
0x47: {  	_ =	shalt  }
0x48: {  	_ =	shalt  }
0x49: {  	_ =	shalt  }
0x4a: {  	_ =	shalt  }
0x4b: {  	_ =	shalt  }
0x4c: {  	_ =	shalt  }
0x4d: {  	_ =	shalt  }
0x4e: {  	_ =	shalt  }
0x4f: {  	_ =	shalt  }
0x50: {  	_ =	shalt  }
0x51: {  	_ =	shalt  }
0x52: {  	_ =	shalt  }
0x53: {  	_ =	shalt  }
0x54: {  	_ =	shalt  }
0x55: {  	_ =	shalt  }
0x56: {  	_ =	shalt  }
0x57: {  	_ =	shalt  }
0x58: {  	_ =	shalt  }
0x59: {  	_ =	shalt  }
0x5a: {  	_ =	shalt  }
0x5b: {  	_ =	shalt  }
0x5c: {  	_ =	shalt  }
0x5d: {  	_ =	shalt  }
0x5e: {  	_ =	shalt  }
0x5f: {  	_ =	shalt  }
0x60: {  	_ =	shalt  }
0x61: {  	_ =	shalt  }
0x62: {  	_ =	shalt  }
0x63: {  	_ =	shalt  }
0x64: {  	_ =	shalt  }
0x65: {  	_ =	shalt  }
0x66: {  	_ =	shalt  }
0x67: {  	_ =	shalt  }
0x68: {  	_ =	shalt  }
0x69: {  	_ =	shalt  }
0x6a: {  	_ =	shalt  }
0x6b: {  	_ =	shalt  }
0x6c: {  	_ =	shalt  }
0x6d: {  	_ =	shalt  }
0x6e: {  	_ =	shalt  }
0x6f: {  	_ =	shalt  }
0x70: {  	_ =	shalt  }
0x71: {  	_ =	shalt  }
0x72: {  	_ =	shalt  }
0x73: {  	_ =	shalt  }
0x74: {  	_ =	shalt  }
0x75: {  	_ =	shalt  }
0x76: {  	_ =	shalt  }
0x77: {  	_ =	shalt  }
0x78: {  	_ =	shalt  }
0x79: {  	_ =	shalt  }
0x7a: {  	_ =	shalt  }
0x7b: {  	_ =	shalt  }
0x7c: {  	_ =	shalt  }
0x7d: {  	_ =	shalt  }
0x7e: {  	_ =	shalt  }
0x7f: {  	_ =	shalt  }
0x80: {  	_ =	shalt  }
0x81: {  	_ =	shalt  }
0x82: {  	_ =	shalt  }
0x83: {  	_ =	shalt  }
0x84: {  	_ =	shalt  }
0x85: {  	_ =	shalt  }
0x86: {  	_ =	shalt  }
0x87: {  	_ =	shalt  }
.Lfunc_end0:
.L_simem_size_0:
called_computation_lowered:
.L_overlay_start_0:
0x88: {  	s2 =	sld [smem:$0x3FD9]  }
0x89: {  	s3 =	sld [smem:$0x3FFE];
	_ =	sdelay $0x1  }
0x8a: {  	s1 =	srdreg.scid  }
0x8b: {  	s0 =	sand.u32 $0x1, s1  }
0x8c: {  	s17 =	sshll.u32 s0, $0xA;
	s2 =	sadd.s32 s3, s2  }
0x8d: {  	s2 =	sadd.s32 s2, s17  }
0x8e: {  	[smem:$0x3FC2] =	sst s2  }
0x8f: {  	_ = 	snop  }
0x90: {  	s2 =	sld [smem:$0x3FC5];
	(tm) =	ssettm $0x1  }
0x91: {  	s18 =	sld [smem:$0x3FFB];
	_ =	sdelay $0x3  }
0x92: {  	_ =	strace s18  }
0x93: {  	s3 =	sld [smem:$0x3FFC];
	_ =	sdelay $0x3  }
0x94: {  	_ =	strace s3  }
0x95: {  	s3 =	sld [smem:$0x3FFD];
	_ =	sdelay $0x3  }
0x96: {  	_ =	strace s3  }
0x97: {  	_ =	strace $0x8FFFFFFF  }
0x98: {  	s19 =	sld [smem:$0x3FDB];
	_ =	sdelay $0x1  }
0x99: {  	s4 =	simm.s32 $_scs_section_size  }
0x9a: {  	s5 =	simm.s32 $_size__tile_overlayer_lowered;
	s6 =	simm.s32 $_tile_overlayer_lowered  }
0x9b: {  	s22 =	simm.s32 $0x1BFF;
	s21 =	sshll.u32 s6, $0x1;
	s3 =	sadd.s32 s4, s19  }
0x9c: {  	s7 =	simm.s32 $0x0;
	s20 =	sshll.u32 s5, $0x1;
	s5 =	sadd.s32 s21, s3  }
0x9d: {  	[timem:s7], [sflag:s22] =	dma.local [hbm:s5], s20  }
0x9e: {  	_ =	swait.ge [sflag:s22], s20  }
0x9f: {  	s4 =	ssub.s32 $0x0, s20;
	[sflag:s22] =	ssyncset.done $0x0  }
0xa0: {  	[sflag:s22] =	ssyncadd.s32 s4;
	_ =	sdelay $0x1  }
0xa1: {  	s23 =	simm.s32 $0x1B8B  }
0xa2: {  	_ =	swait.ge [sflag:s23], $0x1  }
0xa3: {  	[sflag:s23] =	ssyncset.done $0x0  }
0xa4: {  	s25 =	simm.s32 $0x1B8E;
	s24 =	sld [smem:$0x3FFE];
	[sflag:s23] =	ssyncadd.s32 $0xFFFFFFFF  }
0xa5: {  	s26 =	simm.s32 $execute0_lowered;
	[smem:$0x3FD2] =	sst s25  }
0xa6: {  	s5 =	sshll.u32 s26, $0x1;
	_ =	strace $0x80000046;
	[dreg:$0x1] =	wrdreg $0xFFFFFFFF  }
0xa7: {  	s28 =	simm.s32 $_size_execute0_lowered;
	s3 =	sadd.s32 s3, s5;
	[dreg:$0x0] =	wrdreg $0x0  }
0xa8: {  	s5 =	sshll.u32 s28, $0x1;
	[dreg:$0x2] =	wrdreg s3  }
0xa9: {  	[dreg:$0x3] =	wrdreg s5  }
0xaa: {  	[dreg:$0x4] =	wrdreg $0xC0  }
0xab: {  	_ =	task [dreg:s7], $0x5FFFF  }
0xac: {  	[dreg:$0x1] =	wrdreg $0xFFFFFFFF  }
0xad: {  	[dreg:$0x0] =	wrdreg $0x60  }
0xae: {  	[dreg:$0x2] =	wrdreg s24  }
0xaf: {  	[dreg:$0x3] =	wrdreg s2  }
0xb0: {  	[dreg:$0x4] =	wrdreg $0xE6000  }
0xb1: {  	[dreg:$0x5] =	wrdreg $0x126000  }
0xb2: {  	[dreg:$0x6] =	wrdreg $0x166000  }
0xb3: {  	[dreg:$0x7] =	wrdreg $0x1A6000  }
0xb4: {  	[dreg:$0x8] =	wrdreg $0x9  }
0xb5: {  	_ =	task.clear_ibuf [dreg:s7], $0x9FFFF;
	_ =	strace $0x90000046  }
0xb6: {  	s29 =	simm.s32 $0x9;
	_ =	strace $0x80000048  }
0xb7: {  	_ =	swait.ge [sflag:s29], $0x1  }
0xb8: {  	[sflag:s29] =	ssyncadd.s32 $0xFFFFFFFF  }
0xb9: {  	_ =	strace $0x90000048  }
0xba: {  	_ =	sfence  }
0xbb: {  	s30 =	sld [smem:$0x0];
	_ =	sdelay $0x2  }
0xbc: {  	s31 =	sshll.u32 s1, $0xD;
	s1 =	sshrl.u32 s1, $0x2  }
0xbd: {  	s3 =	sand.u32 $0x4000, s31;
	s1 =	sadd.s32 s1, s30  }
0xbe: {  	s0 =	sor.u32 s3, s0;
	s1 =	sshll.u32 s1, $0x11  }
0xbf: {  	s0 =	sor.u32 s1, s0  }
0xc0: {  	s0 =	sadd.s32 $0x8F2B, s0  }
0xc1: {  	[sflag:s0] =	ssyncadd.remote.s32 $0x1  }
0xc2: {  	_ =	sfence.sel $0xFFFF  }
0xc3: {  	[dreg:$0x0] =	wrdreg $0xFFFFFFFF;
	(pc) =	sbr.abs _section_cstart, $3  }
0xc4: {  	[dreg:$0x1] =	wrdreg $0xFFFFFFFF  }
0xc5: {  	_ =	task.clear_ibuf [dreg:s7], $0x2FFFF;
	_ =	strace $0x9FFFFFFF  }
0xc6: {  	(tm) =	ssettm $0x7FFFFFFF  }
0xc7: {  	_ =	shalt  }
tec
execute0_lowered:
.L_overlay_start_1:
0x0: {  	(tag) =	ssettag $0x1  }
0x1: {  	s0 =	rddreg [dreg:$0x0]  }
0x2: {  	s1 =	rddreg [dreg:$0x1]  }
0x3: {  	s11 =	rddreg [dreg:$0x2]  }
0x4: {  	s13 =	rddreg [dreg:$0x3]  }
0x5: {  	s17 =	rddreg [dreg:$0x4]  }
0x6: {  	s18 =	rddreg [dreg:$0x5];
	s6 =	simm.s32 $0x0;
	s14 =	stileid.u32  }
0x7: {  	s2 =	srdreg.scid;
	s29 =	simm.s32 $0x3;
	s30 =	simm.s32 $0x1000  }
0x8: {  	s31 =	simm.s32 $0x800;
	[smem:$0x7FF] =	sst s6;
	s2 =	sand.u32 $0x1, s2  }
0x9: {  	s3 =	sshll.u32 s14, $0x1;
	s4 =	sadd.s32 $0x1B000, s0;
	s20 =	sshll.u32 s14, $0xB  }
0xa: {  	s10 =	sshll.u32 s14, $0xE;
	s22 =	sshll.u32 s14, $0x6;
	_ =	strace $0x80000047  }
0xb: {  	s3 =	sor.u32 s2, s3;
	[dreg:$0x7] =	wrdreg s4;
	s4 =	sadd.s32 s20, s0  }
0xc: {  	s7 =	ssub.s32 $0x2, s2;
	s12 =	sadd.s32 s10, s11;
	s13 =	sadd.s32 s10, s13  }
0xd: {  	p0 =	seq.s32 s2, $0x1;
	s26 =	sadd.s32 s10, s17;
	s17 =	sadd.s32 s10, s18  }
0xe: {  	s2 =	simm.s32 $0x2000;
	s5 =	smul.u32 $0xC0, s3;
	s3 =	sshll.u32 s3, $0x8  }
0xf: {  	s9 =	sshrl.u32 s7, $0x1;
	s21 =	sadd.s32 $0x3000, s4;
	s23 =	sadd.s32 $0xB000, s4  }
0x10: {  	s19 =	sadd.s32 $0x13000, s4;
	s20 =	sadd.s32 $0x23000, s4;
	s26 =	sshrl.u32 s26, $0x3  }
0x11: {  	s8 =	sadd.s32 s3, s0;
	s7 =	ssub.s32 s7, s9;
	[dreg:$0x8] =	wrdreg s21  }
0x12: {  	s9 =	sor.u32 $0x1C01, s22;
	[dreg:$0x9] =	wrdreg s23;
	s11 =	sadd.s32 s1, s3  }
0x13: {  	s15 =	sor.u32 $0x2000, s3;
	s16 =	sor.u32 $0x4000, s3;
	s5 =	sadd.s32 s5, s0  }
0x14: {  	s0 =	sadd.s32 $0x56800, s0;
	s24 =	sadd.s32 s1, s15;
	s1 =	sadd.s32 s1, s16  }
0x15: {  	s21 =	sadd.s32 $0x54800, s8;
	s23 =	smax.u32 s7, $0x1;
	[dreg:$0xa] =	wrdreg s24  }
0x16: {  	s28 =	sadd.s32 $0x6000, s11;
	[dreg:$0xb] =	wrdreg s1;
	s25 =	sadd.s32 s0, s3  }
0x17: {  	v0 =	vlaneseq.u32;
	s15 =	sadd.s32 s0, s15;
	s1 =	simm.s32 $0x4C800;
	s16 =	sadd.s32 s0, s16  }
0x18: {  	v0 =	vmul.u32 $0x600, v0;
	s22 =	sadd.s32 $0x43000, s5;
	s24 =	sshrl.u32 s12, $0x3;
	s3 =	simm.s32 $0x1  }
0x19: {  	v1 =	vimm.s32 $0x0;
	s5 =	simm.s32 $0x2;
	s0 =	simm.s32 $0xA600;
	[dreg:$0xc] =	wrdreg s25  }
0x1a: {  	v2 =	vimm.s32 $0x1;
	v3 =	vadd.s32 $0x300, v0;
	v4 =	vor.u32 $0x100, v0;
	s1 =	simm.s32 @!p0 $0x44800;
	s25 =	sshrl.u32 s13, $0x3;
	s13 =	simm.s32 $0x3800  }
0x1b: {  	v5 =	vadd.s32 $0x400, v0;
	v6 =	vadd.s32 $0x200, v0;
	v7 =	vadd.s32 $0x500, v0;
	s18 =	sadd.s32 s1, s4;
	s4 =	simm.s32 $0x2800;
	s1 =	simm.s32 $0x0  }
.LBB2_1:
0x1c: {  	s7 =	rddreg [dreg:$0x8]  }
0x1d: {  	[spmem:s24], [sflag:s9] =	dma.local [hbm:s7], $0x800  }
0x1e: {  	s12 =	sshrl.u32 s17, $0x3;
	s7 =	rddreg [dreg:$0x9]  }
0x1f: {  	[spmem:s25], [sflag:s9] =	dma.local [hbm:s7], $0x800  }
0x20: {  	[spmem:s26], [sflag:s9] =	dma.local [hbm:s19], $0x800  }
0x21: {  	[spmem:s12], [sflag:s9] =	dma.local [hbm:s20], $0x800  }
0x22: {  	[tilespmem:s6], [sflag:$0x3] =	stream.linear.gather [hbm4b:s11+s6], $0x800, $0x38;
	[tilespmem:$0x1E600] =	vst v63  }
0x23: {  	_ =	swait.ge [sflag:s29], $0x800  }
0x24: {  	[sflag:s29] =	ssyncset.done $0x0  }
0x25: {  	s14 =	rddreg [dreg:$0xa];
	[sflag:s29] =	ssyncadd.s32 $0xFFFFF800  }
0x26: {  	[tilespmem:s30], [sflag:$0x3] =	stream.linear.gather [hbm4b:s14+s6], $0x800, $0x38;
	[tilespmem:$0x1E600] =	vst v63  }
0x27: {  	_ =	swait.ge [sflag:s29], $0x800  }
0x28: {  	[sflag:s29] =	ssyncset.done $0x0  }
0x29: {  	s7 =	simm.s32 $0x0;
	[sflag:s29] =	ssyncadd.s32 $0xFFFFF800  }
0x2a: {  	v14 =	vld [tilespmem:s7+$0x1000]  }
0x2b: {  	v13 =	vld [tilespmem:s7+$0x1010]  }
0x2c: {  	v12 =	vld [tilespmem:s7+$0x1020]  }
0x2d: {  	v11 =	vld [tilespmem:s7+$0x1030]  }
0x2e: {  	v10 =	vld [tilespmem:s7+$0x1040]  }
0x2f: {  	v9 =	vld [tilespmem:s7+$0x1050]  }
0x30: {  	v8 =	vld [tilespmem:s7+$0x1060]  }
0x31: {  	v15 =	vld [tilespmem:s7+$0x0]  }
0x32: {  	v20 =	vld [tilespmem:s7+$0x10]  }
0x33: {  	v18 =	vld [tilespmem:s7+$0x20]  }
0x34: {  	v17 =	vld [tilespmem:s7+$0x30]  }
0x35: {  	v16 =	vld [tilespmem:s7+$0x40]  }
0x36: {  	v19 =	vshll.u32 v15, $0x9;
	v15 =	vld [tilespmem:s7+$0x50]  }
0x37: {  	s8 =	simm.s32 $0x200;
	v20 =	vshll.u32 v20, $0x9;
	v19 =	vadd.s32 v14, v19;
	v14 =	vld [tilespmem:s7+$0x60]  }
.LBB2_2:
0x38: {  	p0 =	sne.s32 s8, $0x1E00;
	[tilespmem:s7+$0x0] =	vst v19;
	v13 =	vadd.s32 v13, v20;
	v18 =	vshll.u32 v18, $0x9;
	v19 =	vld [tilespmem:s7+$0x70]  }
0x39: {  	s10 =	sshra.s32 s8, $0x2;
	[tilespmem:s7+$0x10] =	vst v13;
	v12 =	vadd.s32 v12, v18;
	v13 =	vshll.u32 v17, $0x9;
	v17 =	vld [tilespmem:s7+$0x1070]  }
0x3a: {  	v20 =	vld [tilespmem:s10+$0x1000];
	[tilespmem:s7+$0x20] =	vst v12;
	v11 =	vadd.s32 v11, v13;
	v12 =	vshll.u32 v16, $0x9  }
0x3b: {  	v13 =	vld [tilespmem:s10+$0x1010];
	[tilespmem:s7+$0x30] =	vst v11;
	v10 =	vadd.s32 v10, v12;
	v11 =	vshll.u32 v15, $0x9  }
0x3c: {  	v12 =	vld [tilespmem:s10+$0x1020];
	[tilespmem:s7+$0x40] =	vst v10;
	v9 =	vadd.s32 v9, v11;
	v10 =	vshll.u32 v14, $0x9  }
0x3d: {  	v11 =	vld [tilespmem:s10+$0x1030];
	[tilespmem:s7+$0x50] =	vst v9;
	v8 =	vadd.s32 v8, v10;
	v9 =	vshll.u32 v19, $0x9  }
0x3e: {  	v10 =	vld [tilespmem:s10+$0x1040];
	[tilespmem:s7+$0x60] =	vst v8;
	v8 =	vadd.s32 v17, v9  }
0x3f: {  	v9 =	vld [tilespmem:s10+$0x1050];
	[tilespmem:s7+$0x70] =	vst v8;
	s7 =	smov.u32 s10  }
0x40: {  	v8 =	vld [tilespmem:s7+$0x1060]  }
0x41: {  	v14 =	vld [tilespmem:s7+$0x0]  }
0x42: {  	v21 =	vld [tilespmem:s7+$0x10]  }
.Ltmp0:
0x43: {  	v18 =	vld [tilespmem:s7+$0x20];
	(pc) =	sbr.rel @p0 .LBB2_2-.Ltmp0, $4  }
0x44: {  	v17 =	vld [tilespmem:s7+$0x30]  }
0x45: {  	v16 =	vld [tilespmem:s7+$0x40]  }
0x46: {  	v14 =	vshll.u32 v14, $0x9;
	v15 =	vld [tilespmem:s7+$0x50]  }
0x47: {  	s8 =	sadd.s32 $0x200, s8;
	v19 =	vadd.s32 v20, v14;
	v20 =	vshll.u32 v21, $0x9;
	v14 =	vld [tilespmem:s7+$0x60]  }
0x48: {  	[tilespmem:s7+$0x0] =	vst v19;
	v13 =	vadd.s32 v13, v20;
	v19 =	vld [tilespmem:s7+$0x70];
	v18 =	vshll.u32 v18, $0x9  }
0x49: {  	[tilespmem:s7+$0x10] =	vst v13;
	v12 =	vadd.s32 v12, v18;
	v13 =	vshll.u32 v17, $0x9;
	v17 =	vld [tilespmem:s7+$0x1070]  }
0x4a: {  	[tilespmem:s7+$0x20] =	vst v12;
	v11 =	vadd.s32 v11, v13;
	v12 =	vshll.u32 v16, $0x9  }
0x4b: {  	[tilespmem:s7+$0x30] =	vst v11;
	v10 =	vadd.s32 v10, v12;
	v11 =	vshll.u32 v15, $0x9  }
0x4c: {  	[tilespmem:s7+$0x40] =	vst v10;
	v9 =	vadd.s32 v9, v11;
	v10 =	vshll.u32 v14, $0x9  }
0x4d: {  	[tilespmem:s7+$0x50] =	vst v9;
	v8 =	vadd.s32 v8, v10;
	v9 =	vshll.u32 v19, $0x9  }
0x4e: {  	[tilespmem:s7+$0x60] =	vst v8;
	v8 =	vadd.s32 v17, v9  }
0x4f: {  	s14 =	simm.s32 $0x0;
	s8 =	rddreg [dreg:$0xb];
	[tilespmem:s7+$0x70] =	vst v8  }
0x50: {  	[tilespmem:s31], [sflag:$0x3] =	stream.linear.gather [hbm4b:s8+s14], $0x800, $0x38;
	[tilespmem:$0x1E600] =	vst v63  }
0x51: {  	_ =	swait.ge [sflag:s29], $0x800  }
0x52: {  	[sflag:s29] =	ssyncset.done $0x0  }
0x53: {  	[sflag:s29] =	ssyncadd.s32 $0xFFFFF800  }
0x54: {  	[tilespmem:s30], [sflag:$0x3] =	stream.linear.gather [hbm4b:s28+s14], $0x800, $0x38;
	[tilespmem:$0x1E600] =	vst v63  }
0x55: {  	_ =	swait.ge [sflag:s29], $0x800  }
0x56: {  	[sflag:s29] =	ssyncset.done $0x0  }
0x57: {  	s7 =	simm.s32 $0x0;
	[sflag:s29] =	ssyncadd.s32 $0xFFFFF800  }
0x58: {  	v14 =	vld [tilespmem:s7+$0x1000]  }
0x59: {  	v13 =	vld [tilespmem:s7+$0x1010]  }
0x5a: {  	v12 =	vld [tilespmem:s7+$0x1020]  }
0x5b: {  	v11 =	vld [tilespmem:s7+$0x1030]  }
0x5c: {  	v10 =	vld [tilespmem:s7+$0x1040]  }
0x5d: {  	v9 =	vld [tilespmem:s7+$0x1050]  }
0x5e: {  	v8 =	vld [tilespmem:s7+$0x1060]  }
0x5f: {  	v15 =	vld [tilespmem:s7+$0x800]  }
0x60: {  	v20 =	vld [tilespmem:s7+$0x810]  }
0x61: {  	v18 =	vld [tilespmem:s7+$0x820]  }
0x62: {  	v17 =	vld [tilespmem:s7+$0x830]  }
0x63: {  	v16 =	vld [tilespmem:s7+$0x840]  }
0x64: {  	v19 =	vshll.u32 v15, $0x9;
	v15 =	vld [tilespmem:s7+$0x850]  }
0x65: {  	s8 =	simm.s32 $0x200;
	v20 =	vshll.u32 v20, $0x9;
	v19 =	vadd.s32 v14, v19;
	v14 =	vld [tilespmem:s7+$0x860]  }
.LBB2_4:
0x66: {  	p0 =	sne.s32 s8, $0x1E00;
	[tilespmem:s7+$0x800] =	vst v19;
	v13 =	vadd.s32 v13, v20;
	v18 =	vshll.u32 v18, $0x9;
	v19 =	vld [tilespmem:s7+$0x870]  }
0x67: {  	s10 =	sshra.s32 s8, $0x2;
	[tilespmem:s7+$0x810] =	vst v13;
	v12 =	vadd.s32 v12, v18;
	v13 =	vshll.u32 v17, $0x9;
	v17 =	vld [tilespmem:s7+$0x1070]  }
0x68: {  	v20 =	vld [tilespmem:s10+$0x1000];
	[tilespmem:s7+$0x820] =	vst v12;
	v11 =	vadd.s32 v11, v13;
	v12 =	vshll.u32 v16, $0x9  }
0x69: {  	v13 =	vld [tilespmem:s10+$0x1010];
	[tilespmem:s7+$0x830] =	vst v11;
	v10 =	vadd.s32 v10, v12;
	v11 =	vshll.u32 v15, $0x9  }
0x6a: {  	v12 =	vld [tilespmem:s10+$0x1020];
	[tilespmem:s7+$0x840] =	vst v10;
	v9 =	vadd.s32 v9, v11;
	v10 =	vshll.u32 v14, $0x9  }
0x6b: {  	v11 =	vld [tilespmem:s10+$0x1030];
	[tilespmem:s7+$0x850] =	vst v9;
	v8 =	vadd.s32 v8, v10;
	v9 =	vshll.u32 v19, $0x9  }
0x6c: {  	v10 =	vld [tilespmem:s10+$0x1040];
	[tilespmem:s7+$0x860] =	vst v8;
	v8 =	vadd.s32 v17, v9  }
0x6d: {  	v9 =	vld [tilespmem:s10+$0x1050];
	[tilespmem:s7+$0x870] =	vst v8;
	s7 =	smov.u32 s10  }
0x6e: {  	v8 =	vld [tilespmem:s7+$0x1060]  }
0x6f: {  	v14 =	vld [tilespmem:s7+$0x800]  }
0x70: {  	v21 =	vld [tilespmem:s7+$0x810]  }
.Ltmp1:
0x71: {  	v18 =	vld [tilespmem:s7+$0x820];
	(pc) =	sbr.rel @p0 .LBB2_4-.Ltmp1, $4  }
0x72: {  	v17 =	vld [tilespmem:s7+$0x830]  }
0x73: {  	v16 =	vld [tilespmem:s7+$0x840]  }
0x74: {  	v14 =	vshll.u32 v14, $0x9;
	v15 =	vld [tilespmem:s7+$0x850]  }
0x75: {  	s8 =	sadd.s32 $0x200, s8;
	v19 =	vadd.s32 v20, v14;
	v20 =	vshll.u32 v21, $0x9;
	v14 =	vld [tilespmem:s7+$0x860]  }
0x76: {  	[tilespmem:s7+$0x800] =	vst v19;
	v13 =	vadd.s32 v13, v20;
	v57 =	vld [tilespmem:s7+$0x870];
	v18 =	vshll.u32 v18, $0x9  }
0x77: {  	v59 =	vld [tilespmem:s7+$0x1070];
	[tilespmem:s7+$0x810] =	vst v13;
	v12 =	vadd.s32 v12, v18;
	v58 =	vshll.u32 v17, $0x9  }
0x78: {  	[tilespmem:s7+$0x820] =	vst v12;
	v11 =	vadd.s32 v11, v58;
	v60 =	vshll.u32 v16, $0x9  }
0x79: {  	[tilespmem:s7+$0x830] =	vst v11;
	v10 =	vadd.s32 v10, v60;
	v61 =	vshll.u32 v15, $0x9  }
0x7a: {  	[tilespmem:s7+$0x840] =	vst v10;
	v9 =	vadd.s32 v9, v61;
	v62 =	vshll.u32 v14, $0x9  }
0x7b: {  	[tilespmem:s7+$0x850] =	vst v9;
	v8 =	vadd.s32 v8, v62;
	v63 =	vshll.u32 v57, $0x9  }
0x7c: {  	[tilespmem:s7+$0x860] =	vst v8;
	v8 =	vadd.s32 v59, v63  }
0x7d: {  	s14 =	rddreg [dreg:$0x7];
	s8 =	simm.s32 $0x3000;
	[tilespmem:s7+$0x870] =	vst v8  }
0x7e: {  	[tilespmem:s8], [sflag:$0x2] =	stream.indirect.gather [hbm4b:s14+s31], $0x1, s31, s31, $0xb8;
	[tilespmem:$0x1E600] =	vst v63  }
0x7f: {  	s7 =	simm.s32 $0x0;
	s8 =	simm.s32 $0x200  }
.LBB2_6:
0x80: {  	p0 =	sne.s32 s8, $0x17E00;
	[tilespmem:s7+$0x3870] =	vst v1  }
0x81: {  	[tilespmem:s7+$0x3800] =	vst v1  }
0x82: {  	[tilespmem:s7+$0x3810] =	vst v1  }
.Ltmp2:
0x83: {  	[tilespmem:s7+$0x3820] =	vst v1;
	(pc) =	sbr.rel @p0 .LBB2_6-.Ltmp2, $4  }
0x84: {  	[tilespmem:s7+$0x3830] =	vst v1  }
0x85: {  	[tilespmem:s7+$0x3840] =	vst v1  }
0x86: {  	[tilespmem:s7+$0x3850] =	vst v1  }
0x87: {  	[tilespmem:s7+$0x3860] =	vst v1;
	s7 =	sshra.s32 s8, $0x2;
	s8 =	sadd.s32 $0x200, s8  }
0x88: {  	[tilespmem:s7+$0x3870] =	vst v1  }
0x89: {  	[tilespmem:s7+$0x3800] =	vst v1  }
0x8a: {  	[tilespmem:s7+$0x3810] =	vst v1  }
0x8b: {  	[tilespmem:s7+$0x3820] =	vst v1  }
0x8c: {  	[tilespmem:s7+$0x3830] =	vst v1  }
0x8d: {  	[tilespmem:s7+$0x3840] =	vst v1  }
0x8e: {  	[tilespmem:s7+$0x3850] =	vst v1  }
0x8f: {  	[tilespmem:s7+$0x3860] =	vst v1;
	s7 =	simm.s32 $0x0;
	s8 =	simm.s32 $0x200  }
.LBB2_8:
0x90: {  	p0 =	sne.s32 s8, $0x1E00;
	[tilespmem:s7+$0x9E70] =	vst v2  }
0x91: {  	[tilespmem:s7+$0x9E00] =	vst v2  }
0x92: {  	[tilespmem:s7+$0x9E10] =	vst v2  }
.Ltmp3:
0x93: {  	[tilespmem:s7+$0x9E20] =	vst v2;
	(pc) =	sbr.rel @p0 .LBB2_8-.Ltmp3, $4  }
0x94: {  	[tilespmem:s7+$0x9E30] =	vst v2  }
0x95: {  	[tilespmem:s7+$0x9E40] =	vst v2  }
0x96: {  	[tilespmem:s7+$0x9E50] =	vst v2  }
0x97: {  	[tilespmem:s7+$0x9E60] =	vst v2;
	s7 =	sshra.s32 s8, $0x2;
	s8 =	sadd.s32 $0x200, s8  }
0x98: {  	[tilespmem:s7+$0x9E70] =	vst v2  }
0x99: {  	[tilespmem:s7+$0x9E00] =	vst v2  }
0x9a: {  	[tilespmem:s7+$0x9E10] =	vst v2  }
0x9b: {  	[tilespmem:s7+$0x9E20] =	vst v2  }
0x9c: {  	[tilespmem:s7+$0x9E30] =	vst v2  }
0x9d: {  	[tilespmem:s7+$0x9E40] =	vst v2  }
0x9e: {  	[tilespmem:s7+$0x9E50] =	vst v2  }
0x9f: {  	[tilespmem:s7+$0x9E60] =	vst v2  }
0xa0: {  	_ =	swait.ge [sflag:s3], $0x800  }
0xa1: {  	[sflag:s3] =	ssyncset.done $0x0  }
0xa2: {  	[sflag:s3] =	ssyncadd.s32 $0xFFFFF800  }
0xa3: {  	_ =	swait.ge [sflag:s3], $0x800  }
0xa4: {  	[sflag:s3] =	ssyncset.done $0x0  }
0xa5: {  	[sflag:s3] =	ssyncadd.s32 $0xFFFFF800  }
0xa6: {  	_ =	swait.ge [sflag:s3], $0x800  }
0xa7: {  	[sflag:s3] =	ssyncset.done $0x0  }
0xa8: {  	[sflag:s3] =	ssyncadd.s32 $0xFFFFF800  }
0xa9: {  	_ =	swait.ge [sflag:s3], $0x800  }
0xaa: {  	[sflag:s3] =	ssyncset.done $0x0  }
0xab: {  	[sflag:s3] =	ssyncadd.s32 $0xFFFFF800  }
0xac: {  	[bflag:$0x0] =	sbarrier.arrive $0xFFFF  }
0xad: {  	s7 =	simm.s32 $0x0;
	s10 =	simm.s32 $0x9E00;
	s8 =	rddreg [dreg:$0x5]  }
0xae: {  	[spmem:s8] =	stream.indirect.scatter.add.s32 [tilespmem:s10], [sflag:$0x3], $0x1, s7, s31, $0xb8;
	[tilespmem:$0x1E600] =	vst v63  }
0xaf: {  	_ =	swait.ge [sflag:s29], $0x800  }
0xb0: {  	[sflag:s29] =	ssyncset.done $0x0  }
0xb1: {  	[sflag:s29] =	ssyncadd.s32 $0xFFFFF800  }
0xb2: {  	[hbm4b:s21+s7] =	stream.linear.scatter [tilespmem:s7], [sflag:$0x3], $0x800, $0x38;
	[tilespmem:$0x1E600] =	vst v63  }
0xb3: {  	_ =	swait.ge [sflag:s29], $0x800  }
0xb4: {  	[sflag:s29] =	ssyncset.done $0x0  }
0xb5: {  	[sflag:s29] =	ssyncadd.s32 $0xFFFFF800  }
0xb6: {  	s8 =	simm.s32 $0x1800;
	s14 =	rddreg [dreg:$0x2]  }
0xb7: {  	[tilespmem:s8], [sflag:$0x1] =	stream.indirect.gather [spmem:s14], $0x1, s7, s31, $0xb8;
	[tilespmem:$0x1E600] =	vst v63  }
0xb8: {  	s12 =	rddreg [dreg:$0x3]  }
0xb9: {  	[tilespmem:s2], [sflag:$0x1] =	stream.indirect.gather [spmem:s12], $0x1, s7, s31, $0xb8;
	[tilespmem:$0x1E600] =	vst v63  }
0xba: {  	s14 =	rddreg [dreg:$0x4]  }
0xbb: {  	[tilespmem:s4], [sflag:$0x1] =	stream.indirect.gather [spmem:s14], $0x1, s7, s31, $0xb8;
	[tilespmem:$0x1E600] =	vst v63  }
0xbc: {  	_ =	swait.ge [sflag:s3], $0x800  }
0xbd: {  	[sflag:s3] =	ssyncset.done $0x0  }
0xbe: {  	[sflag:s3] =	ssyncadd.s32 $0xFFFFF800  }
0xbf: {  	_ =	swait.ge [sflag:s3], $0x800  }
0xc0: {  	[sflag:s3] =	ssyncset.done $0x0  }
0xc1: {  	[sflag:s3] =	ssyncadd.s32 $0xFFFFF800  }
0xc2: {  	_ =	swait.ge [sflag:s3], $0x800  }
0xc3: {  	[sflag:s3] =	ssyncset.done $0x0  }
0xc4: {  	[sflag:s3] =	ssyncadd.s32 $0xFFFFF800  }
0xc5: {  	_ =	swait.ge [sflag:s5], $0x800  }
0xc6: {  	[sflag:s5] =	ssyncset.done $0x0  }
0xc7: {  	s10 =	simm.s32 $0x3010;
	s12 =	simm.s32 $0x0;
	[sflag:s5] =	ssyncadd.s32 $0xFFFFF800  }
.LBB2_10:
0xc8: {  	v8 =	vld [tilespmem:s8+$0x0];
	_ =	sdelay $0x4  }
0xc9: {  	v9 =	vld [tilespmem:s10+$0xFFFFFFF0];
	v8 =	vmax.f32 v8, $0.0e+00  }
0xca: {  	v8 =	vmin.f32 v8, $2.550000000e+02  }
0xcb: {  	v8 =	vtrunc.f32 v8  }
0xcc: {  	v8 =	vcvt.f32.s32 v8;
	_ =	sdelay $0x1  }
0xcd: {  	v10 =	vand.u32 $0xFF, v9;
	v8 =	vadd.s32 v0, v8  }
0xce: {  	v10 =	vor.u32 v3, v10;
	_ =	sdelay $0x3  }
0xcf: {  	[tilespmem:v8+s13+$0x0] =	vst.idx.add.s32.msk $0xffff, v2  }
0xd0: {  	s14 =	sand.u32 $0x7E0, s12;
	[tilespmem:v10+s13+$0x0] =	vst.idx.add.s32.msk $0xffff, v2  }
0xd1: {  	v8 =	vld [tilespmem:s14+$0x2000];
	_ =	sdelay $0x4  }
0xd2: {  	v8 =	vmax.f32 v8, $0.0e+00  }
0xd3: {  	v8 =	vmin.f32 v8, $2.550000000e+02  }
0xd4: {  	v8 =	vtrunc.f32 v8  }
0xd5: {  	v8 =	vcvt.f32.s32 v8  }
0xd6: {  	v61 =	vshrl.u32 v9, $0x8  }
0xd7: {  	v10 =	vand.u32 $0xFF, v61;
	v8 =	vadd.s32 v4, v8  }
0xd8: {  	v10 =	vor.u32 v5, v10;
	_ =	sdelay $0x3  }
0xd9: {  	[tilespmem:v8+s13+$0x0] =	vst.idx.add.s32.msk $0xffff, v2  }
0xda: {  	[tilespmem:v10+s13+$0x0] =	vst.idx.add.s32.msk $0xffff, v2  }
0xdb: {  	v8 =	vld [tilespmem:s14+$0x2800];
	_ =	sdelay $0x4  }
0xdc: {  	v8 =	vmax.f32 v8, $0.0e+00  }
0xdd: {  	v8 =	vmin.f32 v8, $2.550000000e+02  }
0xde: {  	v8 =	vtrunc.f32 v8  }
0xdf: {  	v8 =	vcvt.f32.s32 v8  }
0xe0: {  	v9 =	vshrl.u32 v9, $0x10  }
0xe1: {  	v9 =	vand.u32 $0xFF, v9;
	v8 =	vadd.s32 v6, v8  }
0xe2: {  	v9 =	vor.u32 v7, v9;
	_ =	sdelay $0x3  }
0xe3: {  	[tilespmem:v8+s13+$0x0] =	vst.idx.add.s32.msk $0xffff, v2  }
0xe4: {  	[tilespmem:v9+s13+$0x0] =	vst.idx.add.s32.msk $0xffff, v2  }
0xe5: {  	v8 =	vld [tilespmem:s8+$0x10];
	_ =	sdelay $0x4  }
0xe6: {  	v9 =	vld [tilespmem:s10+$0x0];
	v8 =	vmax.f32 v8, $0.0e+00  }
0xe7: {  	v8 =	vmin.f32 v8, $2.550000000e+02  }
0xe8: {  	v8 =	vtrunc.f32 v8  }
0xe9: {  	v8 =	vcvt.f32.s32 v8;
	_ =	sdelay $0x1  }
0xea: {  	v62 =	vand.u32 $0xFF, v9;
	v8 =	vadd.s32 v0, v8  }
0xeb: {  	v10 =	vor.u32 v3, v62;
	_ =	sdelay $0x3  }
0xec: {  	[tilespmem:v8+s13+$0x0] =	vst.idx.add.s32.msk $0xffff, v2  }
0xed: {  	[tilespmem:v10+s13+$0x0] =	vst.idx.add.s32.msk $0xffff, v2  }
0xee: {  	v8 =	vld [tilespmem:s8+$0x810];
	_ =	sdelay $0x4  }
0xef: {  	v8 =	vmax.f32 v8, $0.0e+00  }
0xf0: {  	v8 =	vmin.f32 v8, $2.550000000e+02  }
0xf1: {  	v8 =	vtrunc.f32 v8  }
0xf2: {  	v8 =	vcvt.f32.s32 v8  }
0xf3: {  	v63 =	vshrl.u32 v9, $0x8  }
0xf4: {  	v10 =	vand.u32 $0xFF, v63;
	v8 =	vadd.s32 v4, v8  }
0xf5: {  	v10 =	vor.u32 v5, v10;
	_ =	sdelay $0x3  }
0xf6: {  	[tilespmem:v8+s13+$0x0] =	vst.idx.add.s32.msk $0xffff, v2  }
0xf7: {  	[tilespmem:v10+s13+$0x0] =	vst.idx.add.s32.msk $0xffff, v2  }
0xf8: {  	v8 =	vld [tilespmem:s8+$0x1010];
	_ =	sdelay $0x4  }
0xf9: {  	v8 =	vmax.f32 v8, $0.0e+00  }
0xfa: {  	v8 =	vmin.f32 v8, $2.550000000e+02  }
0xfb: {  	v8 =	vtrunc.f32 v8  }
0xfc: {  	v8 =	vcvt.f32.s32 v8  }
0xfd: {  	v9 =	vshrl.u32 v9, $0x10  }
0xfe: {  	v9 =	vand.u32 $0xFF, v9;
	v8 =	vadd.s32 v6, v8  }
0xff: {  	p0 =	sne.s32 s12, $0x7E0;
	v9 =	vor.u32 v7, v9  }
.Ltmp4:
0x100: {  	_ = 	snop;
	(pc) =	sbr.rel @p0 .LBB2_10-.Ltmp4, $3  }
0x101: {  	_ =	sdelay $0x1  }
0x102: {  	[tilespmem:v8+s13+$0x0] =	vst.idx.add.s32.msk $0xffff, v2  }
0x103: {  	s12 =	sadd.s32 $0x20, s12;
	s10 =	sadd.s32 $0x20, s10;
	s8 =	sadd.s32 $0x20, s8;
	[tilespmem:v9+s13+$0x0] =	vst.idx.add.s32.msk $0xffff, v2  }
0x104: {  	s7 =	sand.u32 $0x7F0, s7;
	v9 =	vld [tilespmem:s13+$0x0]  }
0x105: {  	v8 =	vld [tilespmem:s7+$0x3E00]  }
0x106: {  	v10 =	vld [tilespmem:s7+$0x4400]  }
0x107: {  	v11 =	vld [tilespmem:s7+$0x4A00]  }
0x108: {  	v12 =	vld [tilespmem:s7+$0x5000]  }
0x109: {  	v13 =	vld [tilespmem:s7+$0x5600]  }
0x10a: {  	v8 =	vadd.s32 v9, v8;
	v9 =	vld [tilespmem:s7+$0x5C00]  }
0x10b: {  	v8 =	vadd.s32 v10, v8;
	v10 =	vld [tilespmem:s7+$0x6200]  }
0x10c: {  	v8 =	vadd.s32 v11, v8;
	v11 =	vld [tilespmem:s7+$0x6800]  }
0x10d: {  	v60 =	vld [tilespmem:s7+$0x6E00];
	v8 =	vadd.s32 v12, v8  }
0x10e: {  	v61 =	vld [tilespmem:s7+$0x7400];
	v8 =	vadd.s32 v13, v8  }
0x10f: {  	v8 =	vadd.s32 v9, v8;
	v9 =	vld [tilespmem:s7+$0x7A00]  }
0x110: {  	v8 =	vadd.s32 v10, v8;
	v10 =	vld [tilespmem:s7+$0x8000]  }
0x111: {  	v8 =	vadd.s32 v11, v8;
	v11 =	vld [tilespmem:s7+$0x8600]  }
0x112: {  	v62 =	vld [tilespmem:s7+$0x8C00];
	v8 =	vadd.s32 v60, v8  }
0x113: {  	v63 =	vld [tilespmem:s7+$0x9200];
	v8 =	vadd.s32 v61, v8  }
0x114: {  	v8 =	vadd.s32 v9, v8  }
0x115: {  	v8 =	vadd.s32 v10, v8  }
0x116: {  	v8 =	vadd.s32 v11, v8  }
0x117: {  	v8 =	vadd.s32 v62, v8  }
0x118: {  	s8 =	simm.s32 $0x10;
	s7 =	simm.s32 $0x9800;
	v8 =	vadd.s32 v63, v8  }
0x119: {  	s8 =	sand.u32 $0x7F0, s8;
	[tilespmem:s7+$0x0] =	vst v8  }
0x11a: {  	s12 =	simm.s32 $0x20;
	s10 =	simm.s32 $0x3810;
	v8 =	vld [tilespmem:s8+$0x3E00]  }
.LBB2_12:
0x11b: {  	p0 =	sne.s32 s12, $0x5F0;
	v9 =	vld [tilespmem:s10+$0x0]  }
0x11c: {  	v10 =	vld [tilespmem:s8+$0x4400]  }
0x11d: {  	v11 =	vld [tilespmem:s8+$0x4A00]  }
0x11e: {  	v12 =	vld [tilespmem:s8+$0x5000]  }
0x11f: {  	v13 =	vld [tilespmem:s8+$0x5600]  }
0x120: {  	v8 =	vadd.s32 v9, v8;
	v9 =	vld [tilespmem:s8+$0x5C00]  }
0x121: {  	v8 =	vadd.s32 v10, v8;
	v10 =	vld [tilespmem:s8+$0x6200]  }
0x122: {  	v8 =	vadd.s32 v11, v8;
	v11 =	vld [tilespmem:s8+$0x6800]  }
0x123: {  	v8 =	vadd.s32 v12, v8;
	v12 =	vld [tilespmem:s8+$0x6E00]  }
0x124: {  	v8 =	vadd.s32 v13, v8;
	v13 =	vld [tilespmem:s8+$0x7400]  }
0x125: {  	v8 =	vadd.s32 v9, v8;
	v9 =	vld [tilespmem:s8+$0x7A00]  }
0x126: {  	v8 =	vadd.s32 v10, v8;
	v10 =	vld [tilespmem:s8+$0x8000]  }
0x127: {  	v8 =	vadd.s32 v11, v8;
	v11 =	vld [tilespmem:s8+$0x8600]  }
0x128: {  	v8 =	vadd.s32 v12, v8;
	v12 =	vld [tilespmem:s8+$0x8C00]  }
0x129: {  	v8 =	vadd.s32 v13, v8;
	v13 =	vld [tilespmem:s8+$0x9200]  }
0x12a: {  	v8 =	vadd.s32 v9, v8  }
0x12b: {  	v8 =	vadd.s32 v10, v8  }
.Ltmp5:
0x12c: {  	v8 =	vadd.s32 v11, v8;
	(pc) =	sbr.rel @p0 .LBB2_12-.Ltmp5, $4  }
0x12d: {  	v8 =	vadd.s32 v12, v8  }
0x12e: {  	s7 =	sadd.s32 $0x10, s7;
	v8 =	vadd.s32 v13, v8  }
0x12f: {  	s8 =	sand.u32 $0x7F0, s12;
	[tilespmem:s7+$0x0] =	vst v8  }
0x130: {  	s10 =	sadd.s32 $0x10, s10;
	s12 =	sadd.s32 $0x10, s12;
	v8 =	vld [tilespmem:s8+$0x3E00]  }
0x131: {  	v9 =	vld [tilespmem:s10+$0x0]  }
0x132: {  	v10 =	vld [tilespmem:s8+$0x4400]  }
0x133: {  	v11 =	vld [tilespmem:s8+$0x4A00]  }
0x134: {  	v12 =	vld [tilespmem:s8+$0x5000]  }
0x135: {  	v13 =	vld [tilespmem:s8+$0x5600]  }
0x136: {  	v54 =	vld [tilespmem:s8+$0x5C00];
	v8 =	vadd.s32 v9, v8  }
0x137: {  	v55 =	vld [tilespmem:s8+$0x6200];
	v8 =	vadd.s32 v10, v8  }
0x138: {  	v56 =	vld [tilespmem:s8+$0x6800];
	v8 =	vadd.s32 v11, v8  }
0x139: {  	v57 =	vld [tilespmem:s8+$0x6E00];
	v8 =	vadd.s32 v12, v8  }
0x13a: {  	v58 =	vld [tilespmem:s8+$0x7400];
	v8 =	vadd.s32 v13, v8  }
0x13b: {  	v59 =	vld [tilespmem:s8+$0x7A00];
	v8 =	vadd.s32 v54, v8  }
0x13c: {  	v60 =	vld [tilespmem:s8+$0x8000];
	v8 =	vadd.s32 v55, v8  }
0x13d: {  	v61 =	vld [tilespmem:s8+$0x8600];
	v8 =	vadd.s32 v56, v8  }
0x13e: {  	v62 =	vld [tilespmem:s8+$0x8C00];
	v8 =	vadd.s32 v57, v8  }
0x13f: {  	v63 =	vld [tilespmem:s8+$0x9200];
	v8 =	vadd.s32 v58, v8  }
0x140: {  	v8 =	vadd.s32 v59, v8  }
0x141: {  	v8 =	vadd.s32 v60, v8  }
0x142: {  	v8 =	vadd.s32 v61, v8  }
0x143: {  	v8 =	vadd.s32 v62, v8  }
0x144: {  	s7 =	sadd.s32 $0x10, s7;
	v8 =	vadd.s32 v63, v8  }
0x145: {  	s10 =	simm.s32 $0x9800;
	[tilespmem:s7+$0x0] =	vst v8  }
0x146: {  	[hbm4b:s22+s6] =	stream.linear.scatter [tilespmem:s10], [sflag:$0x1], $0x600, $0x38;
	[tilespmem:$0x1E600] =	vst v63  }
0x147: {  	s12 =	rddreg [dreg:$0xc];
	s14 =	simm.s32 $0x1800  }
0x148: {  	[hbm4b:s12+s6] =	stream.linear.scatter [tilespmem:s14], [sflag:$0x1], $0x800, $0x38;
	[tilespmem:$0x1E600] =	vst v63  }
0x149: {  	_ = 	snop  }
0x14a: {  	[hbm4b:s15+s6] =	stream.linear.scatter [tilespmem:s2], [sflag:$0x1], $0x800, $0x38;
	[tilespmem:$0x1E600] =	vst v63  }
0x14b: {  	_ = 	snop  }
0x14c: {  	[hbm4b:s16+s6] =	stream.linear.scatter [tilespmem:s4], [sflag:$0x1], $0x800, $0x38;
	[tilespmem:$0x1E600] =	vst v63  }
0x14d: {  	_ =	swait.ge [sflag:s3], $0x600  }
0x14e: {  	[sflag:s3] =	ssyncset.done $0x0  }
0x14f: {  	[sflag:s3] =	ssyncadd.s32 $0xFFFFFA00  }
0x150: {  	_ =	swait.ge [sflag:s3], $0x800  }
0x151: {  	[sflag:s3] =	ssyncset.done $0x0  }
0x152: {  	[sflag:s3] =	ssyncadd.s32 $0xFFFFF800  }
0x153: {  	_ =	swait.ge [sflag:s3], $0x800  }
0x154: {  	[sflag:s3] =	ssyncset.done $0x0  }
0x155: {  	[sflag:s3] =	ssyncadd.s32 $0xFFFFF800  }
0x156: {  	_ =	swait.ge [sflag:s3], $0x800  }
0x157: {  	[sflag:s3] =	ssyncset.done $0x0  }
0x158: {  	[sflag:s3] =	ssyncadd.s32 $0xFFFFF800  }
0x159: {  	[bflag:$0x0] =	sbarrier.arrive $0xFFFF  }
0x15a: {  	[tilespmem:s0], [sflag:$0x3] =	stream.linear.gather [spmem:s17], $0x4000, $0x38;
	[tilespmem:$0x1E600] =	vst v63  }
0x15b: {  	s1 =	sadd.s32 $0x1, s1;
	_ =	swait.ge [sflag:s29], $0x4000  }
0x15c: {  	p0 =	sne.s32 s1, s23;
	[sflag:s29] =	ssyncset.done $0x0  }
.Ltmp6:
0x15d: {  	[sflag:s29] =	ssyncadd.s32 $0xFFFFC000;
	(pc) =	sbr.rel @p0 .LBB2_1-.Ltmp6, $4  }
0x15e: {  	[hbm4b:s18+s6] =	stream.linear.scatter [tilespmem:s0], [sflag:$0x3], $0x4000, $0x38;
	[tilespmem:$0x1E600] =	vst v63  }
0x15f: {  	_ =	swait.ge [sflag:s29], $0x4000  }
0x160: {  	[sflag:s29] =	ssyncset.done $0x0  }
0x161: {  	[sflag:s29] =	ssyncadd.s32 $0xFFFFC000  }
0x162: {  	_ =	sfence.sel $0x180000  }
0x163: {  	[bflag:$0x0] =	sbarrier.arrive $0xFFFF  }
0x164: {  	_ =	strace $0x90000047  }
0x165: {  	s0 =	stileid.u32;
	[bflag:$0x2] =	sbarrier.arrive $0xFFFF  }
0x166: {  	p0 =	sne.s32 s0, $0x0;
	s0 =	rddreg [dreg:$0x6]  }
0x167: {  	s0 =	sadd.s32 @!p0 $0x100000, s0  }
0x168: {  	[sflag:s0] =	ssyncadd.tile.s32 @!p0 $0x1;
	_ =	shalt  }
.Lfunc_end2:
_tile_overlayer_lowered:
.L_overlay_start_2:
0x169: {  	(tag) =	ssettag $0x2  }
0x16a: {  	s0 =	rddreg [dreg:$0x0];
	s2 =	stileid.u32  }
0x16b: {  	s1 =	rddreg [dreg:$0x1];
	p0 =	sne.s32 s2, $0x0  }
0x16c: {  	s3 =	rddreg [dreg:$0x2];
	[bflag:$0x3] =	sbarrier.arrive $0xFFFF;
	s2 =	simm.s32 @!p0 $0x1C03  }
0x16d: {  	[timem:s3], [sflag:s2] =	dma.local @!p0 [hbm:s0], s1  }
0x16e: {  	s0 =	simm.s32 @!p0 $0x3  }
0x16f: {  	_ =	swait.ge @!p0 [sflag:s0], s1  }
0x170: {  	s1 =	ssub.s32 @!p0 $0x0, s1;
	[sflag:s0] =	ssyncset.done @!p0 $0x0  }
0x171: {  	[sflag:s0] =	ssyncadd.s32 @!p0 s1  }
0x172: {  	[bflag:$0x3] =	sbarrier.arrive $0xFFFF  }
0x173: {  	_ =	shalt  }

</sc_bundles>
